<compile_context>
chip_gen: v7x
topology: tpu7x:2x2x1
jax: 0.10.2.dev20260603
libtpu: 0.0.44.dev20260713+nightly
codegen_flags: <defaults>
</compile_context>

<pallas_src>
import jax
import jax.numpy as jnp
from jax import lax
from jax.experimental import pallas as pl
from jax.experimental.pallas import tpu as pltpu
from jax.experimental.pallas import tpu_sc as plsc

B = 4
C = 8000
NV = C // 16
NBIN = 1024
NSPAN = 1000
THR = 0.5
KEY_BIAS = 0x7FFFFFFF


def _nms_body(sc_hbm, st_hbm, en_hbm,
              ks_hbm, kp_hbm, ss_hbm, es_hbm, lb_hbm, shx_hbm,
              sc_v, scs_v, key_a, idx_a, key_b, idx_b,
              st_in, en_in, ss_v, es_v, lb_v, ks_v, kp_v, stage,
              hist, pos, cov, prefE, pref2, nsm, sem):
  cax = lax.axis_index("c")
  sax = lax.axis_index("s")
  lane = lax.iota(jnp.int32, 16)
  active = sax < 4
  b = cax * 2 + lax.div(sax, 2)
  role = lax.rem(sax, 2)
  slotb = lax.div(sax, 2)

  @pl.when(active)
  def _():
    pltpu.sync_copy(sc_hbm.at[b], sc_v)
    pltpu.sync_copy(st_hbm.at[b], st_in)
    pltpu.sync_copy(en_hbm.at[b], en_in)

    take1 = role == 1

    def part_i(i, cur):
      s = sc_v[pl.ds(i * 16, 16)]
      m = jnp.logical_xor(s > THR, take1)
      k = KEY_BIAS - lax.bitcast_convert_type(s, jnp.int32)
      plsc.store_compressed(key_a.at[pl.ds(cur, 16)], k, mask=m)
      plsc.store_compressed(idx_a.at[pl.ds(cur, 16)], lane + i * 16, mask=m)
      return cur + plsc.all_reduce_population_count(m)[0]
    nloc = lax.fori_loop(0, NV, part_i, jnp.int32(0))
    n0 = jnp.where(role == 0, nloc, C - nloc)
    base2 = jnp.where(role == 0, 0, n0)
    nv = lax.div(nloc + 15, 16)
    nsm[0] = nloc

    for p, (sk, si, dk, di) in enumerate(
        [(key_a, idx_a, key_b, idx_b),
         (key_b, idx_b, key_a, idx_a),
         (key_a, idx_a, key_b, idx_b)]):
      shift = 10 * p

      @plsc.parallel_loop(0, NBIN, 16, unroll=4)
      def zero_h(j):
        hist[pl.ds(j, 16)] = jnp.zeros((16,), jnp.int32)

      def hist_i(i, _, sk=sk, shift=shift):
        k = sk[pl.ds(i * 16, 16)]
        m = (i * 16 + lane) < nloc
        d = lax.shift_right_logical(k, shift) & (NBIN - 1)
        cnt, last = plsc.scan_count(d, mask=m)
        plsc.addupdate_scatter(hist, [d], cnt, mask=last)
        return 0
      lax.fori_loop(0, nv, hist_i, 0)

      def scan_h(j, carry):
        h = hist[pl.ds(j * 16, 16)]
        c = plsc.cumsum(h)
        pos[pl.ds(j * 16, 16)] = c - h + carry
        return carry + jnp.max(c)
      lax.fori_loop(0, NBIN // 16, scan_h, jnp.int32(0))

      def perm_i(i, _, p=p, shift=shift, sk=sk, si=si, dk=dk, di=di):
        k = sk[pl.ds(i * 16, 16)]
        ii = si[pl.ds(i * 16, 16)]
        m = (i * 16 + lane) < nloc
        d = lax.shift_right_logical(k, shift) & (NBIN - 1)
        cnt, last = plsc.scan_count(d, mask=m)
        base = plsc.load_gather(pos, [d])
        tgt = base + cnt - 1
        if p == 2:
          tgt = tgt + base2
        else:
          plsc.store_scatter(dk, [tgt], k, mask=m)
        plsc.store_scatter(di, [tgt], ii, mask=m)
        plsc.addupdate_scatter(pos, [d], cnt, mask=last)
        return 0
      lax.fori_loop(0, nv, perm_i, 0)

    lo_v = lax.div(base2, 16)
    hi_v = lax.div(base2 + nloc + 15, 16)

    def post_i(v, _):
      i = v * 16
      ii = jnp.clip(idx_b[pl.ds(i, 16)], 0, C - 1)
      sidx = lax.shift_right_logical(ii, 3)
      ss_v[pl.ds(i, 16)] = plsc.load_gather(st_in, [sidx])
      es_v[pl.ds(i, 16)] = plsc.load_gather(en_in, [sidx])
      lb_v[pl.ds(i, 16)] = ii & 7
      scs_v[pl.ds(i, 16)] = plsc.load_gather(sc_v, [ii])
      return 0
    lax.fori_loop(lo_v, hi_v, post_i, 0)

    @pl.when(role == 0)
    def _():
      @plsc.parallel_loop(0, C, 16, unroll=4)
      def zero_out(i):
        ks_v[pl.ds(i, 16)] = jnp.zeros((16,), jnp.float32)
        kp_v[pl.ds(i, 16)] = jnp.zeros((16,), jnp.int32)

      @plsc.parallel_loop(0, 512, 16, unroll=4)
      def zero_cp(j):
        cov[pl.ds(j, 16)] = jnp.zeros((16,), jnp.int32)
        prefE[pl.ds(j, 16)] = jnp.zeros((16,), jnp.int32)
        pref2[pl.ds(j, 16)] = jnp.zeros((16,), jnp.int32)

    @pl.when(role == 1)
    def _():
      pltpu.sync_copy(ss_v, shx_hbm.at[b * 3])
      pltpu.sync_copy(es_v, shx_hbm.at[b * 3 + 1])
      pltpu.sync_copy(lb_v, shx_hbm.at[b * 3 + 2])

  plsc.subcore_barrier()

  @pl.when(jnp.logical_and(active, role == 0))
  def _():
    count = nsm[0]

    for a, dstv in enumerate([ss_v, es_v, lb_v]):
      pltpu.sync_copy(shx_hbm.at[b * 3 + a], stage)

      def mrg(v, _, dstv=dstv):
        i = v * 16
        m = (i + lane) >= count
        dstv[pl.ds(i, 16)] = jnp.where(m, stage[pl.ds(i, 16)],
                                       dstv[pl.ds(i, 16)])
        return 0
      lax.fori_loop(lax.div(count, 16), NV, mrg, 0)

    ngroups = lax.div(count + 15, 16)

    def g_body(g, _):
      off = g * 16
      valid = (off + lane) < count
      st = ss_v[pl.ds(off, 16)]
      en = es_v[pl.ds(off, 16)]

      def i_cond(ic):
        return ic[1]

      def i_body(ic):
        prev_k, _ = ic
        pfs = plsc.load_gather(pref2, [st])
        pfe = plsc.load_gather(prefE, [en])
        conf = (pfe - pfs) > 0
        cand = jnp.logical_and(
            jnp.logical_and(valid, jnp.logical_not(conf)), lane > prev_k)
        kidx = plsc.all_reduce_ffs(cand)[0]
        has = jnp.logical_and(kidx >= 0, kidx < 16)

        @pl.when(has)
        def _():
          onehot = lane == kidx
          s_k = jnp.max(jnp.where(onehot, st, jnp.int32(-1)))
          e_k = jnp.max(jnp.where(onehot, en, jnp.int32(-1)))

          def upd(j, carry):
            gpos = lane + j * 16
            cvj = cov[pl.ds(j * 16, 16)]
            m = jnp.logical_and(gpos >= s_k, gpos <= e_k)
            cvj = jnp.where(m, jnp.int32(1), cvj)
            cov[pl.ds(j * 16, 16)] = cvj
            cs = plsc.cumsum(cvj)
            prefE[pl.ds(j * 16, 16)] = cs + carry
            pref2[pl.ds(j * 16, 16)] = cs - cvj + carry
            return carry + jnp.max(cs)
          lax.fori_loop(0, 32, upd, jnp.int32(0))

          kv = kp_v[pl.ds(off, 16)] | jnp.where(onehot, jnp.int32(1),
                                                jnp.int32(0))
          kp_v[pl.ds(off, 16)] = kv
          scv = scs_v[pl.ds(off, 16)]
          ks_v[pl.ds(off, 16)] = scv * kv.astype(jnp.float32)

        prev2 = jnp.where(has, kidx, prev_k)
        return (prev2, has)

      lax.while_loop(i_cond, i_body, (jnp.int32(-1), True))
      return 0

    lax.fori_loop(0, ngroups, g_body, 0)

    d1 = pltpu.async_copy(ks_v, ks_hbm.at[b], sem)
    d2 = pltpu.async_copy(kp_v, kp_hbm.at[b], sem)
    d3 = pltpu.async_copy(ss_v, ss_hbm.at[b], sem)
    d4 = pltpu.async_copy(es_v, es_hbm.at[b], sem)
    d5 = pltpu.async_copy(lb_v, lb_hbm.at[b], sem)
    d1.wait()
    d2.wait()
    d3.wait()
    d4.wait()
    d5.wait()


def kernel(probs_batch, span_indices_batch):
  sc = probs_batch.reshape(B, C)
  st = span_indices_batch[..., 0]
  en = span_indices_batch[..., 1]

  mesh = plsc.VectorSubcoreMesh(core_axis_name="c", subcore_axis_name="s")
  out_type = (
      jax.ShapeDtypeStruct((B, C), jnp.float32),
      jax.ShapeDtypeStruct((B, C), jnp.int32),
      jax.ShapeDtypeStruct((B, C), jnp.int32),
      jax.ShapeDtypeStruct((B, C), jnp.int32),
      jax.ShapeDtypeStruct((B, C), jnp.int32),
      jax.ShapeDtypeStruct((B * 3, C), jnp.int32),
  )
  scratch = [
      pltpu.VMEM((C,), jnp.float32),
      pltpu.VMEM((C,), jnp.float32),
      pltpu.VMEM((C + 16,), jnp.int32),
      pltpu.VMEM((C + 16,), jnp.int32),
      pltpu.VMEM((C,), jnp.int32),
      pltpu.VMEM((C,), jnp.int32),
      pltpu.VMEM((NSPAN,), jnp.int32),
      pltpu.VMEM((NSPAN,), jnp.int32),
      pltpu.VMEM((C,), jnp.int32),
      pltpu.VMEM((C,), jnp.int32),
      pltpu.VMEM((C,), jnp.int32),
      pltpu.VMEM((C,), jnp.float32),
      pltpu.VMEM((C,), jnp.int32),
      pltpu.VMEM((C,), jnp.int32),
      pltpu.VMEM((NBIN,), jnp.int32),
      pltpu.VMEM((NBIN,), jnp.int32),
      pltpu.VMEM((512,), jnp.int32),
      pltpu.VMEM((512,), jnp.int32),
      pltpu.VMEM((512,), jnp.int32),
      pltpu.SMEM((8,), jnp.int32),
      pltpu.SemaphoreType.DMA,
  ]
  f = pl.kernel(_nms_body, out_type=out_type, mesh=mesh,
                scratch_types=scratch,
                compiler_params=pltpu.CompilerParams(
                    needs_layout_passes=False))
  ks, kp, ss, es, lb, _shx = f(sc, st, en)
  keep = kp.astype(bool)
  sp = jnp.stack([ss, es], axis=-1)
  return ks, keep, sp, lb

# --- scband reference (transcript-rebuilt; emitter-appended) ---
"""Pipeline reference for scband-decoder-20624432956209 (READ-ONLY COPY).

The authoritative reference and input builder live on the scoring server;
editing this copy changes nothing except your own understanding.
"""

import jax, jax.numpy as jnp
import numpy as np

ENTITY_TYPES = ["PER", "ORG", "LOC", "MISC", "DATE", "TIME", "MONEY", "PCT"]
THRESHOLD = 0.5
MODE = 'flat'
B, N_SPAN, N_ENT = 4, 1000, 8
SEQ_MAX = 512


def setup_inputs(seed: int = 0) -> dict:
    key = jax.random.key(seed)
    k1, k2 = jax.random.split(key)
    probs = jax.random.uniform(k1, (B, N_SPAN, N_ENT), dtype=jnp.float32)
    spans = jax.random.randint(k2, (B, N_SPAN, 2), 0, SEQ_MAX, dtype=jnp.int32)
    # ensure start <= end for each span
    spans = jnp.sort(spans, axis=-1)
    return {"probs_batch": probs, "span_indices_batch": spans}


def _decode_one(probs, spans):
    # probs: [n_span, n_ent], spans: [n_span, 2]
    n_span, n_ent = probs.shape
    # enumerate all (span, entity) candidates, exactly like the nested python loops
    scores = probs.reshape(-1)                       # [C]
    span_rep = jnp.repeat(spans, n_ent, axis=0)      # [C, 2]
    labels = jnp.tile(jnp.arange(n_ent, dtype=jnp.int32), n_span)  # [C]
    # candidates.sort(key=score, reverse=True)
    order = jnp.argsort(-scores)
    sc = scores[order]
    sp = span_rep[order]
    lb = labels[order]
    starts = sp[:, 0]
    ends = sp[:, 1]
    valid = sc > THRESHOLD                           # score > self.threshold
    C = sc.shape[0]

    def body(i, keep):
        si = starts[i]
        ei = ends[i]
        # overlapping(c_span, p_span) = not (e1 < s2 or e2 < s1)
        ov = jnp.logical_not((ends < si) | (ei < starts))
        if MODE == 'nested':
            nested = ((si <= starts) & (ends <= ei)) | ((starts <= si) & (ei <= ends))
            ov = ov & jnp.logical_not(nested)
        conflict = jnp.any(ov & keep)
        return keep.at[i].set(valid[i] & jnp.logical_not(conflict))

    keep = jax.lax.fori_loop(0, C, body, jnp.zeros((C,), dtype=bool))
    keep = jax.lax.stop_gradient(keep)
    kept_scores = sc * keep.astype(sc.dtype)
    return kept_scores, keep, sp, lb


def reference(probs_batch, span_indices_batch):
    kept_scores, keep, sp, lb = jax.vmap(_decode_one)(probs_batch, span_indices_batch)
    # kept_scores: [B, n_span*n_ent] score of each selected candidate (0 if suppressed)
    # keep: selection mask; sp: spans sorted by score; lb: entity-type index per candidate
    return kept_scores, keep, sp, lb

if __name__ == "__main__":
    import jax
    _d = setup_inputs()
    print(jax.jit(kernel)(*tuple(_d.values())))

</pallas_src>

<mosaic_0001>
#map = affine_map<(d0, d1) -> (0, 0)>
module attributes {stable_mosaic.version = 14 : i64} {
  func.func @_nms_body(%arg0: i32, %arg1: i32, %arg2: memref<4x8000xf32, #tpu.memory_space<hbm>>, %arg3: memref<4x1000xi32, #tpu.memory_space<hbm>>, %arg4: memref<4x1000xi32, #tpu.memory_space<hbm>>, %arg5: memref<4x8000xf32, #tpu.memory_space<hbm>>, %arg6: memref<4x8000xi32, #tpu.memory_space<hbm>>, %arg7: memref<4x8000xi32, #tpu.memory_space<hbm>>, %arg8: memref<4x8000xi32, #tpu.memory_space<hbm>>, %arg9: memref<4x8000xi32, #tpu.memory_space<hbm>>, %arg10: memref<12x8000xi32, #tpu.memory_space<hbm>>, %arg11: memref<8000xf32, #tpu.memory_space<vmem>>, %arg12: memref<8000xf32, #tpu.memory_space<vmem>>, %arg13: memref<8016xi32, #tpu.memory_space<vmem>>, %arg14: memref<8016xi32, #tpu.memory_space<vmem>>, %arg15: memref<8000xi32, #tpu.memory_space<vmem>>, %arg16: memref<8000xi32, #tpu.memory_space<vmem>>, %arg17: memref<1000xi32, #tpu.memory_space<vmem>>, %arg18: memref<1000xi32, #tpu.memory_space<vmem>>, %arg19: memref<8000xi32, #tpu.memory_space<vmem>>, %arg20: memref<8000xi32, #tpu.memory_space<vmem>>, %arg21: memref<8000xi32, #tpu.memory_space<vmem>>, %arg22: memref<8000xf32, #tpu.memory_space<vmem>>, %arg23: memref<8000xi32, #tpu.memory_space<vmem>>, %arg24: memref<8000xi32, #tpu.memory_space<vmem>>, %arg25: memref<1024xi32, #tpu.memory_space<vmem>>, %arg26: memref<1024xi32, #tpu.memory_space<vmem>>, %arg27: memref<512xi32, #tpu.memory_space<vmem>>, %arg28: memref<512xi32, #tpu.memory_space<vmem>>, %arg29: memref<512xi32, #tpu.memory_space<vmem>>, %arg30: memref<8xi32, #tpu.memory_space<smem>>, %arg31: memref<!tpu.dma_semaphore, #tpu.memory_space<semaphore_mem>>) attributes {dimension_semantics = [#tpu.dimension_semantics<core_parallel>, #tpu.dimension_semantics<subcore_parallel>], iteration_bounds = array<i64: 2, 16>, scalar_prefetch = 0 : i64, scratch_operands = 21 : i64, tpu.core_type = #tpu.core_type<sc_vector_subcore>, window_params = [{transform_indices = #map}, {transform_indices = #map}, {transform_indices = #map}, {transform_indices = #map}, {transform_indices = #map}, {transform_indices = #map}, {transform_indices = #map}, {transform_indices = #map}, {transform_indices = #map}]} {
    %iota3A = tpu.iota {dimensions = array<i32: 0>} : vector<16xi32>
    %lt3A = arith.constant 4 : i32
    %lt3A_0 = arith.cmpi slt, %arg1, %lt3A : i32
    %mul3A = arith.constant 2 : i32
    %mul3A_1 = arith.muli %arg0, %mul3A : i32
    %div3A = arith.constant 2 : i32
    %div3A_2 = arith.divsi %arg1, %div3A : i32
    %add3A = arith.addi %mul3A_1, %div3A_2 : i32
    %rem3A = arith.constant 2 : i32
    %rem3A_3 = arith.remsi %arg1, %rem3A : i32
    %div3A_4 = arith.constant 2 : i32
    %div3A_5 = arith.divsi %arg1, %div3A_4 : i32
    %convert_element_type3A = arith.extui %lt3A_0 : i1 to i32
    %cond3A = arith.constant 0 : i32
    %cond3A_6 = arith.cmpi ne, %convert_element_type3A, %cond3A : i32
    scf.if %cond3A_6 {
      "tpu.region"() ({
        %run_scoped3A = tpu.sem_alloc : memref<!tpu.dma_semaphore, #tpu.memory_space<semaphore_mem>>
        %dma_start3A = arith.constant 0 : i32
        %dma_start3A_159 = tpu.memref_slice %arg2[%add3A, %dma_start3A] : memref<4x8000xf32, #tpu.memory_space<hbm>> -> memref<1x8000xf32, #tpu.memory_space<hbm>>
        %dma_start3A_160 = tpu.memref_squeeze %dma_start3A_159 : memref<1x8000xf32, #tpu.memory_space<hbm>> -> memref<8000xf32, #tpu.memory_space<hbm>>
        %dma_start3A_161 = arith.constant 0 : i32
        %dma_start3A_162 = tpu.memref_slice %arg2[%add3A, %dma_start3A_161] : memref<4x8000xf32, #tpu.memory_space<hbm>> -> memref<1x8000xf32, #tpu.memory_space<hbm>>
        %dma_start3A_163 = tpu.memref_squeeze %dma_start3A_162 : memref<1x8000xf32, #tpu.memory_space<hbm>> -> memref<8000xf32, #tpu.memory_space<hbm>>
        tpu.enqueue_dma source(%dma_start3A_163 : memref<8000xf32, #tpu.memory_space<hbm>>) target(%arg11 : memref<8000xf32, #tpu.memory_space<vmem>>) target_semaphore(%run_scoped3A : memref<!tpu.dma_semaphore, #tpu.memory_space<semaphore_mem>>)
        %dma_wait3A = arith.constant 0 : i32
        %dma_wait3A_164 = tpu.memref_slice %arg2[%add3A, %dma_wait3A] : memref<4x8000xf32, #tpu.memory_space<hbm>> -> memref<1x8000xf32, #tpu.memory_space<hbm>>
        %dma_wait3A_165 = tpu.memref_squeeze %dma_wait3A_164 : memref<1x8000xf32, #tpu.memory_space<hbm>> -> memref<8000xf32, #tpu.memory_space<hbm>>
        %dma_wait3A_166 = arith.constant 0 : i32
        %dma_wait3A_167 = tpu.memref_slice %arg2[%add3A, %dma_wait3A_166] : memref<4x8000xf32, #tpu.memory_space<hbm>> -> memref<1x8000xf32, #tpu.memory_space<hbm>>
        %dma_wait3A_168 = tpu.memref_squeeze %dma_wait3A_167 : memref<1x8000xf32, #tpu.memory_space<hbm>> -> memref<8000xf32, #tpu.memory_space<hbm>>
        tpu.wait_dma2 semaphore(%run_scoped3A : memref<!tpu.dma_semaphore, #tpu.memory_space<semaphore_mem>>) src(%dma_wait3A_168 : memref<8000xf32, #tpu.memory_space<hbm>>) dst(%arg11 : memref<8000xf32, #tpu.memory_space<vmem>>)
        tpu.yield
      }) : () -> ()
      "tpu.region"() ({
        %run_scoped3A = tpu.sem_alloc : memref<!tpu.dma_semaphore, #tpu.memory_space<semaphore_mem>>
        %dma_start3A = arith.constant 0 : i32
        %dma_start3A_159 = tpu.memref_slice %arg3[%add3A, %dma_start3A] : memref<4x1000xi32, #tpu.memory_space<hbm>> -> memref<1x1000xi32, #tpu.memory_space<hbm>>
        %dma_start3A_160 = tpu.memref_squeeze %dma_start3A_159 : memref<1x1000xi32, #tpu.memory_space<hbm>> -> memref<1000xi32, #tpu.memory_space<hbm>>
        %dma_start3A_161 = arith.constant 0 : i32
        %dma_start3A_162 = tpu.memref_slice %arg3[%add3A, %dma_start3A_161] : memref<4x1000xi32, #tpu.memory_space<hbm>> -> memref<1x1000xi32, #tpu.memory_space<hbm>>
        %dma_start3A_163 = tpu.memref_squeeze %dma_start3A_162 : memref<1x1000xi32, #tpu.memory_space<hbm>> -> memref<1000xi32, #tpu.memory_space<hbm>>
        tpu.enqueue_dma source(%dma_start3A_163 : memref<1000xi32, #tpu.memory_space<hbm>>) target(%arg17 : memref<1000xi32, #tpu.memory_space<vmem>>) target_semaphore(%run_scoped3A : memref<!tpu.dma_semaphore, #tpu.memory_space<semaphore_mem>>)
        %dma_wait3A = arith.constant 0 : i32
        %dma_wait3A_164 = tpu.memref_slice %arg3[%add3A, %dma_wait3A] : memref<4x1000xi32, #tpu.memory_space<hbm>> -> memref<1x1000xi32, #tpu.memory_space<hbm>>
        %dma_wait3A_165 = tpu.memref_squeeze %dma_wait3A_164 : memref<1x1000xi32, #tpu.memory_space<hbm>> -> memref<1000xi32, #tpu.memory_space<hbm>>
        %dma_wait3A_166 = arith.constant 0 : i32
        %dma_wait3A_167 = tpu.memref_slice %arg3[%add3A, %dma_wait3A_166] : memref<4x1000xi32, #tpu.memory_space<hbm>> -> memref<1x1000xi32, #tpu.memory_space<hbm>>
        %dma_wait3A_168 = tpu.memref_squeeze %dma_wait3A_167 : memref<1x1000xi32, #tpu.memory_space<hbm>> -> memref<1000xi32, #tpu.memory_space<hbm>>
        tpu.wait_dma2 semaphore(%run_scoped3A : memref<!tpu.dma_semaphore, #tpu.memory_space<semaphore_mem>>) src(%dma_wait3A_168 : memref<1000xi32, #tpu.memory_space<hbm>>) dst(%arg17 : memref<1000xi32, #tpu.memory_space<vmem>>)
        tpu.yield
      }) : () -> ()
      "tpu.region"() ({
        %run_scoped3A = tpu.sem_alloc : memref<!tpu.dma_semaphore, #tpu.memory_space<semaphore_mem>>
        %dma_start3A = arith.constant 0 : i32
        %dma_start3A_159 = tpu.memref_slice %arg4[%add3A, %dma_start3A] : memref<4x1000xi32, #tpu.memory_space<hbm>> -> memref<1x1000xi32, #tpu.memory_space<hbm>>
        %dma_start3A_160 = tpu.memref_squeeze %dma_start3A_159 : memref<1x1000xi32, #tpu.memory_space<hbm>> -> memref<1000xi32, #tpu.memory_space<hbm>>
        %dma_start3A_161 = arith.constant 0 : i32
        %dma_start3A_162 = tpu.memref_slice %arg4[%add3A, %dma_start3A_161] : memref<4x1000xi32, #tpu.memory_space<hbm>> -> memref<1x1000xi32, #tpu.memory_space<hbm>>
        %dma_start3A_163 = tpu.memref_squeeze %dma_start3A_162 : memref<1x1000xi32, #tpu.memory_space<hbm>> -> memref<1000xi32, #tpu.memory_space<hbm>>
        tpu.enqueue_dma source(%dma_start3A_163 : memref<1000xi32, #tpu.memory_space<hbm>>) target(%arg18 : memref<1000xi32, #tpu.memory_space<vmem>>) target_semaphore(%run_scoped3A : memref<!tpu.dma_semaphore, #tpu.memory_space<semaphore_mem>>)
        %dma_wait3A = arith.constant 0 : i32
        %dma_wait3A_164 = tpu.memref_slice %arg4[%add3A, %dma_wait3A] : memref<4x1000xi32, #tpu.memory_space<hbm>> -> memref<1x1000xi32, #tpu.memory_space<hbm>>
        %dma_wait3A_165 = tpu.memref_squeeze %dma_wait3A_164 : memref<1x1000xi32, #tpu.memory_space<hbm>> -> memref<1000xi32, #tpu.memory_space<hbm>>
        %dma_wait3A_166 = arith.constant 0 : i32
        %dma_wait3A_167 = tpu.memref_slice %arg4[%add3A, %dma_wait3A_166] : memref<4x1000xi32, #tpu.memory_space<hbm>> -> memref<1x1000xi32, #tpu.memory_space<hbm>>
        %dma_wait3A_168 = tpu.memref_squeeze %dma_wait3A_167 : memref<1x1000xi32, #tpu.memory_space<hbm>> -> memref<1000xi32, #tpu.memory_space<hbm>>
        tpu.wait_dma2 semaphore(%run_scoped3A : memref<!tpu.dma_semaphore, #tpu.memory_space<semaphore_mem>>) src(%dma_wait3A_168 : memref<1000xi32, #tpu.memory_space<hbm>>) dst(%arg18 : memref<1000xi32, #tpu.memory_space<vmem>>)
        tpu.yield
      }) : () -> ()
      %eq3A_11 = arith.constant 1 : i32
      %eq3A_12 = arith.cmpi eq, %rem3A_3, %eq3A_11 : i32
      %scan3A = arith.constant 0 : i32
      %scan3A_13 = arith.constant 0 : i32
      %scan3A_14 = arith.constant 500 : i32
      %scan3A_15 = arith.addi %scan3A_13, %scan3A_14 : i32
      %scan3A_16 = arith.constant 1 : i32
      %scan3A_17 = scf.for %scan3A_159 = %scan3A_13 to %scan3A_15 step %scan3A_16 iter_args(%scan3A_160 = %scan3A) -> (i32)  : i32 {
        %mul3A_161 = arith.constant 16 : i32
        %mul3A_162 = arith.muli %scan3A_159, %mul3A_161 : i32
        %get3A = arith.index_cast %mul3A_162 : i32 to index
        %get3A_163 = tpu.vector_load %arg11[%get3A] {strides = array<i32>} : memref<8000xf32, #tpu.memory_space<vmem>>, vector<16xf32>,
        %gt3A = arith.constant 5.000000e-01 : f32
        %gt3A_164 = vector.broadcast %gt3A : f32 to vector<16xf32>
        %gt3A_165 = arith.cmpf ogt, %get3A_163, %gt3A_164 : vector<16xf32>
        %xor3A = vector.broadcast %eq3A_12 : i1 to vector<16xi1>
        %xor3A_166 = arith.xori %gt3A_165, %xor3A : vector<16xi1>
        %bitcast_convert_type3A = tpu.bitcast %get3A_163 : vector<16xf32> -> vector<16xi32>
        %sub3A_167 = arith.constant 2147483647 : i32
        %sub3A_168 = vector.broadcast %sub3A_167 : i32 to vector<16xi32>
        %sub3A_169 = arith.subi %sub3A_168, %bitcast_convert_type3A : vector<16xi32>
        %swap3A_170 = arith.index_cast %scan3A_160 : i32 to index
        %swap3A_171 = tpu.vector_load %arg13[%swap3A_170] masked %xor3A_166 {strides = array<i32>} : memref<8016xi32, #tpu.memory_space<vmem>>, vector<16xi32>, vector<16xi1>
        tpu.vector_store %arg13[%swap3A_170], %sub3A_169 masked %xor3A_166 {strides = array<i32>} : memref<8016xi32, #tpu.memory_space<vmem>>, vector<16xi32>, vector<16xi1>
        %mul3A_172 = arith.constant 16 : i32
        %mul3A_173 = arith.muli %scan3A_159, %mul3A_172 : i32
        %add3A_174 = vector.broadcast %mul3A_173 : i32 to vector<16xi32>
        %add3A_175 = arith.addi %iota3A, %add3A_174 : vector<16xi32>
        %swap3A_176 = arith.index_cast %scan3A_160 : i32 to index
        %swap3A_177 = tpu.vector_load %arg14[%swap3A_176] masked %xor3A_166 {strides = array<i32>} : memref<8016xi32, #tpu.memory_space<vmem>>, vector<16xi32>, vector<16xi1>
        tpu.vector_store %arg14[%swap3A_176], %add3A_175 masked %xor3A_166 {strides = array<i32>} : memref<8016xi32, #tpu.memory_space<vmem>>, vector<16xi32>, vector<16xi1>
        %all_reduce_population_count3A = tpu.all_reduce %xor3A_166 {dim = 0 : i64, kind = #tpu.reduction_kind<sum>} : vector<16xi1> -> vector<16xi32>
        %slice3A = vector.extract_strided_slice %all_reduce_population_count3A {offsets = [0], sizes = [1], strides = [1]} : vector<16xi32> to vector<1xi32>
        %squeeze3A = vector.extract %slice3A[0] : i32 from vector<1xi32>
        %add3A_178 = arith.addi %scan3A_160, %squeeze3A : i32
        scf.yield %add3A_178 : i32
      }
      %scan3A_18 = arith.constant 500 : i32
      %eq3A_19 = arith.constant 0 : i32
      %eq3A_20 = arith.cmpi eq, %rem3A_3, %eq3A_19 : i32
      %sub3A = arith.constant 8000 : i32
      %sub3A_21 = arith.subi %sub3A, %scan3A_17 : i32
      %select_n3A = arith.select %eq3A_20, %scan3A_17, %sub3A_21 : i32
      %eq3A_22 = arith.constant 0 : i32
      %eq3A_23 = arith.cmpi eq, %rem3A_3, %eq3A_22 : i32
      %jit3A = arith.constant 0 : i32
      %select_n3A_24 = arith.select %eq3A_23, %jit3A, %select_n3A : i32
      %add3A_25 = arith.constant 15 : i32
      %add3A_26 = arith.addi %scan3A_17, %add3A_25 : i32
      %div3A_27 = arith.constant 16 : i32
      %div3A_28 = arith.divsi %add3A_26, %div3A_27 : i32
      %swap3A = arith.constant 0 : i32
      %swap3A_29 = arith.index_cast %swap3A : i32 to index
      %swap3A_30 = memref.load %arg30[%swap3A_29] : memref<8xi32, #tpu.memory_space<smem>>
      memref.store %scan3A_17, %arg30[%swap3A_29] : memref<8xi32, #tpu.memory_space<smem>>
      %parallel_loop3A = arith.constant 0 : i32
      %parallel_loop3A_31 = arith.constant 1024 : i32
      %parallel_loop3A_32 = arith.constant 16 : i32
      scf.for %parallel_loop3A_159 = %parallel_loop3A to %parallel_loop3A_31 step %parallel_loop3A_32  : i32 {
        %parallel_loop3A_160 = arith.constant 0 : i32
        %parallel_loop3A_161 = vector.broadcast %parallel_loop3A_160 : i32 to vector<16xi32>
        %parallel_loop3A_162 = arith.index_cast %parallel_loop3A_159 : i32 to index
        %parallel_loop3A_163 = tpu.vector_load %arg25[%parallel_loop3A_162] {strides = array<i32>} : memref<1024xi32, #tpu.memory_space<vmem>>, vector<16xi32>,
        tpu.vector_store %arg25[%parallel_loop3A_162], %parallel_loop3A_161 {strides = array<i32>} : memref<1024xi32, #tpu.memory_space<vmem>>, vector<16xi32>,
      } {sc.loop_unroll_factor = 4 : i64, sc.parallel_access}
      %while3A = arith.constant 0 : i32
      %while3A_33 = arith.constant 0 : i32
      %while3A_34 = arith.subi %div3A_28, %while3A : i32
      %while3A_35 = arith.addi %while3A, %while3A_34 : i32
      %while3A_36 = arith.constant 1 : i32
      %while3A_37 = arith.divsi %while3A_34, %while3A_36 : i32
      %while3A_38 = arith.muli %while3A_37, %while3A_36 : i32
      %while3A_39 = arith.addi %while3A, %while3A_38 : i32
      %while3A_40 = arith.constant 1 : i32
      %while3A_41 = scf.for %while3A_159 = %while3A to %while3A_39 step %while3A_40 iter_args(%while3A_160 = %while3A_33) -> (i32)  : i32 {
        %mul3A_161 = arith.constant 16 : i32
        %mul3A_162 = arith.muli %while3A_159, %mul3A_161 : i32
        %get3A = arith.index_cast %mul3A_162 : i32 to index
        %get3A_163 = tpu.vector_load %arg13[%get3A] {strides = array<i32>} : memref<8016xi32, #tpu.memory_space<vmem>>, vector<16xi32>,
        %mul3A_164 = arith.constant 16 : i32
        %mul3A_165 = arith.muli %while3A_159, %mul3A_164 : i32
        %add3A_166 = vector.broadcast %mul3A_165 : i32 to vector<16xi32>
        %add3A_167 = arith.addi %add3A_166, %iota3A : vector<16xi32>
        %lt3A_168 = vector.broadcast %scan3A_17 : i32 to vector<16xi32>
        %lt3A_169 = arith.cmpi slt, %add3A_167, %lt3A_168 : vector<16xi32>
        %shift_right_logical3A = arith.constant 0 : i32
        %shift_right_logical3A_170 = vector.broadcast %shift_right_logical3A : i32 to vector<16xi32>
        %shift_right_logical3A_171 = arith.shrui %get3A_163, %shift_right_logical3A_170 : vector<16xi32>
        %and3A_172 = arith.constant 1023 : i32
        %and3A_173 = vector.broadcast %and3A_172 : i32 to vector<16xi32>
        %and3A_174 = arith.andi %shift_right_logical3A_171, %and3A_173 : vector<16xi32>
        %unique3A, %unique3A_175 = tpu.scan_count mask(%lt3A_169 : vector<16xi1>) value(%and3A_174 : vector<16xi32>) : vector<16xi1>, vector<16xi32>
        tpu.vector_store_idx %arg25[%and3A_174], %unique3A_175 masked %unique3A {add = true} : memref<1024xi32, #tpu.memory_space<vmem>>[vector<16xi32>], vector<16xi32>, vector<16xi1>
        %while3A_176 = arith.constant 0 : i32
        scf.yield %while3A_176 : i32
      }
      %while3A_42 = arith.constant 1 : i32
      %while3A_43 = scf.for %while3A_159 = %while3A_39 to %while3A_35 step %while3A_42 iter_args(%while3A_160 = %while3A_41) -> (i32)  : i32 {
        %mul3A_161 = arith.constant 16 : i32
        %mul3A_162 = arith.muli %while3A_159, %mul3A_161 : i32
        %get3A = arith.index_cast %mul3A_162 : i32 to index
        %get3A_163 = tpu.vector_load %arg13[%get3A] {strides = array<i32>} : memref<8016xi32, #tpu.memory_space<vmem>>, vector<16xi32>,
        %mul3A_164 = arith.constant 16 : i32
        %mul3A_165 = arith.muli %while3A_159, %mul3A_164 : i32
        %add3A_166 = vector.broadcast %mul3A_165 : i32 to vector<16xi32>
        %add3A_167 = arith.addi %add3A_166, %iota3A : vector<16xi32>
        %lt3A_168 = vector.broadcast %scan3A_17 : i32 to vector<16xi32>
        %lt3A_169 = arith.cmpi slt, %add3A_167, %lt3A_168 : vector<16xi32>
        %shift_right_logical3A = arith.constant 0 : i32
        %shift_right_logical3A_170 = vector.broadcast %shift_right_logical3A : i32 to vector<16xi32>
        %shift_right_logical3A_171 = arith.shrui %get3A_163, %shift_right_logical3A_170 : vector<16xi32>
        %and3A_172 = arith.constant 1023 : i32
        %and3A_173 = vector.broadcast %and3A_172 : i32 to vector<16xi32>
        %and3A_174 = arith.andi %shift_right_logical3A_171, %and3A_173 : vector<16xi32>
        %unique3A, %unique3A_175 = tpu.scan_count mask(%lt3A_169 : vector<16xi1>) value(%and3A_174 : vector<16xi32>) : vector<16xi1>, vector<16xi32>
        tpu.vector_store_idx %arg25[%and3A_174], %unique3A_175 masked %unique3A {add = true} : memref<1024xi32, #tpu.memory_space<vmem>>[vector<16xi32>], vector<16xi32>, vector<16xi1>
        %while3A_176 = arith.constant 0 : i32
        scf.yield %while3A_176 : i32
      }
      %scan3A_44 = arith.constant 0 : i32
      %scan3A_45 = arith.constant 0 : i32
      %scan3A_46 = arith.constant 64 : i32
      %scan3A_47 = arith.addi %scan3A_45, %scan3A_46 : i32
      %scan3A_48 = arith.constant 1 : i32
      %scan3A_49 = scf.for %scan3A_159 = %scan3A_45 to %scan3A_47 step %scan3A_48 iter_args(%scan3A_160 = %scan3A_44) -> (i32)  : i32 {
        %mul3A_161 = arith.constant 16 : i32
        %mul3A_162 = arith.muli %scan3A_159, %mul3A_161 : i32
        %get3A = arith.index_cast %mul3A_162 : i32 to index
        %get3A_163 = tpu.vector_load %arg25[%get3A] {strides = array<i32>} : memref<1024xi32, #tpu.memory_space<vmem>>, vector<16xi32>,
        %broadcast_in_dim3A = arith.constant true
        %broadcast_in_dim3A_164 = vector.broadcast %broadcast_in_dim3A : i1 to vector<16xi1>
        %masked_cumsum3A = tpu.scan <sum>, %get3A_163 masked %broadcast_in_dim3A_164 : vector<16xi32>, vector<16xi1> -> vector<16xi32>
        %sub3A_165 = arith.subi %masked_cumsum3A, %get3A_163 : vector<16xi32>
        %add3A_166 = vector.broadcast %scan3A_160 : i32 to vector<16xi32>
        %add3A_167 = arith.addi %sub3A_165, %add3A_166 : vector<16xi32>
        %mul3A_168 = arith.constant 16 : i32
        %mul3A_169 = arith.muli %scan3A_159, %mul3A_168 : i32
        %swap3A_170 = arith.index_cast %mul3A_169 : i32 to index
        %swap3A_171 = tpu.vector_load %arg26[%swap3A_170] {strides = array<i32>} : memref<1024xi32, #tpu.memory_space<vmem>>, vector<16xi32>,
        tpu.vector_store %arg26[%swap3A_170], %add3A_167 {strides = array<i32>} : memref<1024xi32, #tpu.memory_space<vmem>>, vector<16xi32>,
        %reduce_max3A = arith.constant true
        %reduce_max3A_172 = vector.broadcast %reduce_max3A : i1 to vector<16xi1>
        %reduce_max3A_173 = arith.constant -2147483648 : i32
        %reduce_max3A_174 = vector.broadcast %reduce_max3A_173 : i32 to vector<16xi32>
        %reduce_max3A_175 = arith.xori %masked_cumsum3A, %reduce_max3A_174 : vector<16xi32>
        %reduce_max3A_176 = tpu.scan <max>, %reduce_max3A_175 masked %reduce_max3A_172 : vector<16xi32>, vector<16xi1> -> vector<16xi32>
        %reduce_max3A_177 = arith.xori %reduce_max3A_176, %reduce_max3A_174 : vector<16xi32>
        %reduce_max3A_178 = vector.extract %reduce_max3A_177[15] : i32 from vector<16xi32>
        %add3A_179 = arith.addi %scan3A_160, %reduce_max3A_178 : i32
        scf.yield %add3A_179 : i32
      }
      %scan3A_50 = arith.constant 64 : i32
      %while3A_51 = arith.constant 0 : i32
      %while3A_52 = arith.constant 0 : i32
      %while3A_53 = arith.subi %div3A_28, %while3A_51 : i32
      %while3A_54 = arith.addi %while3A_51, %while3A_53 : i32
      %while3A_55 = arith.constant 1 : i32
      %while3A_56 = arith.divsi %while3A_53, %while3A_55 : i32
      %while3A_57 = arith.muli %while3A_56, %while3A_55 : i32
      %while3A_58 = arith.addi %while3A_51, %while3A_57 : i32
      %while3A_59 = arith.constant 1 : i32
      %while3A_60 = scf.for %while3A_159 = %while3A_51 to %while3A_58 step %while3A_59 iter_args(%while3A_160 = %while3A_52) -> (i32)  : i32 {
        %mul3A_161 = arith.constant 16 : i32
        %mul3A_162 = arith.muli %while3A_159, %mul3A_161 : i32
        %get3A = arith.index_cast %mul3A_162 : i32 to index
        %get3A_163 = tpu.vector_load %arg13[%get3A] {strides = array<i32>} : memref<8016xi32, #tpu.memory_space<vmem>>, vector<16xi32>,
        %mul3A_164 = arith.constant 16 : i32
        %mul3A_165 = arith.muli %while3A_159, %mul3A_164 : i32
        %get3A_166 = arith.index_cast %mul3A_165 : i32 to index
        %get3A_167 = tpu.vector_load %arg14[%get3A_166] {strides = array<i32>} : memref<8016xi32, #tpu.memory_space<vmem>>, vector<16xi32>,
        %mul3A_168 = arith.constant 16 : i32
        %mul3A_169 = arith.muli %while3A_159, %mul3A_168 : i32
        %add3A_170 = vector.broadcast %mul3A_169 : i32 to vector<16xi32>
        %add3A_171 = arith.addi %add3A_170, %iota3A : vector<16xi32>
        %lt3A_172 = vector.broadcast %scan3A_17 : i32 to vector<16xi32>
        %lt3A_173 = arith.cmpi slt, %add3A_171, %lt3A_172 : vector<16xi32>
        %shift_right_logical3A = arith.constant 0 : i32
        %shift_right_logical3A_174 = vector.broadcast %shift_right_logical3A : i32 to vector<16xi32>
        %shift_right_logical3A_175 = arith.shrui %get3A_163, %shift_right_logical3A_174 : vector<16xi32>
        %and3A_176 = arith.constant 1023 : i32
        %and3A_177 = vector.broadcast %and3A_176 : i32 to vector<16xi32>
        %and3A_178 = arith.andi %shift_right_logical3A_175, %and3A_177 : vector<16xi32>
        %unique3A, %unique3A_179 = tpu.scan_count mask(%lt3A_173 : vector<16xi1>) value(%and3A_178 : vector<16xi32>) : vector<16xi1>, vector<16xi32>
        %gather3A = tpu.vector_load_idx %arg26[%and3A_178] : memref<1024xi32, #tpu.memory_space<vmem>>[vector<16xi32>], vector<16xi32>,
        %add3A_180 = arith.addi %gather3A, %unique3A_179 : vector<16xi32>
        %sub3A_181 = arith.constant 1 : i32
        %sub3A_182 = vector.broadcast %sub3A_181 : i32 to vector<16xi32>
        %sub3A_183 = arith.subi %add3A_180, %sub3A_182 : vector<16xi32>
        tpu.vector_store_idx %arg15[%sub3A_183], %get3A_163 masked %lt3A_173 : memref<8000xi32, #tpu.memory_space<vmem>>[vector<16xi32>], vector<16xi32>, vector<16xi1>
        tpu.vector_store_idx %arg16[%sub3A_183], %get3A_167 masked %lt3A_173 : memref<8000xi32, #tpu.memory_space<vmem>>[vector<16xi32>], vector<16xi32>, vector<16xi1>
        tpu.vector_store_idx %arg26[%and3A_178], %unique3A_179 masked %unique3A {add = true} : memref<1024xi32, #tpu.memory_space<vmem>>[vector<16xi32>], vector<16xi32>, vector<16xi1>
        %while3A_184 = arith.constant 0 : i32
        scf.yield %while3A_184 : i32
      }
      %while3A_61 = arith.constant 1 : i32
      %while3A_62 = scf.for %while3A_159 = %while3A_58 to %while3A_54 step %while3A_61 iter_args(%while3A_160 = %while3A_60) -> (i32)  : i32 {
        %mul3A_161 = arith.constant 16 : i32
        %mul3A_162 = arith.muli %while3A_159, %mul3A_161 : i32
        %get3A = arith.index_cast %mul3A_162 : i32 to index
        %get3A_163 = tpu.vector_load %arg13[%get3A] {strides = array<i32>} : memref<8016xi32, #tpu.memory_space<vmem>>, vector<16xi32>,
        %mul3A_164 = arith.constant 16 : i32
        %mul3A_165 = arith.muli %while3A_159, %mul3A_164 : i32
        %get3A_166 = arith.index_cast %mul3A_165 : i32 to index
        %get3A_167 = tpu.vector_load %arg14[%get3A_166] {strides = array<i32>} : memref<8016xi32, #tpu.memory_space<vmem>>, vector<16xi32>,
        %mul3A_168 = arith.constant 16 : i32
        %mul3A_169 = arith.muli %while3A_159, %mul3A_168 : i32
        %add3A_170 = vector.broadcast %mul3A_169 : i32 to vector<16xi32>
        %add3A_171 = arith.addi %add3A_170, %iota3A : vector<16xi32>
        %lt3A_172 = vector.broadcast %scan3A_17 : i32 to vector<16xi32>
        %lt3A_173 = arith.cmpi slt, %add3A_171, %lt3A_172 : vector<16xi32>
        %shift_right_logical3A = arith.constant 0 : i32
        %shift_right_logical3A_174 = vector.broadcast %shift_right_logical3A : i32 to vector<16xi32>
        %shift_right_logical3A_175 = arith.shrui %get3A_163, %shift_right_logical3A_174 : vector<16xi32>
        %and3A_176 = arith.constant 1023 : i32
        %and3A_177 = vector.broadcast %and3A_176 : i32 to vector<16xi32>
        %and3A_178 = arith.andi %shift_right_logical3A_175, %and3A_177 : vector<16xi32>
        %unique3A, %unique3A_179 = tpu.scan_count mask(%lt3A_173 : vector<16xi1>) value(%and3A_178 : vector<16xi32>) : vector<16xi1>, vector<16xi32>
        %gather3A = tpu.vector_load_idx %arg26[%and3A_178] : memref<1024xi32, #tpu.memory_space<vmem>>[vector<16xi32>], vector<16xi32>,
        %add3A_180 = arith.addi %gather3A, %unique3A_179 : vector<16xi32>
        %sub3A_181 = arith.constant 1 : i32
        %sub3A_182 = vector.broadcast %sub3A_181 : i32 to vector<16xi32>
        %sub3A_183 = arith.subi %add3A_180, %sub3A_182 : vector<16xi32>
        tpu.vector_store_idx %arg15[%sub3A_183], %get3A_163 masked %lt3A_173 : memref<8000xi32, #tpu.memory_space<vmem>>[vector<16xi32>], vector<16xi32>, vector<16xi1>
        tpu.vector_store_idx %arg16[%sub3A_183], %get3A_167 masked %lt3A_173 : memref<8000xi32, #tpu.memory_space<vmem>>[vector<16xi32>], vector<16xi32>, vector<16xi1>
        tpu.vector_store_idx %arg26[%and3A_178], %unique3A_179 masked %unique3A {add = true} : memref<1024xi32, #tpu.memory_space<vmem>>[vector<16xi32>], vector<16xi32>, vector<16xi1>
        %while3A_184 = arith.constant 0 : i32
        scf.yield %while3A_184 : i32
      }
      %parallel_loop3A_63 = arith.constant 0 : i32
      %parallel_loop3A_64 = arith.constant 1024 : i32
      %parallel_loop3A_65 = arith.constant 16 : i32
      scf.for %parallel_loop3A_159 = %parallel_loop3A_63 to %parallel_loop3A_64 step %parallel_loop3A_65  : i32 {
        %parallel_loop3A_160 = arith.constant 0 : i32
        %parallel_loop3A_161 = vector.broadcast %parallel_loop3A_160 : i32 to vector<16xi32>
        %parallel_loop3A_162 = arith.index_cast %parallel_loop3A_159 : i32 to index
        %parallel_loop3A_163 = tpu.vector_load %arg25[%parallel_loop3A_162] {strides = array<i32>} : memref<1024xi32, #tpu.memory_space<vmem>>, vector<16xi32>,
        tpu.vector_store %arg25[%parallel_loop3A_162], %parallel_loop3A_161 {strides = array<i32>} : memref<1024xi32, #tpu.memory_space<vmem>>, vector<16xi32>,
      } {sc.loop_unroll_factor = 4 : i64, sc.parallel_access}
      %while3A_66 = arith.constant 0 : i32
      %while3A_67 = arith.constant 0 : i32
      %while3A_68 = arith.subi %div3A_28, %while3A_66 : i32
      %while3A_69 = arith.addi %while3A_66, %while3A_68 : i32
      %while3A_70 = arith.constant 1 : i32
      %while3A_71 = arith.divsi %while3A_68, %while3A_70 : i32
      %while3A_72 = arith.muli %while3A_71, %while3A_70 : i32
      %while3A_73 = arith.addi %while3A_66, %while3A_72 : i32
      %while3A_74 = arith.constant 1 : i32
      %while3A_75 = scf.for %while3A_159 = %while3A_66 to %while3A_73 step %while3A_74 iter_args(%while3A_160 = %while3A_67) -> (i32)  : i32 {
        %mul3A_161 = arith.constant 16 : i32
        %mul3A_162 = arith.muli %while3A_159, %mul3A_161 : i32
        %get3A = arith.index_cast %mul3A_162 : i32 to index
        %get3A_163 = tpu.vector_load %arg15[%get3A] {strides = array<i32>} : memref<8000xi32, #tpu.memory_space<vmem>>, vector<16xi32>,
        %mul3A_164 = arith.constant 16 : i32
        %mul3A_165 = arith.muli %while3A_159, %mul3A_164 : i32
        %add3A_166 = vector.broadcast %mul3A_165 : i32 to vector<16xi32>
        %add3A_167 = arith.addi %add3A_166, %iota3A : vector<16xi32>
        %lt3A_168 = vector.broadcast %scan3A_17 : i32 to vector<16xi32>
        %lt3A_169 = arith.cmpi slt, %add3A_167, %lt3A_168 : vector<16xi32>
        %shift_right_logical3A = arith.constant 10 : i32
        %shift_right_logical3A_170 = vector.broadcast %shift_right_logical3A : i32 to vector<16xi32>
        %shift_right_logical3A_171 = arith.shrui %get3A_163, %shift_right_logical3A_170 : vector<16xi32>
        %and3A_172 = arith.constant 1023 : i32
        %and3A_173 = vector.broadcast %and3A_172 : i32 to vector<16xi32>
        %and3A_174 = arith.andi %shift_right_logical3A_171, %and3A_173 : vector<16xi32>
        %unique3A, %unique3A_175 = tpu.scan_count mask(%lt3A_169 : vector<16xi1>) value(%and3A_174 : vector<16xi32>) : vector<16xi1>, vector<16xi32>
        tpu.vector_store_idx %arg25[%and3A_174], %unique3A_175 masked %unique3A {add = true} : memref<1024xi32, #tpu.memory_space<vmem>>[vector<16xi32>], vector<16xi32>, vector<16xi1>
        %while3A_176 = arith.constant 0 : i32
        scf.yield %while3A_176 : i32
      }
      %while3A_76 = arith.constant 1 : i32
      %while3A_77 = scf.for %while3A_159 = %while3A_73 to %while3A_69 step %while3A_76 iter_args(%while3A_160 = %while3A_75) -> (i32)  : i32 {
        %mul3A_161 = arith.constant 16 : i32
        %mul3A_162 = arith.muli %while3A_159, %mul3A_161 : i32
        %get3A = arith.index_cast %mul3A_162 : i32 to index
        %get3A_163 = tpu.vector_load %arg15[%get3A] {strides = array<i32>} : memref<8000xi32, #tpu.memory_space<vmem>>, vector<16xi32>,
        %mul3A_164 = arith.constant 16 : i32
        %mul3A_165 = arith.muli %while3A_159, %mul3A_164 : i32
        %add3A_166 = vector.broadcast %mul3A_165 : i32 to vector<16xi32>
        %add3A_167 = arith.addi %add3A_166, %iota3A : vector<16xi32>
        %lt3A_168 = vector.broadcast %scan3A_17 : i32 to vector<16xi32>
        %lt3A_169 = arith.cmpi slt, %add3A_167, %lt3A_168 : vector<16xi32>
        %shift_right_logical3A = arith.constant 10 : i32
        %shift_right_logical3A_170 = vector.broadcast %shift_right_logical3A : i32 to vector<16xi32>
        %shift_right_logical3A_171 = arith.shrui %get3A_163, %shift_right_logical3A_170 : vector<16xi32>
        %and3A_172 = arith.constant 1023 : i32
        %and3A_173 = vector.broadcast %and3A_172 : i32 to vector<16xi32>
        %and3A_174 = arith.andi %shift_right_logical3A_171, %and3A_173 : vector<16xi32>
        %unique3A, %unique3A_175 = tpu.scan_count mask(%lt3A_169 : vector<16xi1>) value(%and3A_174 : vector<16xi32>) : vector<16xi1>, vector<16xi32>
        tpu.vector_store_idx %arg25[%and3A_174], %unique3A_175 masked %unique3A {add = true} : memref<1024xi32, #tpu.memory_space<vmem>>[vector<16xi32>], vector<16xi32>, vector<16xi1>
        %while3A_176 = arith.constant 0 : i32
        scf.yield %while3A_176 : i32
      }
      %scan3A_78 = arith.constant 0 : i32
      %scan3A_79 = arith.constant 0 : i32
      %scan3A_80 = arith.constant 64 : i32
      %scan3A_81 = arith.addi %scan3A_79, %scan3A_80 : i32
      %scan3A_82 = arith.constant 1 : i32
      %scan3A_83 = scf.for %scan3A_159 = %scan3A_79 to %scan3A_81 step %scan3A_82 iter_args(%scan3A_160 = %scan3A_78) -> (i32)  : i32 {
        %mul3A_161 = arith.constant 16 : i32
        %mul3A_162 = arith.muli %scan3A_159, %mul3A_161 : i32
        %get3A = arith.index_cast %mul3A_162 : i32 to index
        %get3A_163 = tpu.vector_load %arg25[%get3A] {strides = array<i32>} : memref<1024xi32, #tpu.memory_space<vmem>>, vector<16xi32>,
        %broadcast_in_dim3A = arith.constant true
        %broadcast_in_dim3A_164 = vector.broadcast %broadcast_in_dim3A : i1 to vector<16xi1>
        %masked_cumsum3A = tpu.scan <sum>, %get3A_163 masked %broadcast_in_dim3A_164 : vector<16xi32>, vector<16xi1> -> vector<16xi32>
        %sub3A_165 = arith.subi %masked_cumsum3A, %get3A_163 : vector<16xi32>
        %add3A_166 = vector.broadcast %scan3A_160 : i32 to vector<16xi32>
        %add3A_167 = arith.addi %sub3A_165, %add3A_166 : vector<16xi32>
        %mul3A_168 = arith.constant 16 : i32
        %mul3A_169 = arith.muli %scan3A_159, %mul3A_168 : i32
        %swap3A_170 = arith.index_cast %mul3A_169 : i32 to index
        %swap3A_171 = tpu.vector_load %arg26[%swap3A_170] {strides = array<i32>} : memref<1024xi32, #tpu.memory_space<vmem>>, vector<16xi32>,
        tpu.vector_store %arg26[%swap3A_170], %add3A_167 {strides = array<i32>} : memref<1024xi32, #tpu.memory_space<vmem>>, vector<16xi32>,
        %reduce_max3A = arith.constant true
        %reduce_max3A_172 = vector.broadcast %reduce_max3A : i1 to vector<16xi1>
        %reduce_max3A_173 = arith.constant -2147483648 : i32
        %reduce_max3A_174 = vector.broadcast %reduce_max3A_173 : i32 to vector<16xi32>
        %reduce_max3A_175 = arith.xori %masked_cumsum3A, %reduce_max3A_174 : vector<16xi32>
        %reduce_max3A_176 = tpu.scan <max>, %reduce_max3A_175 masked %reduce_max3A_172 : vector<16xi32>, vector<16xi1> -> vector<16xi32>
        %reduce_max3A_177 = arith.xori %reduce_max3A_176, %reduce_max3A_174 : vector<16xi32>
        %reduce_max3A_178 = vector.extract %reduce_max3A_177[15] : i32 from vector<16xi32>
        %add3A_179 = arith.addi %scan3A_160, %reduce_max3A_178 : i32
        scf.yield %add3A_179 : i32
      }
      %scan3A_84 = arith.constant 64 : i32
      %while3A_85 = arith.constant 0 : i32
      %while3A_86 = arith.constant 0 : i32
      %while3A_87 = arith.subi %div3A_28, %while3A_85 : i32
      %while3A_88 = arith.addi %while3A_85, %while3A_87 : i32
      %while3A_89 = arith.constant 1 : i32
      %while3A_90 = arith.divsi %while3A_87, %while3A_89 : i32
      %while3A_91 = arith.muli %while3A_90, %while3A_89 : i32
      %while3A_92 = arith.addi %while3A_85, %while3A_91 : i32
      %while3A_93 = arith.constant 1 : i32
      %while3A_94 = scf.for %while3A_159 = %while3A_85 to %while3A_92 step %while3A_93 iter_args(%while3A_160 = %while3A_86) -> (i32)  : i32 {
        %mul3A_161 = arith.constant 16 : i32
        %mul3A_162 = arith.muli %while3A_159, %mul3A_161 : i32
        %get3A = arith.index_cast %mul3A_162 : i32 to index
        %get3A_163 = tpu.vector_load %arg15[%get3A] {strides = array<i32>} : memref<8000xi32, #tpu.memory_space<vmem>>, vector<16xi32>,
        %mul3A_164 = arith.constant 16 : i32
        %mul3A_165 = arith.muli %while3A_159, %mul3A_164 : i32
        %get3A_166 = arith.index_cast %mul3A_165 : i32 to index
        %get3A_167 = tpu.vector_load %arg16[%get3A_166] {strides = array<i32>} : memref<8000xi32, #tpu.memory_space<vmem>>, vector<16xi32>,
        %mul3A_168 = arith.constant 16 : i32
        %mul3A_169 = arith.muli %while3A_159, %mul3A_168 : i32
        %add3A_170 = vector.broadcast %mul3A_169 : i32 to vector<16xi32>
        %add3A_171 = arith.addi %add3A_170, %iota3A : vector<16xi32>
        %lt3A_172 = vector.broadcast %scan3A_17 : i32 to vector<16xi32>
        %lt3A_173 = arith.cmpi slt, %add3A_171, %lt3A_172 : vector<16xi32>
        %shift_right_logical3A = arith.constant 10 : i32
        %shift_right_logical3A_174 = vector.broadcast %shift_right_logical3A : i32 to vector<16xi32>
        %shift_right_logical3A_175 = arith.shrui %get3A_163, %shift_right_logical3A_174 : vector<16xi32>
        %and3A_176 = arith.constant 1023 : i32
        %and3A_177 = vector.broadcast %and3A_176 : i32 to vector<16xi32>
        %and3A_178 = arith.andi %shift_right_logical3A_175, %and3A_177 : vector<16xi32>
        %unique3A, %unique3A_179 = tpu.scan_count mask(%lt3A_173 : vector<16xi1>) value(%and3A_178 : vector<16xi32>) : vector<16xi1>, vector<16xi32>
        %gather3A = tpu.vector_load_idx %arg26[%and3A_178] : memref<1024xi32, #tpu.memory_space<vmem>>[vector<16xi32>], vector<16xi32>,
        %add3A_180 = arith.addi %gather3A, %unique3A_179 : vector<16xi32>
        %sub3A_181 = arith.constant 1 : i32
        %sub3A_182 = vector.broadcast %sub3A_181 : i32 to vector<16xi32>
        %sub3A_183 = arith.subi %add3A_180, %sub3A_182 : vector<16xi32>
        tpu.vector_store_idx %arg13[%sub3A_183], %get3A_163 masked %lt3A_173 : memref<8016xi32, #tpu.memory_space<vmem>>[vector<16xi32>], vector<16xi32>, vector<16xi1>
        tpu.vector_store_idx %arg14[%sub3A_183], %get3A_167 masked %lt3A_173 : memref<8016xi32, #tpu.memory_space<vmem>>[vector<16xi32>], vector<16xi32>, vector<16xi1>
        tpu.vector_store_idx %arg26[%and3A_178], %unique3A_179 masked %unique3A {add = true} : memref<1024xi32, #tpu.memory_space<vmem>>[vector<16xi32>], vector<16xi32>, vector<16xi1>
        %while3A_184 = arith.constant 0 : i32
        scf.yield %while3A_184 : i32
      }
      %while3A_95 = arith.constant 1 : i32
      %while3A_96 = scf.for %while3A_159 = %while3A_92 to %while3A_88 step %while3A_95 iter_args(%while3A_160 = %while3A_94) -> (i32)  : i32 {
        %mul3A_161 = arith.constant 16 : i32
        %mul3A_162 = arith.muli %while3A_159, %mul3A_161 : i32
        %get3A = arith.index_cast %mul3A_162 : i32 to index
        %get3A_163 = tpu.vector_load %arg15[%get3A] {strides = array<i32>} : memref<8000xi32, #tpu.memory_space<vmem>>, vector<16xi32>,
        %mul3A_164 = arith.constant 16 : i32
        %mul3A_165 = arith.muli %while3A_159, %mul3A_164 : i32
        %get3A_166 = arith.index_cast %mul3A_165 : i32 to index
        %get3A_167 = tpu.vector_load %arg16[%get3A_166] {strides = array<i32>} : memref<8000xi32, #tpu.memory_space<vmem>>, vector<16xi32>,
        %mul3A_168 = arith.constant 16 : i32
        %mul3A_169 = arith.muli %while3A_159, %mul3A_168 : i32
        %add3A_170 = vector.broadcast %mul3A_169 : i32 to vector<16xi32>
        %add3A_171 = arith.addi %add3A_170, %iota3A : vector<16xi32>
        %lt3A_172 = vector.broadcast %scan3A_17 : i32 to vector<16xi32>
        %lt3A_173 = arith.cmpi slt, %add3A_171, %lt3A_172 : vector<16xi32>
        %shift_right_logical3A = arith.constant 10 : i32
        %shift_right_logical3A_174 = vector.broadcast %shift_right_logical3A : i32 to vector<16xi32>
        %shift_right_logical3A_175 = arith.shrui %get3A_163, %shift_right_logical3A_174 : vector<16xi32>
        %and3A_176 = arith.constant 1023 : i32
        %and3A_177 = vector.broadcast %and3A_176 : i32 to vector<16xi32>
        %and3A_178 = arith.andi %shift_right_logical3A_175, %and3A_177 : vector<16xi32>
        %unique3A, %unique3A_179 = tpu.scan_count mask(%lt3A_173 : vector<16xi1>) value(%and3A_178 : vector<16xi32>) : vector<16xi1>, vector<16xi32>
        %gather3A = tpu.vector_load_idx %arg26[%and3A_178] : memref<1024xi32, #tpu.memory_space<vmem>>[vector<16xi32>], vector<16xi32>,
        %add3A_180 = arith.addi %gather3A, %unique3A_179 : vector<16xi32>
        %sub3A_181 = arith.constant 1 : i32
        %sub3A_182 = vector.broadcast %sub3A_181 : i32 to vector<16xi32>
        %sub3A_183 = arith.subi %add3A_180, %sub3A_182 : vector<16xi32>
        tpu.vector_store_idx %arg13[%sub3A_183], %get3A_163 masked %lt3A_173 : memref<8016xi32, #tpu.memory_space<vmem>>[vector<16xi32>], vector<16xi32>, vector<16xi1>
        tpu.vector_store_idx %arg14[%sub3A_183], %get3A_167 masked %lt3A_173 : memref<8016xi32, #tpu.memory_space<vmem>>[vector<16xi32>], vector<16xi32>, vector<16xi1>
        tpu.vector_store_idx %arg26[%and3A_178], %unique3A_179 masked %unique3A {add = true} : memref<1024xi32, #tpu.memory_space<vmem>>[vector<16xi32>], vector<16xi32>, vector<16xi1>
        %while3A_184 = arith.constant 0 : i32
        scf.yield %while3A_184 : i32
      }
      %parallel_loop3A_97 = arith.constant 0 : i32
      %parallel_loop3A_98 = arith.constant 1024 : i32
      %parallel_loop3A_99 = arith.constant 16 : i32
      scf.for %parallel_loop3A_159 = %parallel_loop3A_97 to %parallel_loop3A_98 step %parallel_loop3A_99  : i32 {
        %parallel_loop3A_160 = arith.constant 0 : i32
        %parallel_loop3A_161 = vector.broadcast %parallel_loop3A_160 : i32 to vector<16xi32>
        %parallel_loop3A_162 = arith.index_cast %parallel_loop3A_159 : i32 to index
        %parallel_loop3A_163 = tpu.vector_load %arg25[%parallel_loop3A_162] {strides = array<i32>} : memref<1024xi32, #tpu.memory_space<vmem>>, vector<16xi32>,
        tpu.vector_store %arg25[%parallel_loop3A_162], %parallel_loop3A_161 {strides = array<i32>} : memref<1024xi32, #tpu.memory_space<vmem>>, vector<16xi32>,
      } {sc.loop_unroll_factor = 4 : i64, sc.parallel_access}
      %while3A_100 = arith.constant 0 : i32
      %while3A_101 = arith.constant 0 : i32
      %while3A_102 = arith.subi %div3A_28, %while3A_100 : i32
      %while3A_103 = arith.addi %while3A_100, %while3A_102 : i32
      %while3A_104 = arith.constant 1 : i32
      %while3A_105 = arith.divsi %while3A_102, %while3A_104 : i32
      %while3A_106 = arith.muli %while3A_105, %while3A_104 : i32
      %while3A_107 = arith.addi %while3A_100, %while3A_106 : i32
      %while3A_108 = arith.constant 1 : i32
      %while3A_109 = scf.for %while3A_159 = %while3A_100 to %while3A_107 step %while3A_108 iter_args(%while3A_160 = %while3A_101) -> (i32)  : i32 {
        %mul3A_161 = arith.constant 16 : i32
        %mul3A_162 = arith.muli %while3A_159, %mul3A_161 : i32
        %get3A = arith.index_cast %mul3A_162 : i32 to index
        %get3A_163 = tpu.vector_load %arg13[%get3A] {strides = array<i32>} : memref<8016xi32, #tpu.memory_space<vmem>>, vector<16xi32>,
        %mul3A_164 = arith.constant 16 : i32
        %mul3A_165 = arith.muli %while3A_159, %mul3A_164 : i32
        %add3A_166 = vector.broadcast %mul3A_165 : i32 to vector<16xi32>
        %add3A_167 = arith.addi %add3A_166, %iota3A : vector<16xi32>
        %lt3A_168 = vector.broadcast %scan3A_17 : i32 to vector<16xi32>
        %lt3A_169 = arith.cmpi slt, %add3A_167, %lt3A_168 : vector<16xi32>
        %shift_right_logical3A = arith.constant 20 : i32
        %shift_right_logical3A_170 = vector.broadcast %shift_right_logical3A : i32 to vector<16xi32>
        %shift_right_logical3A_171 = arith.shrui %get3A_163, %shift_right_logical3A_170 : vector<16xi32>
        %and3A_172 = arith.constant 1023 : i32
        %and3A_173 = vector.broadcast %and3A_172 : i32 to vector<16xi32>
        %and3A_174 = arith.andi %shift_right_logical3A_171, %and3A_173 : vector<16xi32>
        %unique3A, %unique3A_175 = tpu.scan_count mask(%lt3A_169 : vector<16xi1>) value(%and3A_174 : vector<16xi32>) : vector<16xi1>, vector<16xi32>
        tpu.vector_store_idx %arg25[%and3A_174], %unique3A_175 masked %unique3A {add = true} : memref<1024xi32, #tpu.memory_space<vmem>>[vector<16xi32>], vector<16xi32>, vector<16xi1>
        %while3A_176 = arith.constant 0 : i32
        scf.yield %while3A_176 : i32
      }
      %while3A_110 = arith.constant 1 : i32
      %while3A_111 = scf.for %while3A_159 = %while3A_107 to %while3A_103 step %while3A_110 iter_args(%while3A_160 = %while3A_109) -> (i32)  : i32 {
        %mul3A_161 = arith.constant 16 : i32
        %mul3A_162 = arith.muli %while3A_159, %mul3A_161 : i32
        %get3A = arith.index_cast %mul3A_162 : i32 to index
        %get3A_163 = tpu.vector_load %arg13[%get3A] {strides = array<i32>} : memref<8016xi32, #tpu.memory_space<vmem>>, vector<16xi32>,
        %mul3A_164 = arith.constant 16 : i32
        %mul3A_165 = arith.muli %while3A_159, %mul3A_164 : i32
        %add3A_166 = vector.broadcast %mul3A_165 : i32 to vector<16xi32>
        %add3A_167 = arith.addi %add3A_166, %iota3A : vector<16xi32>
        %lt3A_168 = vector.broadcast %scan3A_17 : i32 to vector<16xi32>
        %lt3A_169 = arith.cmpi slt, %add3A_167, %lt3A_168 : vector<16xi32>
        %shift_right_logical3A = arith.constant 20 : i32
        %shift_right_logical3A_170 = vector.broadcast %shift_right_logical3A : i32 to vector<16xi32>
        %shift_right_logical3A_171 = arith.shrui %get3A_163, %shift_right_logical3A_170 : vector<16xi32>
        %and3A_172 = arith.constant 1023 : i32
        %and3A_173 = vector.broadcast %and3A_172 : i32 to vector<16xi32>
        %and3A_174 = arith.andi %shift_right_logical3A_171, %and3A_173 : vector<16xi32>
        %unique3A, %unique3A_175 = tpu.scan_count mask(%lt3A_169 : vector<16xi1>) value(%and3A_174 : vector<16xi32>) : vector<16xi1>, vector<16xi32>
        tpu.vector_store_idx %arg25[%and3A_174], %unique3A_175 masked %unique3A {add = true} : memref<1024xi32, #tpu.memory_space<vmem>>[vector<16xi32>], vector<16xi32>, vector<16xi1>
        %while3A_176 = arith.constant 0 : i32
        scf.yield %while3A_176 : i32
      }
      %scan3A_112 = arith.constant 0 : i32
      %scan3A_113 = arith.constant 0 : i32
      %scan3A_114 = arith.constant 64 : i32
      %scan3A_115 = arith.addi %scan3A_113, %scan3A_114 : i32
      %scan3A_116 = arith.constant 1 : i32
      %scan3A_117 = scf.for %scan3A_159 = %scan3A_113 to %scan3A_115 step %scan3A_116 iter_args(%scan3A_160 = %scan3A_112) -> (i32)  : i32 {
        %mul3A_161 = arith.constant 16 : i32
        %mul3A_162 = arith.muli %scan3A_159, %mul3A_161 : i32
        %get3A = arith.index_cast %mul3A_162 : i32 to index
        %get3A_163 = tpu.vector_load %arg25[%get3A] {strides = array<i32>} : memref<1024xi32, #tpu.memory_space<vmem>>, vector<16xi32>,
        %broadcast_in_dim3A = arith.constant true
        %broadcast_in_dim3A_164 = vector.broadcast %broadcast_in_dim3A : i1 to vector<16xi1>
        %masked_cumsum3A = tpu.scan <sum>, %get3A_163 masked %broadcast_in_dim3A_164 : vector<16xi32>, vector<16xi1> -> vector<16xi32>
        %sub3A_165 = arith.subi %masked_cumsum3A, %get3A_163 : vector<16xi32>
        %add3A_166 = vector.broadcast %scan3A_160 : i32 to vector<16xi32>
        %add3A_167 = arith.addi %sub3A_165, %add3A_166 : vector<16xi32>
        %mul3A_168 = arith.constant 16 : i32
        %mul3A_169 = arith.muli %scan3A_159, %mul3A_168 : i32
        %swap3A_170 = arith.index_cast %mul3A_169 : i32 to index
        %swap3A_171 = tpu.vector_load %arg26[%swap3A_170] {strides = array<i32>} : memref<1024xi32, #tpu.memory_space<vmem>>, vector<16xi32>,
        tpu.vector_store %arg26[%swap3A_170], %add3A_167 {strides = array<i32>} : memref<1024xi32, #tpu.memory_space<vmem>>, vector<16xi32>,
        %reduce_max3A = arith.constant true
        %reduce_max3A_172 = vector.broadcast %reduce_max3A : i1 to vector<16xi1>
        %reduce_max3A_173 = arith.constant -2147483648 : i32
        %reduce_max3A_174 = vector.broadcast %reduce_max3A_173 : i32 to vector<16xi32>
        %reduce_max3A_175 = arith.xori %masked_cumsum3A, %reduce_max3A_174 : vector<16xi32>
        %reduce_max3A_176 = tpu.scan <max>, %reduce_max3A_175 masked %reduce_max3A_172 : vector<16xi32>, vector<16xi1> -> vector<16xi32>
        %reduce_max3A_177 = arith.xori %reduce_max3A_176, %reduce_max3A_174 : vector<16xi32>
        %reduce_max3A_178 = vector.extract %reduce_max3A_177[15] : i32 from vector<16xi32>
        %add3A_179 = arith.addi %scan3A_160, %reduce_max3A_178 : i32
        scf.yield %add3A_179 : i32
      }
      %scan3A_118 = arith.constant 64 : i32
      %while3A_119 = arith.constant 0 : i32
      %while3A_120 = arith.constant 0 : i32
      %while3A_121 = arith.subi %div3A_28, %while3A_119 : i32
      %while3A_122 = arith.addi %while3A_119, %while3A_121 : i32
      %while3A_123 = arith.constant 1 : i32
      %while3A_124 = arith.divsi %while3A_121, %while3A_123 : i32
      %while3A_125 = arith.muli %while3A_124, %while3A_123 : i32
      %while3A_126 = arith.addi %while3A_119, %while3A_125 : i32
      %while3A_127 = arith.constant 1 : i32
      %while3A_128 = scf.for %while3A_159 = %while3A_119 to %while3A_126 step %while3A_127 iter_args(%while3A_160 = %while3A_120) -> (i32)  : i32 {
        %mul3A_161 = arith.constant 16 : i32
        %mul3A_162 = arith.muli %while3A_159, %mul3A_161 : i32
        %get3A = arith.index_cast %mul3A_162 : i32 to index
        %get3A_163 = tpu.vector_load %arg13[%get3A] {strides = array<i32>} : memref<8016xi32, #tpu.memory_space<vmem>>, vector<16xi32>,
        %mul3A_164 = arith.constant 16 : i32
        %mul3A_165 = arith.muli %while3A_159, %mul3A_164 : i32
        %get3A_166 = arith.index_cast %mul3A_165 : i32 to index
        %get3A_167 = tpu.vector_load %arg14[%get3A_166] {strides = array<i32>} : memref<8016xi32, #tpu.memory_space<vmem>>, vector<16xi32>,
        %mul3A_168 = arith.constant 16 : i32
        %mul3A_169 = arith.muli %while3A_159, %mul3A_168 : i32
        %add3A_170 = vector.broadcast %mul3A_169 : i32 to vector<16xi32>
        %add3A_171 = arith.addi %add3A_170, %iota3A : vector<16xi32>
        %lt3A_172 = vector.broadcast %scan3A_17 : i32 to vector<16xi32>
        %lt3A_173 = arith.cmpi slt, %add3A_171, %lt3A_172 : vector<16xi32>
        %shift_right_logical3A = arith.constant 20 : i32
        %shift_right_logical3A_174 = vector.broadcast %shift_right_logical3A : i32 to vector<16xi32>
        %shift_right_logical3A_175 = arith.shrui %get3A_163, %shift_right_logical3A_174 : vector<16xi32>
        %and3A_176 = arith.constant 1023 : i32
        %and3A_177 = vector.broadcast %and3A_176 : i32 to vector<16xi32>
        %and3A_178 = arith.andi %shift_right_logical3A_175, %and3A_177 : vector<16xi32>
        %unique3A, %unique3A_179 = tpu.scan_count mask(%lt3A_173 : vector<16xi1>) value(%and3A_178 : vector<16xi32>) : vector<16xi1>, vector<16xi32>
        %gather3A = tpu.vector_load_idx %arg26[%and3A_178] : memref<1024xi32, #tpu.memory_space<vmem>>[vector<16xi32>], vector<16xi32>,
        %add3A_180 = arith.addi %gather3A, %unique3A_179 : vector<16xi32>
        %sub3A_181 = arith.constant 1 : i32
        %sub3A_182 = vector.broadcast %sub3A_181 : i32 to vector<16xi32>
        %sub3A_183 = arith.subi %add3A_180, %sub3A_182 : vector<16xi32>
        %add3A_184 = vector.broadcast %select_n3A_24 : i32 to vector<16xi32>
        %add3A_185 = arith.addi %sub3A_183, %add3A_184 : vector<16xi32>
        tpu.vector_store_idx %arg16[%add3A_185], %get3A_167 masked %lt3A_173 : memref<8000xi32, #tpu.memory_space<vmem>>[vector<16xi32>], vector<16xi32>, vector<16xi1>
        tpu.vector_store_idx %arg26[%and3A_178], %unique3A_179 masked %unique3A {add = true} : memref<1024xi32, #tpu.memory_space<vmem>>[vector<16xi32>], vector<16xi32>, vector<16xi1>
        %while3A_186 = arith.constant 0 : i32
        scf.yield %while3A_186 : i32
      }
      %while3A_129 = arith.constant 1 : i32
      %while3A_130 = scf.for %while3A_159 = %while3A_126 to %while3A_122 step %while3A_129 iter_args(%while3A_160 = %while3A_128) -> (i32)  : i32 {
        %mul3A_161 = arith.constant 16 : i32
        %mul3A_162 = arith.muli %while3A_159, %mul3A_161 : i32
        %get3A = arith.index_cast %mul3A_162 : i32 to index
        %get3A_163 = tpu.vector_load %arg13[%get3A] {strides = array<i32>} : memref<8016xi32, #tpu.memory_space<vmem>>, vector<16xi32>,
        %mul3A_164 = arith.constant 16 : i32
        %mul3A_165 = arith.muli %while3A_159, %mul3A_164 : i32
        %get3A_166 = arith.index_cast %mul3A_165 : i32 to index
        %get3A_167 = tpu.vector_load %arg14[%get3A_166] {strides = array<i32>} : memref<8016xi32, #tpu.memory_space<vmem>>, vector<16xi32>,
        %mul3A_168 = arith.constant 16 : i32
        %mul3A_169 = arith.muli %while3A_159, %mul3A_168 : i32
        %add3A_170 = vector.broadcast %mul3A_169 : i32 to vector<16xi32>
        %add3A_171 = arith.addi %add3A_170, %iota3A : vector<16xi32>
        %lt3A_172 = vector.broadcast %scan3A_17 : i32 to vector<16xi32>
        %lt3A_173 = arith.cmpi slt, %add3A_171, %lt3A_172 : vector<16xi32>
        %shift_right_logical3A = arith.constant 20 : i32
        %shift_right_logical3A_174 = vector.broadcast %shift_right_logical3A : i32 to vector<16xi32>
        %shift_right_logical3A_175 = arith.shrui %get3A_163, %shift_right_logical3A_174 : vector<16xi32>
        %and3A_176 = arith.constant 1023 : i32
        %and3A_177 = vector.broadcast %and3A_176 : i32 to vector<16xi32>
        %and3A_178 = arith.andi %shift_right_logical3A_175, %and3A_177 : vector<16xi32>
        %unique3A, %unique3A_179 = tpu.scan_count mask(%lt3A_173 : vector<16xi1>) value(%and3A_178 : vector<16xi32>) : vector<16xi1>, vector<16xi32>
        %gather3A = tpu.vector_load_idx %arg26[%and3A_178] : memref<1024xi32, #tpu.memory_space<vmem>>[vector<16xi32>], vector<16xi32>,
        %add3A_180 = arith.addi %gather3A, %unique3A_179 : vector<16xi32>
        %sub3A_181 = arith.constant 1 : i32
        %sub3A_182 = vector.broadcast %sub3A_181 : i32 to vector<16xi32>
        %sub3A_183 = arith.subi %add3A_180, %sub3A_182 : vector<16xi32>
        %add3A_184 = vector.broadcast %select_n3A_24 : i32 to vector<16xi32>
        %add3A_185 = arith.addi %sub3A_183, %add3A_184 : vector<16xi32>
        tpu.vector_store_idx %arg16[%add3A_185], %get3A_167 masked %lt3A_173 : memref<8000xi32, #tpu.memory_space<vmem>>[vector<16xi32>], vector<16xi32>, vector<16xi1>
        tpu.vector_store_idx %arg26[%and3A_178], %unique3A_179 masked %unique3A {add = true} : memref<1024xi32, #tpu.memory_space<vmem>>[vector<16xi32>], vector<16xi32>, vector<16xi1>
        %while3A_186 = arith.constant 0 : i32
        scf.yield %while3A_186 : i32
      }
      %div3A_131 = arith.constant 16 : i32
      %div3A_132 = arith.divsi %select_n3A_24, %div3A_131 : i32
      %add3A_133 = arith.addi %select_n3A_24, %scan3A_17 : i32
      %add3A_134 = arith.constant 15 : i32
      %add3A_135 = arith.addi %add3A_133, %add3A_134 : i32
      %div3A_136 = arith.constant 16 : i32
      %div3A_137 = arith.divsi %add3A_135, %div3A_136 : i32
      %while3A_138 = arith.constant 0 : i32
      %while3A_139 = arith.subi %div3A_137, %div3A_132 : i32
      %while3A_140 = arith.addi %div3A_132, %while3A_139 : i32
      %while3A_141 = arith.constant 1 : i32
      %while3A_142 = arith.divsi %while3A_139, %while3A_141 : i32
      %while3A_143 = arith.muli %while3A_142, %while3A_141 : i32
      %while3A_144 = arith.addi %div3A_132, %while3A_143 : i32
      %while3A_145 = arith.constant 1 : i32
      %while3A_146 = scf.for %while3A_159 = %div3A_132 to %while3A_144 step %while3A_145 iter_args(%while3A_160 = %while3A_138) -> (i32)  : i32 {
        %mul3A_161 = arith.constant 16 : i32
        %mul3A_162 = arith.muli %while3A_159, %mul3A_161 : i32
        %get3A = arith.index_cast %mul3A_162 : i32 to index
        %get3A_163 = tpu.vector_load %arg16[%get3A] {strides = array<i32>} : memref<8000xi32, #tpu.memory_space<vmem>>, vector<16xi32>,
        %jit3A_164 = arith.constant 0 : i32
        %jit3A_165 = arith.constant 7999 : i32
        %max3A = vector.broadcast %jit3A_164 : i32 to vector<16xi32>
        %max3A_166 = arith.maxsi %max3A, %get3A_163 : vector<16xi32>
        %min3A = vector.broadcast %jit3A_165 : i32 to vector<16xi32>
        %min3A_167 = arith.minsi %min3A, %max3A_166 : vector<16xi32>
        %shift_right_logical3A = arith.constant 3 : i32
        %shift_right_logical3A_168 = vector.broadcast %shift_right_logical3A : i32 to vector<16xi32>
        %shift_right_logical3A_169 = arith.shrui %min3A_167, %shift_right_logical3A_168 : vector<16xi32>
        %gather3A = tpu.vector_load_idx %arg17[%shift_right_logical3A_169] : memref<1000xi32, #tpu.memory_space<vmem>>[vector<16xi32>], vector<16xi32>,
        %swap3A_170 = arith.index_cast %mul3A_162 : i32 to index
        %swap3A_171 = tpu.vector_load %arg19[%swap3A_170] {strides = array<i32>} : memref<8000xi32, #tpu.memory_space<vmem>>, vector<16xi32>,
        tpu.vector_store %arg19[%swap3A_170], %gather3A {strides = array<i32>} : memref<8000xi32, #tpu.memory_space<vmem>>, vector<16xi32>,
        %gather3A_172 = tpu.vector_load_idx %arg18[%shift_right_logical3A_169] : memref<1000xi32, #tpu.memory_space<vmem>>[vector<16xi32>], vector<16xi32>,
        %swap3A_173 = arith.index_cast %mul3A_162 : i32 to index
        %swap3A_174 = tpu.vector_load %arg20[%swap3A_173] {strides = array<i32>} : memref<8000xi32, #tpu.memory_space<vmem>>, vector<16xi32>,
        tpu.vector_store %arg20[%swap3A_173], %gather3A_172 {strides = array<i32>} : memref<8000xi32, #tpu.memory_space<vmem>>, vector<16xi32>,
        %and3A_175 = arith.constant 7 : i32
        %and3A_176 = vector.broadcast %and3A_175 : i32 to vector<16xi32>
        %and3A_177 = arith.andi %min3A_167, %and3A_176 : vector<16xi32>
        %swap3A_178 = arith.index_cast %mul3A_162 : i32 to index
        %swap3A_179 = tpu.vector_load %arg21[%swap3A_178] {strides = array<i32>} : memref<8000xi32, #tpu.memory_space<vmem>>, vector<16xi32>,
        tpu.vector_store %arg21[%swap3A_178], %and3A_177 {strides = array<i32>} : memref<8000xi32, #tpu.memory_space<vmem>>, vector<16xi32>,
        %gather3A_180 = tpu.vector_load_idx %arg11[%min3A_167] : memref<8000xf32, #tpu.memory_space<vmem>>[vector<16xi32>], vector<16xf32>,
        %swap3A_181 = arith.index_cast %mul3A_162 : i32 to index
        %swap3A_182 = tpu.vector_load %arg12[%swap3A_181] {strides = array<i32>} : memref<8000xf32, #tpu.memory_space<vmem>>, vector<16xf32>,
        tpu.vector_store %arg12[%swap3A_181], %gather3A_180 {strides = array<i32>} : memref<8000xf32, #tpu.memory_space<vmem>>, vector<16xf32>,
        %while3A_183 = arith.constant 0 : i32
        scf.yield %while3A_183 : i32
      }
      %while3A_147 = arith.constant 1 : i32
      %while3A_148 = scf.for %while3A_159 = %while3A_144 to %while3A_140 step %while3A_147 iter_args(%while3A_160 = %while3A_146) -> (i32)  : i32 {
        %mul3A_161 = arith.constant 16 : i32
        %mul3A_162 = arith.muli %while3A_159, %mul3A_161 : i32
        %get3A = arith.index_cast %mul3A_162 : i32 to index
        %get3A_163 = tpu.vector_load %arg16[%get3A] {strides = array<i32>} : memref<8000xi32, #tpu.memory_space<vmem>>, vector<16xi32>,
        %jit3A_164 = arith.constant 0 : i32
        %jit3A_165 = arith.constant 7999 : i32
        %max3A = vector.broadcast %jit3A_164 : i32 to vector<16xi32>
        %max3A_166 = arith.maxsi %max3A, %get3A_163 : vector<16xi32>
        %min3A = vector.broadcast %jit3A_165 : i32 to vector<16xi32>
        %min3A_167 = arith.minsi %min3A, %max3A_166 : vector<16xi32>
        %shift_right_logical3A = arith.constant 3 : i32
        %shift_right_logical3A_168 = vector.broadcast %shift_right_logical3A : i32 to vector<16xi32>
        %shift_right_logical3A_169 = arith.shrui %min3A_167, %shift_right_logical3A_168 : vector<16xi32>
        %gather3A = tpu.vector_load_idx %arg17[%shift_right_logical3A_169] : memref<1000xi32, #tpu.memory_space<vmem>>[vector<16xi32>], vector<16xi32>,
        %swap3A_170 = arith.index_cast %mul3A_162 : i32 to index
        %swap3A_171 = tpu.vector_load %arg19[%swap3A_170] {strides = array<i32>} : memref<8000xi32, #tpu.memory_space<vmem>>, vector<16xi32>,
        tpu.vector_store %arg19[%swap3A_170], %gather3A {strides = array<i32>} : memref<8000xi32, #tpu.memory_space<vmem>>, vector<16xi32>,
        %gather3A_172 = tpu.vector_load_idx %arg18[%shift_right_logical3A_169] : memref<1000xi32, #tpu.memory_space<vmem>>[vector<16xi32>], vector<16xi32>,
        %swap3A_173 = arith.index_cast %mul3A_162 : i32 to index
        %swap3A_174 = tpu.vector_load %arg20[%swap3A_173] {strides = array<i32>} : memref<8000xi32, #tpu.memory_space<vmem>>, vector<16xi32>,
        tpu.vector_store %arg20[%swap3A_173], %gather3A_172 {strides = array<i32>} : memref<8000xi32, #tpu.memory_space<vmem>>, vector<16xi32>,
        %and3A_175 = arith.constant 7 : i32
        %and3A_176 = vector.broadcast %and3A_175 : i32 to vector<16xi32>
        %and3A_177 = arith.andi %min3A_167, %and3A_176 : vector<16xi32>
        %swap3A_178 = arith.index_cast %mul3A_162 : i32 to index
        %swap3A_179 = tpu.vector_load %arg21[%swap3A_178] {strides = array<i32>} : memref<8000xi32, #tpu.memory_space<vmem>>, vector<16xi32>,
        tpu.vector_store %arg21[%swap3A_178], %and3A_177 {strides = array<i32>} : memref<8000xi32, #tpu.memory_space<vmem>>, vector<16xi32>,
        %gather3A_180 = tpu.vector_load_idx %arg11[%min3A_167] : memref<8000xf32, #tpu.memory_space<vmem>>[vector<16xi32>], vector<16xf32>,
        %swap3A_181 = arith.index_cast %mul3A_162 : i32 to index
        %swap3A_182 = tpu.vector_load %arg12[%swap3A_181] {strides = array<i32>} : memref<8000xf32, #tpu.memory_space<vmem>>, vector<16xf32>,
        tpu.vector_store %arg12[%swap3A_181], %gather3A_180 {strides = array<i32>} : memref<8000xf32, #tpu.memory_space<vmem>>, vector<16xf32>,
        %while3A_183 = arith.constant 0 : i32
        scf.yield %while3A_183 : i32
      }
      %eq3A_149 = arith.constant 0 : i32
      %eq3A_150 = arith.cmpi eq, %rem3A_3, %eq3A_149 : i32
      %convert_element_type3A_151 = arith.extui %eq3A_150 : i1 to i32
      %cond3A_152 = arith.constant 0 : i32
      %cond3A_153 = arith.cmpi ne, %convert_element_type3A_151, %cond3A_152 : i32
      scf.if %cond3A_153 {
        %parallel_loop3A_159 = arith.constant 0 : i32
        %parallel_loop3A_160 = arith.constant 8000 : i32
        %parallel_loop3A_161 = arith.constant 16 : i32
        scf.for %parallel_loop3A_165 = %parallel_loop3A_159 to %parallel_loop3A_160 step %parallel_loop3A_161  : i32 {
          %parallel_loop3A_166 = arith.constant 0.000000e+00 : f32
          %parallel_loop3A_167 = vector.broadcast %parallel_loop3A_166 : f32 to vector<16xf32>
          %parallel_loop3A_168 = arith.index_cast %parallel_loop3A_165 : i32 to index
          %parallel_loop3A_169 = tpu.vector_load %arg22[%parallel_loop3A_168] {strides = array<i32>} : memref<8000xf32, #tpu.memory_space<vmem>>, vector<16xf32>,
          tpu.vector_store %arg22[%parallel_loop3A_168], %parallel_loop3A_167 {strides = array<i32>} : memref<8000xf32, #tpu.memory_space<vmem>>, vector<16xf32>,
          %parallel_loop3A_170 = arith.constant 0 : i32
          %parallel_loop3A_171 = vector.broadcast %parallel_loop3A_170 : i32 to vector<16xi32>
          %parallel_loop3A_172 = arith.index_cast %parallel_loop3A_165 : i32 to index
          %parallel_loop3A_173 = tpu.vector_load %arg23[%parallel_loop3A_172] {strides = array<i32>} : memref<8000xi32, #tpu.memory_space<vmem>>, vector<16xi32>,
          tpu.vector_store %arg23[%parallel_loop3A_172], %parallel_loop3A_171 {strides = array<i32>} : memref<8000xi32, #tpu.memory_space<vmem>>, vector<16xi32>,
        } {sc.loop_unroll_factor = 4 : i64, sc.parallel_access}
        %parallel_loop3A_162 = arith.constant 0 : i32
        %parallel_loop3A_163 = arith.constant 512 : i32
        %parallel_loop3A_164 = arith.constant 16 : i32
        scf.for %parallel_loop3A_165 = %parallel_loop3A_162 to %parallel_loop3A_163 step %parallel_loop3A_164  : i32 {
          %parallel_loop3A_166 = arith.constant 0 : i32
          %parallel_loop3A_167 = vector.broadcast %parallel_loop3A_166 : i32 to vector<16xi32>
          %parallel_loop3A_168 = arith.index_cast %parallel_loop3A_165 : i32 to index
          %parallel_loop3A_169 = tpu.vector_load %arg27[%parallel_loop3A_168] {strides = array<i32>} : memref<512xi32, #tpu.memory_space<vmem>>, vector<16xi32>,
          tpu.vector_store %arg27[%parallel_loop3A_168], %parallel_loop3A_167 {strides = array<i32>} : memref<512xi32, #tpu.memory_space<vmem>>, vector<16xi32>,
          %parallel_loop3A_170 = arith.constant 0 : i32
          %parallel_loop3A_171 = vector.broadcast %parallel_loop3A_170 : i32 to vector<16xi32>
          %parallel_loop3A_172 = arith.index_cast %parallel_loop3A_165 : i32 to index
          %parallel_loop3A_173 = tpu.vector_load %arg28[%parallel_loop3A_172] {strides = array<i32>} : memref<512xi32, #tpu.memory_space<vmem>>, vector<16xi32>,
          tpu.vector_store %arg28[%parallel_loop3A_172], %parallel_loop3A_171 {strides = array<i32>} : memref<512xi32, #tpu.memory_space<vmem>>, vector<16xi32>,
          %parallel_loop3A_174 = arith.constant 0 : i32
          %parallel_loop3A_175 = vector.broadcast %parallel_loop3A_174 : i32 to vector<16xi32>
          %parallel_loop3A_176 = arith.index_cast %parallel_loop3A_165 : i32 to index
          %parallel_loop3A_177 = tpu.vector_load %arg29[%parallel_loop3A_176] {strides = array<i32>} : memref<512xi32, #tpu.memory_space<vmem>>, vector<16xi32>,
          tpu.vector_store %arg29[%parallel_loop3A_176], %parallel_loop3A_175 {strides = array<i32>} : memref<512xi32, #tpu.memory_space<vmem>>, vector<16xi32>,
        } {sc.loop_unroll_factor = 4 : i64, sc.parallel_access}
      } else {
      }
      %eq3A_154 = arith.constant 1 : i32
      %eq3A_155 = arith.cmpi eq, %rem3A_3, %eq3A_154 : i32
      %convert_element_type3A_156 = arith.extui %eq3A_155 : i1 to i32
      %cond3A_157 = arith.constant 0 : i32
      %cond3A_158 = arith.cmpi ne, %convert_element_type3A_156, %cond3A_157 : i32
      scf.if %cond3A_158 {
        %mul3A_159 = arith.constant 3 : i32
        %mul3A_160 = arith.muli %add3A, %mul3A_159 : i32
        "tpu.region"() ({
          %run_scoped3A = tpu.sem_alloc : memref<!tpu.dma_semaphore, #tpu.memory_space<semaphore_mem>>
          %dma_start3A = arith.constant 0 : i32
          %dma_start3A_169 = tpu.memref_slice %arg10[%mul3A_160, %dma_start3A] : memref<12x8000xi32, #tpu.memory_space<hbm>> -> memref<1x8000xi32, #tpu.memory_space<hbm>>
          %dma_start3A_170 = tpu.memref_squeeze %dma_start3A_169 : memref<1x8000xi32, #tpu.memory_space<hbm>> -> memref<8000xi32, #tpu.memory_space<hbm>>
          %dma_start3A_171 = arith.constant 0 : i32
          %dma_start3A_172 = tpu.memref_slice %arg10[%mul3A_160, %dma_start3A_171] : memref<12x8000xi32, #tpu.memory_space<hbm>> -> memref<1x8000xi32, #tpu.memory_space<hbm>>
          %dma_start3A_173 = tpu.memref_squeeze %dma_start3A_172 : memref<1x8000xi32, #tpu.memory_space<hbm>> -> memref<8000xi32, #tpu.memory_space<hbm>>
          tpu.enqueue_dma source(%arg19 : memref<8000xi32, #tpu.memory_space<vmem>>) target(%dma_start3A_173 : memref<8000xi32, #tpu.memory_space<hbm>>) target_semaphore(%run_scoped3A : memref<!tpu.dma_semaphore, #tpu.memory_space<semaphore_mem>>)
          %dma_wait3A = arith.constant 0 : i32
          %dma_wait3A_174 = tpu.memref_slice %arg10[%mul3A_160, %dma_wait3A] : memref<12x8000xi32, #tpu.memory_space<hbm>> -> memref<1x8000xi32, #tpu.memory_space<hbm>>
          %dma_wait3A_175 = tpu.memref_squeeze %dma_wait3A_174 : memref<1x8000xi32, #tpu.memory_space<hbm>> -> memref<8000xi32, #tpu.memory_space<hbm>>
          %dma_wait3A_176 = arith.constant 0 : i32
          %dma_wait3A_177 = tpu.memref_slice %arg10[%mul3A_160, %dma_wait3A_176] : memref<12x8000xi32, #tpu.memory_space<hbm>> -> memref<1x8000xi32, #tpu.memory_space<hbm>>
          %dma_wait3A_178 = tpu.memref_squeeze %dma_wait3A_177 : memref<1x8000xi32, #tpu.memory_space<hbm>> -> memref<8000xi32, #tpu.memory_space<hbm>>
          tpu.wait_dma2 semaphore(%run_scoped3A : memref<!tpu.dma_semaphore, #tpu.memory_space<semaphore_mem>>) src(%arg19 : memref<8000xi32, #tpu.memory_space<vmem>>) dst(%dma_wait3A_178 : memref<8000xi32, #tpu.memory_space<hbm>>)
          tpu.yield
        }) : () -> ()
        %mul3A_161 = arith.constant 3 : i32
        %mul3A_162 = arith.muli %add3A, %mul3A_161 : i32
        %add3A_163 = arith.constant 1 : i32
        %add3A_164 = arith.addi %mul3A_162, %add3A_163 : i32
        "tpu.region"() ({
          %run_scoped3A = tpu.sem_alloc : memref<!tpu.dma_semaphore, #tpu.memory_space<semaphore_mem>>
          %dma_start3A = arith.constant 0 : i32
          %dma_start3A_169 = tpu.memref_slice %arg10[%add3A_164, %dma_start3A] : memref<12x8000xi32, #tpu.memory_space<hbm>> -> memref<1x8000xi32, #tpu.memory_space<hbm>>
          %dma_start3A_170 = tpu.memref_squeeze %dma_start3A_169 : memref<1x8000xi32, #tpu.memory_space<hbm>> -> memref<8000xi32, #tpu.memory_space<hbm>>
          %dma_start3A_171 = arith.constant 0 : i32
          %dma_start3A_172 = tpu.memref_slice %arg10[%add3A_164, %dma_start3A_171] : memref<12x8000xi32, #tpu.memory_space<hbm>> -> memref<1x8000xi32, #tpu.memory_space<hbm>>
          %dma_start3A_173 = tpu.memref_squeeze %dma_start3A_172 : memref<1x8000xi32, #tpu.memory_space<hbm>> -> memref<8000xi32, #tpu.memory_space<hbm>>
          tpu.enqueue_dma source(%arg20 : memref<8000xi32, #tpu.memory_space<vmem>>) target(%dma_start3A_173 : memref<8000xi32, #tpu.memory_space<hbm>>) target_semaphore(%run_scoped3A : memref<!tpu.dma_semaphore, #tpu.memory_space<semaphore_mem>>)
          %dma_wait3A = arith.constant 0 : i32
          %dma_wait3A_174 = tpu.memref_slice %arg10[%add3A_164, %dma_wait3A] : memref<12x8000xi32, #tpu.memory_space<hbm>> -> memref<1x8000xi32, #tpu.memory_space<hbm>>
          %dma_wait3A_175 = tpu.memref_squeeze %dma_wait3A_174 : memref<1x8000xi32, #tpu.memory_space<hbm>> -> memref<8000xi32, #tpu.memory_space<hbm>>
          %dma_wait3A_176 = arith.constant 0 : i32
          %dma_wait3A_177 = tpu.memref_slice %arg10[%add3A_164, %dma_wait3A_176] : memref<12x8000xi32, #tpu.memory_space<hbm>> -> memref<1x8000xi32, #tpu.memory_space<hbm>>
          %dma_wait3A_178 = tpu.memref_squeeze %dma_wait3A_177 : memref<1x8000xi32, #tpu.memory_space<hbm>> -> memref<8000xi32, #tpu.memory_space<hbm>>
          tpu.wait_dma2 semaphore(%run_scoped3A : memref<!tpu.dma_semaphore, #tpu.memory_space<semaphore_mem>>) src(%arg20 : memref<8000xi32, #tpu.memory_space<vmem>>) dst(%dma_wait3A_178 : memref<8000xi32, #tpu.memory_space<hbm>>)
          tpu.yield
        }) : () -> ()
        %mul3A_165 = arith.constant 3 : i32
        %mul3A_166 = arith.muli %add3A, %mul3A_165 : i32
        %add3A_167 = arith.constant 2 : i32
        %add3A_168 = arith.addi %mul3A_166, %add3A_167 : i32
        "tpu.region"() ({
          %run_scoped3A = tpu.sem_alloc : memref<!tpu.dma_semaphore, #tpu.memory_space<semaphore_mem>>
          %dma_start3A = arith.constant 0 : i32
          %dma_start3A_169 = tpu.memref_slice %arg10[%add3A_168, %dma_start3A] : memref<12x8000xi32, #tpu.memory_space<hbm>> -> memref<1x8000xi32, #tpu.memory_space<hbm>>
          %dma_start3A_170 = tpu.memref_squeeze %dma_start3A_169 : memref<1x8000xi32, #tpu.memory_space<hbm>> -> memref<8000xi32, #tpu.memory_space<hbm>>
          %dma_start3A_171 = arith.constant 0 : i32
          %dma_start3A_172 = tpu.memref_slice %arg10[%add3A_168, %dma_start3A_171] : memref<12x8000xi32, #tpu.memory_space<hbm>> -> memref<1x8000xi32, #tpu.memory_space<hbm>>
          %dma_start3A_173 = tpu.memref_squeeze %dma_start3A_172 : memref<1x8000xi32, #tpu.memory_space<hbm>> -> memref<8000xi32, #tpu.memory_space<hbm>>
          tpu.enqueue_dma source(%arg21 : memref<8000xi32, #tpu.memory_space<vmem>>) target(%dma_start3A_173 : memref<8000xi32, #tpu.memory_space<hbm>>) target_semaphore(%run_scoped3A : memref<!tpu.dma_semaphore, #tpu.memory_space<semaphore_mem>>)
          %dma_wait3A = arith.constant 0 : i32
          %dma_wait3A_174 = tpu.memref_slice %arg10[%add3A_168, %dma_wait3A] : memref<12x8000xi32, #tpu.memory_space<hbm>> -> memref<1x8000xi32, #tpu.memory_space<hbm>>
          %dma_wait3A_175 = tpu.memref_squeeze %dma_wait3A_174 : memref<1x8000xi32, #tpu.memory_space<hbm>> -> memref<8000xi32, #tpu.memory_space<hbm>>
          %dma_wait3A_176 = arith.constant 0 : i32
          %dma_wait3A_177 = tpu.memref_slice %arg10[%add3A_168, %dma_wait3A_176] : memref<12x8000xi32, #tpu.memory_space<hbm>> -> memref<1x8000xi32, #tpu.memory_space<hbm>>
          %dma_wait3A_178 = tpu.memref_squeeze %dma_wait3A_177 : memref<1x8000xi32, #tpu.memory_space<hbm>> -> memref<8000xi32, #tpu.memory_space<hbm>>
          tpu.wait_dma2 semaphore(%run_scoped3A : memref<!tpu.dma_semaphore, #tpu.memory_space<semaphore_mem>>) src(%arg21 : memref<8000xi32, #tpu.memory_space<vmem>>) dst(%dma_wait3A_178 : memref<8000xi32, #tpu.memory_space<hbm>>)
          tpu.yield
        }) : () -> ()
      } else {
      }
    } else {
    }
    %barrier3A = arith.constant 0 : index
    tpu.barrier barrier_id(%barrier3A)
    %eq3A = arith.constant 0 : i32
    %eq3A_7 = arith.cmpi eq, %rem3A_3, %eq3A : i32
    %and3A = arith.andi %lt3A_0, %eq3A_7 : i1
    %convert_element_type3A_8 = arith.extui %and3A : i1 to i32
    %cond3A_9 = arith.constant 0 : i32
    %cond3A_10 = arith.cmpi ne, %convert_element_type3A_8, %cond3A_9 : i32
    scf.if %cond3A_10 {
      %get3A = arith.constant 0 : i32
      %get3A_11 = arith.index_cast %get3A : i32 to index
      %get3A_12 = memref.load %arg30[%get3A_11] : memref<8xi32, #tpu.memory_space<smem>>
      %mul3A_13 = arith.constant 3 : i32
      %mul3A_14 = arith.muli %add3A, %mul3A_13 : i32
      %add3A_15 = arith.constant 0 : i32
      %add3A_16 = arith.addi %mul3A_14, %add3A_15 : i32
      "tpu.region"() ({
        %run_scoped3A = tpu.sem_alloc : memref<!tpu.dma_semaphore, #tpu.memory_space<semaphore_mem>>
        %dma_start3A_140 = arith.constant 0 : i32
        %dma_start3A_141 = tpu.memref_slice %arg10[%add3A_16, %dma_start3A_140] : memref<12x8000xi32, #tpu.memory_space<hbm>> -> memref<1x8000xi32, #tpu.memory_space<hbm>>
        %dma_start3A_142 = tpu.memref_squeeze %dma_start3A_141 : memref<1x8000xi32, #tpu.memory_space<hbm>> -> memref<8000xi32, #tpu.memory_space<hbm>>
        %dma_start3A_143 = arith.constant 0 : i32
        %dma_start3A_144 = tpu.memref_slice %arg10[%add3A_16, %dma_start3A_143] : memref<12x8000xi32, #tpu.memory_space<hbm>> -> memref<1x8000xi32, #tpu.memory_space<hbm>>
        %dma_start3A_145 = tpu.memref_squeeze %dma_start3A_144 : memref<1x8000xi32, #tpu.memory_space<hbm>> -> memref<8000xi32, #tpu.memory_space<hbm>>
        tpu.enqueue_dma source(%dma_start3A_145 : memref<8000xi32, #tpu.memory_space<hbm>>) target(%arg24 : memref<8000xi32, #tpu.memory_space<vmem>>) target_semaphore(%run_scoped3A : memref<!tpu.dma_semaphore, #tpu.memory_space<semaphore_mem>>)
        %dma_wait3A_146 = arith.constant 0 : i32
        %dma_wait3A_147 = tpu.memref_slice %arg10[%add3A_16, %dma_wait3A_146] : memref<12x8000xi32, #tpu.memory_space<hbm>> -> memref<1x8000xi32, #tpu.memory_space<hbm>>
        %dma_wait3A_148 = tpu.memref_squeeze %dma_wait3A_147 : memref<1x8000xi32, #tpu.memory_space<hbm>> -> memref<8000xi32, #tpu.memory_space<hbm>>
        %dma_wait3A_149 = arith.constant 0 : i32
        %dma_wait3A_150 = tpu.memref_slice %arg10[%add3A_16, %dma_wait3A_149] : memref<12x8000xi32, #tpu.memory_space<hbm>> -> memref<1x8000xi32, #tpu.memory_space<hbm>>
        %dma_wait3A_151 = tpu.memref_squeeze %dma_wait3A_150 : memref<1x8000xi32, #tpu.memory_space<hbm>> -> memref<8000xi32, #tpu.memory_space<hbm>>
        tpu.wait_dma2 semaphore(%run_scoped3A : memref<!tpu.dma_semaphore, #tpu.memory_space<semaphore_mem>>) src(%dma_wait3A_151 : memref<8000xi32, #tpu.memory_space<hbm>>) dst(%arg24 : memref<8000xi32, #tpu.memory_space<vmem>>)
        tpu.yield
      }) : () -> ()
      %div3A_17 = arith.constant 16 : i32
      %div3A_18 = arith.divsi %get3A_12, %div3A_17 : i32
      %while3A = arith.constant 500 : i32
      %while3A_19 = arith.constant 0 : i32
      %while3A_20 = arith.subi %while3A, %div3A_18 : i32
      %while3A_21 = arith.addi %div3A_18, %while3A_20 : i32
      %while3A_22 = arith.constant 1 : i32
      %while3A_23 = arith.divsi %while3A_20, %while3A_22 : i32
      %while3A_24 = arith.muli %while3A_23, %while3A_22 : i32
      %while3A_25 = arith.addi %div3A_18, %while3A_24 : i32
      %while3A_26 = arith.constant 1 : i32
      %while3A_27 = scf.for %while3A_140 = %div3A_18 to %while3A_25 step %while3A_26 iter_args(%while3A_141 = %while3A_19) -> (i32)  : i32 {
        %mul3A_142 = arith.constant 16 : i32
        %mul3A_143 = arith.muli %while3A_140, %mul3A_142 : i32
        %add3A_144 = vector.broadcast %mul3A_143 : i32 to vector<16xi32>
        %add3A_145 = arith.addi %add3A_144, %iota3A : vector<16xi32>
        %ge3A = vector.broadcast %get3A_12 : i32 to vector<16xi32>
        %ge3A_146 = arith.cmpi sge, %add3A_145, %ge3A : vector<16xi32>
        %get3A_147 = arith.index_cast %mul3A_143 : i32 to index
        %get3A_148 = tpu.vector_load %arg24[%get3A_147] {strides = array<i32>} : memref<8000xi32, #tpu.memory_space<vmem>>, vector<16xi32>,
        %get3A_149 = arith.index_cast %mul3A_143 : i32 to index
        %get3A_150 = tpu.vector_load %arg19[%get3A_149] {strides = array<i32>} : memref<8000xi32, #tpu.memory_space<vmem>>, vector<16xi32>,
        %select_n3A = arith.select %ge3A_146, %get3A_148, %get3A_150 : vector<16xi1>, vector<16xi32>
        %swap3A = arith.index_cast %mul3A_143 : i32 to index
        %swap3A_151 = tpu.vector_load %arg19[%swap3A] {strides = array<i32>} : memref<8000xi32, #tpu.memory_space<vmem>>, vector<16xi32>,
        tpu.vector_store %arg19[%swap3A], %select_n3A {strides = array<i32>} : memref<8000xi32, #tpu.memory_space<vmem>>, vector<16xi32>,
        %while3A_152 = arith.constant 0 : i32
        scf.yield %while3A_152 : i32
      }
      %while3A_28 = arith.constant 1 : i32
      %while3A_29 = scf.for %while3A_140 = %while3A_25 to %while3A_21 step %while3A_28 iter_args(%while3A_141 = %while3A_27) -> (i32)  : i32 {
        %mul3A_142 = arith.constant 16 : i32
        %mul3A_143 = arith.muli %while3A_140, %mul3A_142 : i32
        %add3A_144 = vector.broadcast %mul3A_143 : i32 to vector<16xi32>
        %add3A_145 = arith.addi %add3A_144, %iota3A : vector<16xi32>
        %ge3A = vector.broadcast %get3A_12 : i32 to vector<16xi32>
        %ge3A_146 = arith.cmpi sge, %add3A_145, %ge3A : vector<16xi32>
        %get3A_147 = arith.index_cast %mul3A_143 : i32 to index
        %get3A_148 = tpu.vector_load %arg24[%get3A_147] {strides = array<i32>} : memref<8000xi32, #tpu.memory_space<vmem>>, vector<16xi32>,
        %get3A_149 = arith.index_cast %mul3A_143 : i32 to index
        %get3A_150 = tpu.vector_load %arg19[%get3A_149] {strides = array<i32>} : memref<8000xi32, #tpu.memory_space<vmem>>, vector<16xi32>,
        %select_n3A = arith.select %ge3A_146, %get3A_148, %get3A_150 : vector<16xi1>, vector<16xi32>
        %swap3A = arith.index_cast %mul3A_143 : i32 to index
        %swap3A_151 = tpu.vector_load %arg19[%swap3A] {strides = array<i32>} : memref<8000xi32, #tpu.memory_space<vmem>>, vector<16xi32>,
        tpu.vector_store %arg19[%swap3A], %select_n3A {strides = array<i32>} : memref<8000xi32, #tpu.memory_space<vmem>>, vector<16xi32>,
        %while3A_152 = arith.constant 0 : i32
        scf.yield %while3A_152 : i32
      }
      %mul3A_30 = arith.constant 3 : i32
      %mul3A_31 = arith.muli %add3A, %mul3A_30 : i32
      %add3A_32 = arith.constant 1 : i32
      %add3A_33 = arith.addi %mul3A_31, %add3A_32 : i32
      "tpu.region"() ({
        %run_scoped3A = tpu.sem_alloc : memref<!tpu.dma_semaphore, #tpu.memory_space<semaphore_mem>>
        %dma_start3A_140 = arith.constant 0 : i32
        %dma_start3A_141 = tpu.memref_slice %arg10[%add3A_33, %dma_start3A_140] : memref<12x8000xi32, #tpu.memory_space<hbm>> -> memref<1x8000xi32, #tpu.memory_space<hbm>>
        %dma_start3A_142 = tpu.memref_squeeze %dma_start3A_141 : memref<1x8000xi32, #tpu.memory_space<hbm>> -> memref<8000xi32, #tpu.memory_space<hbm>>
        %dma_start3A_143 = arith.constant 0 : i32
        %dma_start3A_144 = tpu.memref_slice %arg10[%add3A_33, %dma_start3A_143] : memref<12x8000xi32, #tpu.memory_space<hbm>> -> memref<1x8000xi32, #tpu.memory_space<hbm>>
        %dma_start3A_145 = tpu.memref_squeeze %dma_start3A_144 : memref<1x8000xi32, #tpu.memory_space<hbm>> -> memref<8000xi32, #tpu.memory_space<hbm>>
        tpu.enqueue_dma source(%dma_start3A_145 : memref<8000xi32, #tpu.memory_space<hbm>>) target(%arg24 : memref<8000xi32, #tpu.memory_space<vmem>>) target_semaphore(%run_scoped3A : memref<!tpu.dma_semaphore, #tpu.memory_space<semaphore_mem>>)
        %dma_wait3A_146 = arith.constant 0 : i32
        %dma_wait3A_147 = tpu.memref_slice %arg10[%add3A_33, %dma_wait3A_146] : memref<12x8000xi32, #tpu.memory_space<hbm>> -> memref<1x8000xi32, #tpu.memory_space<hbm>>
        %dma_wait3A_148 = tpu.memref_squeeze %dma_wait3A_147 : memref<1x8000xi32, #tpu.memory_space<hbm>> -> memref<8000xi32, #tpu.memory_space<hbm>>
        %dma_wait3A_149 = arith.constant 0 : i32
        %dma_wait3A_150 = tpu.memref_slice %arg10[%add3A_33, %dma_wait3A_149] : memref<12x8000xi32, #tpu.memory_space<hbm>> -> memref<1x8000xi32, #tpu.memory_space<hbm>>
        %dma_wait3A_151 = tpu.memref_squeeze %dma_wait3A_150 : memref<1x8000xi32, #tpu.memory_space<hbm>> -> memref<8000xi32, #tpu.memory_space<hbm>>
        tpu.wait_dma2 semaphore(%run_scoped3A : memref<!tpu.dma_semaphore, #tpu.memory_space<semaphore_mem>>) src(%dma_wait3A_151 : memref<8000xi32, #tpu.memory_space<hbm>>) dst(%arg24 : memref<8000xi32, #tpu.memory_space<vmem>>)
        tpu.yield
      }) : () -> ()
      %div3A_34 = arith.constant 16 : i32
      %div3A_35 = arith.divsi %get3A_12, %div3A_34 : i32
      %while3A_36 = arith.constant 500 : i32
      %while3A_37 = arith.constant 0 : i32
      %while3A_38 = arith.subi %while3A_36, %div3A_35 : i32
      %while3A_39 = arith.addi %div3A_35, %while3A_38 : i32
      %while3A_40 = arith.constant 1 : i32
      %while3A_41 = arith.divsi %while3A_38, %while3A_40 : i32
      %while3A_42 = arith.muli %while3A_41, %while3A_40 : i32
      %while3A_43 = arith.addi %div3A_35, %while3A_42 : i32
      %while3A_44 = arith.constant 1 : i32
      %while3A_45 = scf.for %while3A_140 = %div3A_35 to %while3A_43 step %while3A_44 iter_args(%while3A_141 = %while3A_37) -> (i32)  : i32 {
        %mul3A_142 = arith.constant 16 : i32
        %mul3A_143 = arith.muli %while3A_140, %mul3A_142 : i32
        %add3A_144 = vector.broadcast %mul3A_143 : i32 to vector<16xi32>
        %add3A_145 = arith.addi %add3A_144, %iota3A : vector<16xi32>
        %ge3A = vector.broadcast %get3A_12 : i32 to vector<16xi32>
        %ge3A_146 = arith.cmpi sge, %add3A_145, %ge3A : vector<16xi32>
        %get3A_147 = arith.index_cast %mul3A_143 : i32 to index
        %get3A_148 = tpu.vector_load %arg24[%get3A_147] {strides = array<i32>} : memref<8000xi32, #tpu.memory_space<vmem>>, vector<16xi32>,
        %get3A_149 = arith.index_cast %mul3A_143 : i32 to index
        %get3A_150 = tpu.vector_load %arg20[%get3A_149] {strides = array<i32>} : memref<8000xi32, #tpu.memory_space<vmem>>, vector<16xi32>,
        %select_n3A = arith.select %ge3A_146, %get3A_148, %get3A_150 : vector<16xi1>, vector<16xi32>
        %swap3A = arith.index_cast %mul3A_143 : i32 to index
        %swap3A_151 = tpu.vector_load %arg20[%swap3A] {strides = array<i32>} : memref<8000xi32, #tpu.memory_space<vmem>>, vector<16xi32>,
        tpu.vector_store %arg20[%swap3A], %select_n3A {strides = array<i32>} : memref<8000xi32, #tpu.memory_space<vmem>>, vector<16xi32>,
        %while3A_152 = arith.constant 0 : i32
        scf.yield %while3A_152 : i32
      }
      %while3A_46 = arith.constant 1 : i32
      %while3A_47 = scf.for %while3A_140 = %while3A_43 to %while3A_39 step %while3A_46 iter_args(%while3A_141 = %while3A_45) -> (i32)  : i32 {
        %mul3A_142 = arith.constant 16 : i32
        %mul3A_143 = arith.muli %while3A_140, %mul3A_142 : i32
        %add3A_144 = vector.broadcast %mul3A_143 : i32 to vector<16xi32>
        %add3A_145 = arith.addi %add3A_144, %iota3A : vector<16xi32>
        %ge3A = vector.broadcast %get3A_12 : i32 to vector<16xi32>
        %ge3A_146 = arith.cmpi sge, %add3A_145, %ge3A : vector<16xi32>
        %get3A_147 = arith.index_cast %mul3A_143 : i32 to index
        %get3A_148 = tpu.vector_load %arg24[%get3A_147] {strides = array<i32>} : memref<8000xi32, #tpu.memory_space<vmem>>, vector<16xi32>,
        %get3A_149 = arith.index_cast %mul3A_143 : i32 to index
        %get3A_150 = tpu.vector_load %arg20[%get3A_149] {strides = array<i32>} : memref<8000xi32, #tpu.memory_space<vmem>>, vector<16xi32>,
        %select_n3A = arith.select %ge3A_146, %get3A_148, %get3A_150 : vector<16xi1>, vector<16xi32>
        %swap3A = arith.index_cast %mul3A_143 : i32 to index
        %swap3A_151 = tpu.vector_load %arg20[%swap3A] {strides = array<i32>} : memref<8000xi32, #tpu.memory_space<vmem>>, vector<16xi32>,
        tpu.vector_store %arg20[%swap3A], %select_n3A {strides = array<i32>} : memref<8000xi32, #tpu.memory_space<vmem>>, vector<16xi32>,
        %while3A_152 = arith.constant 0 : i32
        scf.yield %while3A_152 : i32
      }
      %mul3A_48 = arith.constant 3 : i32
      %mul3A_49 = arith.muli %add3A, %mul3A_48 : i32
      %add3A_50 = arith.constant 2 : i32
      %add3A_51 = arith.addi %mul3A_49, %add3A_50 : i32
      "tpu.region"() ({
        %run_scoped3A = tpu.sem_alloc : memref<!tpu.dma_semaphore, #tpu.memory_space<semaphore_mem>>
        %dma_start3A_140 = arith.constant 0 : i32
        %dma_start3A_141 = tpu.memref_slice %arg10[%add3A_51, %dma_start3A_140] : memref<12x8000xi32, #tpu.memory_space<hbm>> -> memref<1x8000xi32, #tpu.memory_space<hbm>>
        %dma_start3A_142 = tpu.memref_squeeze %dma_start3A_141 : memref<1x8000xi32, #tpu.memory_space<hbm>> -> memref<8000xi32, #tpu.memory_space<hbm>>
        %dma_start3A_143 = arith.constant 0 : i32
        %dma_start3A_144 = tpu.memref_slice %arg10[%add3A_51, %dma_start3A_143] : memref<12x8000xi32, #tpu.memory_space<hbm>> -> memref<1x8000xi32, #tpu.memory_space<hbm>>
        %dma_start3A_145 = tpu.memref_squeeze %dma_start3A_144 : memref<1x8000xi32, #tpu.memory_space<hbm>> -> memref<8000xi32, #tpu.memory_space<hbm>>
        tpu.enqueue_dma source(%dma_start3A_145 : memref<8000xi32, #tpu.memory_space<hbm>>) target(%arg24 : memref<8000xi32, #tpu.memory_space<vmem>>) target_semaphore(%run_scoped3A : memref<!tpu.dma_semaphore, #tpu.memory_space<semaphore_mem>>)
        %dma_wait3A_146 = arith.constant 0 : i32
        %dma_wait3A_147 = tpu.memref_slice %arg10[%add3A_51, %dma_wait3A_146] : memref<12x8000xi32, #tpu.memory_space<hbm>> -> memref<1x8000xi32, #tpu.memory_space<hbm>>
        %dma_wait3A_148 = tpu.memref_squeeze %dma_wait3A_147 : memref<1x8000xi32, #tpu.memory_space<hbm>> -> memref<8000xi32, #tpu.memory_space<hbm>>
        %dma_wait3A_149 = arith.constant 0 : i32
        %dma_wait3A_150 = tpu.memref_slice %arg10[%add3A_51, %dma_wait3A_149] : memref<12x8000xi32, #tpu.memory_space<hbm>> -> memref<1x8000xi32, #tpu.memory_space<hbm>>
        %dma_wait3A_151 = tpu.memref_squeeze %dma_wait3A_150 : memref<1x8000xi32, #tpu.memory_space<hbm>> -> memref<8000xi32, #tpu.memory_space<hbm>>
        tpu.wait_dma2 semaphore(%run_scoped3A : memref<!tpu.dma_semaphore, #tpu.memory_space<semaphore_mem>>) src(%dma_wait3A_151 : memref<8000xi32, #tpu.memory_space<hbm>>) dst(%arg24 : memref<8000xi32, #tpu.memory_space<vmem>>)
        tpu.yield
      }) : () -> ()
      %div3A_52 = arith.constant 16 : i32
      %div3A_53 = arith.divsi %get3A_12, %div3A_52 : i32
      %while3A_54 = arith.constant 500 : i32
      %while3A_55 = arith.constant 0 : i32
      %while3A_56 = arith.subi %while3A_54, %div3A_53 : i32
      %while3A_57 = arith.addi %div3A_53, %while3A_56 : i32
      %while3A_58 = arith.constant 1 : i32
      %while3A_59 = arith.divsi %while3A_56, %while3A_58 : i32
      %while3A_60 = arith.muli %while3A_59, %while3A_58 : i32
      %while3A_61 = arith.addi %div3A_53, %while3A_60 : i32
      %while3A_62 = arith.constant 1 : i32
      %while3A_63 = scf.for %while3A_140 = %div3A_53 to %while3A_61 step %while3A_62 iter_args(%while3A_141 = %while3A_55) -> (i32)  : i32 {
        %mul3A_142 = arith.constant 16 : i32
        %mul3A_143 = arith.muli %while3A_140, %mul3A_142 : i32
        %add3A_144 = vector.broadcast %mul3A_143 : i32 to vector<16xi32>
        %add3A_145 = arith.addi %add3A_144, %iota3A : vector<16xi32>
        %ge3A = vector.broadcast %get3A_12 : i32 to vector<16xi32>
        %ge3A_146 = arith.cmpi sge, %add3A_145, %ge3A : vector<16xi32>
        %get3A_147 = arith.index_cast %mul3A_143 : i32 to index
        %get3A_148 = tpu.vector_load %arg24[%get3A_147] {strides = array<i32>} : memref<8000xi32, #tpu.memory_space<vmem>>, vector<16xi32>,
        %get3A_149 = arith.index_cast %mul3A_143 : i32 to index
        %get3A_150 = tpu.vector_load %arg21[%get3A_149] {strides = array<i32>} : memref<8000xi32, #tpu.memory_space<vmem>>, vector<16xi32>,
        %select_n3A = arith.select %ge3A_146, %get3A_148, %get3A_150 : vector<16xi1>, vector<16xi32>
        %swap3A = arith.index_cast %mul3A_143 : i32 to index
        %swap3A_151 = tpu.vector_load %arg21[%swap3A] {strides = array<i32>} : memref<8000xi32, #tpu.memory_space<vmem>>, vector<16xi32>,
        tpu.vector_store %arg21[%swap3A], %select_n3A {strides = array<i32>} : memref<8000xi32, #tpu.memory_space<vmem>>, vector<16xi32>,
        %while3A_152 = arith.constant 0 : i32
        scf.yield %while3A_152 : i32
      }
      %while3A_64 = arith.constant 1 : i32
      %while3A_65 = scf.for %while3A_140 = %while3A_61 to %while3A_57 step %while3A_64 iter_args(%while3A_141 = %while3A_63) -> (i32)  : i32 {
        %mul3A_142 = arith.constant 16 : i32
        %mul3A_143 = arith.muli %while3A_140, %mul3A_142 : i32
        %add3A_144 = vector.broadcast %mul3A_143 : i32 to vector<16xi32>
        %add3A_145 = arith.addi %add3A_144, %iota3A : vector<16xi32>
        %ge3A = vector.broadcast %get3A_12 : i32 to vector<16xi32>
        %ge3A_146 = arith.cmpi sge, %add3A_145, %ge3A : vector<16xi32>
        %get3A_147 = arith.index_cast %mul3A_143 : i32 to index
        %get3A_148 = tpu.vector_load %arg24[%get3A_147] {strides = array<i32>} : memref<8000xi32, #tpu.memory_space<vmem>>, vector<16xi32>,
        %get3A_149 = arith.index_cast %mul3A_143 : i32 to index
        %get3A_150 = tpu.vector_load %arg21[%get3A_149] {strides = array<i32>} : memref<8000xi32, #tpu.memory_space<vmem>>, vector<16xi32>,
        %select_n3A = arith.select %ge3A_146, %get3A_148, %get3A_150 : vector<16xi1>, vector<16xi32>
        %swap3A = arith.index_cast %mul3A_143 : i32 to index
        %swap3A_151 = tpu.vector_load %arg21[%swap3A] {strides = array<i32>} : memref<8000xi32, #tpu.memory_space<vmem>>, vector<16xi32>,
        tpu.vector_store %arg21[%swap3A], %select_n3A {strides = array<i32>} : memref<8000xi32, #tpu.memory_space<vmem>>, vector<16xi32>,
        %while3A_152 = arith.constant 0 : i32
        scf.yield %while3A_152 : i32
      }
      %add3A_66 = arith.constant 15 : i32
      %add3A_67 = arith.addi %get3A_12, %add3A_66 : i32
      %div3A_68 = arith.constant 16 : i32
      %div3A_69 = arith.divsi %add3A_67, %div3A_68 : i32
      %while3A_70 = arith.constant 0 : i32
      %while3A_71 = arith.constant 0 : i32
      %while3A_72 = arith.subi %div3A_69, %while3A_70 : i32
      %while3A_73 = arith.addi %while3A_70, %while3A_72 : i32
      %while3A_74 = arith.constant 1 : i32
      %while3A_75 = arith.divsi %while3A_72, %while3A_74 : i32
      %while3A_76 = arith.muli %while3A_75, %while3A_74 : i32
      %while3A_77 = arith.addi %while3A_70, %while3A_76 : i32
      %while3A_78 = arith.constant 1 : i32
      %while3A_79 = scf.for %while3A_140 = %while3A_70 to %while3A_77 step %while3A_78 iter_args(%while3A_141 = %while3A_71) -> (i32)  : i32 {
        %mul3A_142 = arith.constant 16 : i32
        %mul3A_143 = arith.muli %while3A_140, %mul3A_142 : i32
        %add3A_144 = vector.broadcast %mul3A_143 : i32 to vector<16xi32>
        %add3A_145 = arith.addi %add3A_144, %iota3A : vector<16xi32>
        %lt3A_146 = vector.broadcast %get3A_12 : i32 to vector<16xi32>
        %lt3A_147 = arith.cmpi slt, %add3A_145, %lt3A_146 : vector<16xi32>
        %get3A_148 = arith.index_cast %mul3A_143 : i32 to index
        %get3A_149 = tpu.vector_load %arg19[%get3A_148] {strides = array<i32>} : memref<8000xi32, #tpu.memory_space<vmem>>, vector<16xi32>,
        %get3A_150 = arith.index_cast %mul3A_143 : i32 to index
        %get3A_151 = tpu.vector_load %arg20[%get3A_150] {strides = array<i32>} : memref<8000xi32, #tpu.memory_space<vmem>>, vector<16xi32>,
        %while3A_152 = arith.constant -1 : i32
        %while3A_153 = arith.constant true
        %while3A_154:2 = scf.while (%while3A_156 = %while3A_152, %while3A_157 = %while3A_153) : (i32, i1) -> (i32, i1) {
          scf.condition(%while3A_157) %while3A_156, %while3A_157 : i32, i1
        } do {
        ^bb0(%while3A_156: i32, %while3A_157: i1):
          %gather3A = tpu.vector_load_idx %arg29[%get3A_149] : memref<512xi32, #tpu.memory_space<vmem>>[vector<16xi32>], vector<16xi32>,
          %gather3A_158 = tpu.vector_load_idx %arg28[%get3A_151] : memref<512xi32, #tpu.memory_space<vmem>>[vector<16xi32>], vector<16xi32>,
          %sub3A = arith.subi %gather3A_158, %gather3A : vector<16xi32>
          %gt3A = arith.constant 0 : i32
          %gt3A_159 = vector.broadcast %gt3A : i32 to vector<16xi32>
          %gt3A_160 = arith.cmpi sgt, %sub3A, %gt3A_159 : vector<16xi32>
          %not3A = arith.constant dense<true> : vector<16xi1>
          %not3A_161 = arith.xori %gt3A_160, %not3A : vector<16xi1>
          %and3A_162 = arith.andi %lt3A_147, %not3A_161 : vector<16xi1>
          %gt3A_163 = vector.broadcast %while3A_156 : i32 to vector<16xi32>
          %gt3A_164 = arith.cmpi sgt, %iota3A, %gt3A_163 : vector<16xi32>
          %and3A_165 = arith.andi %and3A_162, %gt3A_164 : vector<16xi1>
          %all_reduce_ffs3A = tpu.all_reduce %and3A_165 {dim = 0 : i64, kind = #tpu.reduction_kind<find_first_set>} : vector<16xi1> -> vector<16xi32>
          %slice3A = vector.extract_strided_slice %all_reduce_ffs3A {offsets = [0], sizes = [1], strides = [1]} : vector<16xi32> to vector<1xi32>
          %squeeze3A = vector.extract %slice3A[0] : i32 from vector<1xi32>
          %ge3A = arith.constant 0 : i32
          %ge3A_166 = arith.cmpi sge, %squeeze3A, %ge3A : i32
          %lt3A_167 = arith.constant 16 : i32
          %lt3A_168 = arith.cmpi slt, %squeeze3A, %lt3A_167 : i32
          %and3A_169 = arith.andi %ge3A_166, %lt3A_168 : i1
          %convert_element_type3A_170 = arith.extui %and3A_169 : i1 to i32
          %cond3A_171 = arith.constant 0 : i32
          %cond3A_172 = arith.cmpi ne, %convert_element_type3A_170, %cond3A_171 : i32
          scf.if %cond3A_172 {
            %eq3A_173 = vector.broadcast %squeeze3A : i32 to vector<16xi32>
            %eq3A_174 = arith.cmpi eq, %iota3A, %eq3A_173 : vector<16xi32>
            %jit3A = arith.constant -1 : i32
            %broadcast_in_dim3A = vector.broadcast %jit3A : i32 to vector<16xi32>
            %select_n3A_175 = arith.select %eq3A_174, %get3A_149, %broadcast_in_dim3A : vector<16xi1>, vector<16xi32>
            %reduce_max3A = arith.constant true
            %reduce_max3A_176 = vector.broadcast %reduce_max3A : i1 to vector<16xi1>
            %reduce_max3A_177 = arith.constant -2147483648 : i32
            %reduce_max3A_178 = vector.broadcast %reduce_max3A_177 : i32 to vector<16xi32>
            %reduce_max3A_179 = arith.xori %select_n3A_175, %reduce_max3A_178 : vector<16xi32>
            %reduce_max3A_180 = tpu.scan <max>, %reduce_max3A_179 masked %reduce_max3A_176 : vector<16xi32>, vector<16xi1> -> vector<16xi32>
            %reduce_max3A_181 = arith.xori %reduce_max3A_180, %reduce_max3A_178 : vector<16xi32>
            %reduce_max3A_182 = vector.extract %reduce_max3A_181[15] : i32 from vector<16xi32>
            %jit3A_183 = arith.constant -1 : i32
            %broadcast_in_dim3A_184 = vector.broadcast %jit3A_183 : i32 to vector<16xi32>
            %select_n3A_185 = arith.select %eq3A_174, %get3A_151, %broadcast_in_dim3A_184 : vector<16xi1>, vector<16xi32>
            %reduce_max3A_186 = arith.constant true
            %reduce_max3A_187 = vector.broadcast %reduce_max3A_186 : i1 to vector<16xi1>
            %reduce_max3A_188 = arith.constant -2147483648 : i32
            %reduce_max3A_189 = vector.broadcast %reduce_max3A_188 : i32 to vector<16xi32>
            %reduce_max3A_190 = arith.xori %select_n3A_185, %reduce_max3A_189 : vector<16xi32>
            %reduce_max3A_191 = tpu.scan <max>, %reduce_max3A_190 masked %reduce_max3A_187 : vector<16xi32>, vector<16xi1> -> vector<16xi32>
            %reduce_max3A_192 = arith.xori %reduce_max3A_191, %reduce_max3A_189 : vector<16xi32>
            %reduce_max3A_193 = vector.extract %reduce_max3A_192[15] : i32 from vector<16xi32>
            %scan3A = arith.constant 0 : i32
            %scan3A_194 = arith.constant 0 : i32
            %scan3A_195 = arith.constant 32 : i32
            %scan3A_196 = arith.addi %scan3A_194, %scan3A_195 : i32
            %scan3A_197 = arith.constant 1 : i32
            %scan3A_198 = scf.for %scan3A_214 = %scan3A_194 to %scan3A_196 step %scan3A_197 iter_args(%scan3A_215 = %scan3A) -> (i32)  : i32 {
              %mul3A_216 = arith.constant 16 : i32
              %mul3A_217 = arith.muli %scan3A_214, %mul3A_216 : i32
              %add3A_218 = vector.broadcast %mul3A_217 : i32 to vector<16xi32>
              %add3A_219 = arith.addi %iota3A, %add3A_218 : vector<16xi32>
              %mul3A_220 = arith.constant 16 : i32
              %mul3A_221 = arith.muli %scan3A_214, %mul3A_220 : i32
              %get3A_222 = arith.index_cast %mul3A_221 : i32 to index
              %get3A_223 = tpu.vector_load %arg27[%get3A_222] {strides = array<i32>} : memref<512xi32, #tpu.memory_space<vmem>>, vector<16xi32>,
              %ge3A_224 = vector.broadcast %reduce_max3A_182 : i32 to vector<16xi32>
              %ge3A_225 = arith.cmpi sge, %add3A_219, %ge3A_224 : vector<16xi32>
              %le3A = vector.broadcast %reduce_max3A_193 : i32 to vector<16xi32>
              %le3A_226 = arith.cmpi sle, %add3A_219, %le3A : vector<16xi32>
              %and3A_227 = arith.andi %ge3A_225, %le3A_226 : vector<16xi1>
              %jit3A_228 = arith.constant 1 : i32
              %broadcast_in_dim3A_229 = vector.broadcast %jit3A_228 : i32 to vector<16xi32>
              %select_n3A_230 = arith.select %and3A_227, %broadcast_in_dim3A_229, %get3A_223 : vector<16xi1>, vector<16xi32>
              %mul3A_231 = arith.constant 16 : i32
              %mul3A_232 = arith.muli %scan3A_214, %mul3A_231 : i32
              %swap3A_233 = arith.index_cast %mul3A_232 : i32 to index
              %swap3A_234 = tpu.vector_load %arg27[%swap3A_233] {strides = array<i32>} : memref<512xi32, #tpu.memory_space<vmem>>, vector<16xi32>,
              tpu.vector_store %arg27[%swap3A_233], %select_n3A_230 {strides = array<i32>} : memref<512xi32, #tpu.memory_space<vmem>>, vector<16xi32>,
              %broadcast_in_dim3A_235 = arith.constant true
              %broadcast_in_dim3A_236 = vector.broadcast %broadcast_in_dim3A_235 : i1 to vector<16xi1>
              %masked_cumsum3A = tpu.scan <sum>, %select_n3A_230 masked %broadcast_in_dim3A_236 : vector<16xi32>, vector<16xi1> -> vector<16xi32>
              %add3A_237 = vector.broadcast %scan3A_215 : i32 to vector<16xi32>
              %add3A_238 = arith.addi %masked_cumsum3A, %add3A_237 : vector<16xi32>
              %mul3A_239 = arith.constant 16 : i32
              %mul3A_240 = arith.muli %scan3A_214, %mul3A_239 : i32
              %swap3A_241 = arith.index_cast %mul3A_240 : i32 to index
              %swap3A_242 = tpu.vector_load %arg28[%swap3A_241] {strides = array<i32>} : memref<512xi32, #tpu.memory_space<vmem>>, vector<16xi32>,
              tpu.vector_store %arg28[%swap3A_241], %add3A_238 {strides = array<i32>} : memref<512xi32, #tpu.memory_space<vmem>>, vector<16xi32>,
              %sub3A_243 = arith.subi %masked_cumsum3A, %select_n3A_230 : vector<16xi32>
              %add3A_244 = vector.broadcast %scan3A_215 : i32 to vector<16xi32>
              %add3A_245 = arith.addi %sub3A_243, %add3A_244 : vector<16xi32>
              %mul3A_246 = arith.constant 16 : i32
              %mul3A_247 = arith.muli %scan3A_214, %mul3A_246 : i32
              %swap3A_248 = arith.index_cast %mul3A_247 : i32 to index
              %swap3A_249 = tpu.vector_load %arg29[%swap3A_248] {strides = array<i32>} : memref<512xi32, #tpu.memory_space<vmem>>, vector<16xi32>,
              tpu.vector_store %arg29[%swap3A_248], %add3A_245 {strides = array<i32>} : memref<512xi32, #tpu.memory_space<vmem>>, vector<16xi32>,
              %reduce_max3A_250 = arith.constant true
              %reduce_max3A_251 = vector.broadcast %reduce_max3A_250 : i1 to vector<16xi1>
              %reduce_max3A_252 = arith.constant -2147483648 : i32
              %reduce_max3A_253 = vector.broadcast %reduce_max3A_252 : i32 to vector<16xi32>
              %reduce_max3A_254 = arith.xori %masked_cumsum3A, %reduce_max3A_253 : vector<16xi32>
              %reduce_max3A_255 = tpu.scan <max>, %reduce_max3A_254 masked %reduce_max3A_251 : vector<16xi32>, vector<16xi1> -> vector<16xi32>
              %reduce_max3A_256 = arith.xori %reduce_max3A_255, %reduce_max3A_253 : vector<16xi32>
              %reduce_max3A_257 = vector.extract %reduce_max3A_256[15] : i32 from vector<16xi32>
              %add3A_258 = arith.addi %scan3A_215, %reduce_max3A_257 : i32
              scf.yield %add3A_258 : i32
            }
            %scan3A_199 = arith.constant 32 : i32
            %get3A_200 = arith.index_cast %mul3A_143 : i32 to index
            %get3A_201 = tpu.vector_load %arg23[%get3A_200] {strides = array<i32>} : memref<8000xi32, #tpu.memory_space<vmem>>, vector<16xi32>,
            %jit3A_202 = arith.constant 1 : i32
            %jit3A_203 = arith.constant 0 : i32
            %broadcast_in_dim3A_204 = vector.broadcast %jit3A_202 : i32 to vector<16xi32>
            %broadcast_in_dim3A_205 = vector.broadcast %jit3A_203 : i32 to vector<16xi32>
            %select_n3A_206 = arith.select %eq3A_174, %broadcast_in_dim3A_204, %broadcast_in_dim3A_205 : vector<16xi1>, vector<16xi32>
            %or3A = arith.ori %get3A_201, %select_n3A_206 : vector<16xi32>
            %swap3A = arith.index_cast %mul3A_143 : i32 to index
            %swap3A_207 = tpu.vector_load %arg23[%swap3A] {strides = array<i32>} : memref<8000xi32, #tpu.memory_space<vmem>>, vector<16xi32>,
            tpu.vector_store %arg23[%swap3A], %or3A {strides = array<i32>} : memref<8000xi32, #tpu.memory_space<vmem>>, vector<16xi32>,
            %get3A_208 = arith.index_cast %mul3A_143 : i32 to index
            %get3A_209 = tpu.vector_load %arg12[%get3A_208] {strides = array<i32>} : memref<8000xf32, #tpu.memory_space<vmem>>, vector<16xf32>,
            %convert_element_type3A_210 = arith.sitofp %or3A : vector<16xi32> to vector<16xf32>
            %mul3A_211 = arith.mulf %get3A_209, %convert_element_type3A_210 : vector<16xf32>
            %swap3A_212 = arith.index_cast %mul3A_143 : i32 to index
            %swap3A_213 = tpu.vector_load %arg22[%swap3A_212] {strides = array<i32>} : memref<8000xf32, #tpu.memory_space<vmem>>, vector<16xf32>,
            tpu.vector_store %arg22[%swap3A_212], %mul3A_211 {strides = array<i32>} : memref<8000xf32, #tpu.memory_space<vmem>>, vector<16xf32>,
          } else {
          }
          %select_n3A = arith.select %and3A_169, %squeeze3A, %while3A_156 : i32
          scf.yield %select_n3A, %and3A_169 : i32, i1
        }
        %while3A_155 = arith.constant 0 : i32
        scf.yield %while3A_155 : i32
      }
      %while3A_80 = arith.constant 1 : i32
      %while3A_81 = scf.for %while3A_140 = %while3A_77 to %while3A_73 step %while3A_80 iter_args(%while3A_141 = %while3A_79) -> (i32)  : i32 {
        %mul3A_142 = arith.constant 16 : i32
        %mul3A_143 = arith.muli %while3A_140, %mul3A_142 : i32
        %add3A_144 = vector.broadcast %mul3A_143 : i32 to vector<16xi32>
        %add3A_145 = arith.addi %add3A_144, %iota3A : vector<16xi32>
        %lt3A_146 = vector.broadcast %get3A_12 : i32 to vector<16xi32>
        %lt3A_147 = arith.cmpi slt, %add3A_145, %lt3A_146 : vector<16xi32>
        %get3A_148 = arith.index_cast %mul3A_143 : i32 to index
        %get3A_149 = tpu.vector_load %arg19[%get3A_148] {strides = array<i32>} : memref<8000xi32, #tpu.memory_space<vmem>>, vector<16xi32>,
        %get3A_150 = arith.index_cast %mul3A_143 : i32 to index
        %get3A_151 = tpu.vector_load %arg20[%get3A_150] {strides = array<i32>} : memref<8000xi32, #tpu.memory_space<vmem>>, vector<16xi32>,
        %while3A_152 = arith.constant -1 : i32
        %while3A_153 = arith.constant true
        %while3A_154:2 = scf.while (%while3A_156 = %while3A_152, %while3A_157 = %while3A_153) : (i32, i1) -> (i32, i1) {
          scf.condition(%while3A_157) %while3A_156, %while3A_157 : i32, i1
        } do {
        ^bb0(%while3A_156: i32, %while3A_157: i1):
          %gather3A = tpu.vector_load_idx %arg29[%get3A_149] : memref<512xi32, #tpu.memory_space<vmem>>[vector<16xi32>], vector<16xi32>,
          %gather3A_158 = tpu.vector_load_idx %arg28[%get3A_151] : memref<512xi32, #tpu.memory_space<vmem>>[vector<16xi32>], vector<16xi32>,
          %sub3A = arith.subi %gather3A_158, %gather3A : vector<16xi32>
          %gt3A = arith.constant 0 : i32
          %gt3A_159 = vector.broadcast %gt3A : i32 to vector<16xi32>
          %gt3A_160 = arith.cmpi sgt, %sub3A, %gt3A_159 : vector<16xi32>
          %not3A = arith.constant dense<true> : vector<16xi1>
          %not3A_161 = arith.xori %gt3A_160, %not3A : vector<16xi1>
          %and3A_162 = arith.andi %lt3A_147, %not3A_161 : vector<16xi1>
          %gt3A_163 = vector.broadcast %while3A_156 : i32 to vector<16xi32>
          %gt3A_164 = arith.cmpi sgt, %iota3A, %gt3A_163 : vector<16xi32>
          %and3A_165 = arith.andi %and3A_162, %gt3A_164 : vector<16xi1>
          %all_reduce_ffs3A = tpu.all_reduce %and3A_165 {dim = 0 : i64, kind = #tpu.reduction_kind<find_first_set>} : vector<16xi1> -> vector<16xi32>
          %slice3A = vector.extract_strided_slice %all_reduce_ffs3A {offsets = [0], sizes = [1], strides = [1]} : vector<16xi32> to vector<1xi32>
          %squeeze3A = vector.extract %slice3A[0] : i32 from vector<1xi32>
          %ge3A = arith.constant 0 : i32
          %ge3A_166 = arith.cmpi sge, %squeeze3A, %ge3A : i32
          %lt3A_167 = arith.constant 16 : i32
          %lt3A_168 = arith.cmpi slt, %squeeze3A, %lt3A_167 : i32
          %and3A_169 = arith.andi %ge3A_166, %lt3A_168 : i1
          %convert_element_type3A_170 = arith.extui %and3A_169 : i1 to i32
          %cond3A_171 = arith.constant 0 : i32
          %cond3A_172 = arith.cmpi ne, %convert_element_type3A_170, %cond3A_171 : i32
          scf.if %cond3A_172 {
            %eq3A_173 = vector.broadcast %squeeze3A : i32 to vector<16xi32>
            %eq3A_174 = arith.cmpi eq, %iota3A, %eq3A_173 : vector<16xi32>
            %jit3A = arith.constant -1 : i32
            %broadcast_in_dim3A = vector.broadcast %jit3A : i32 to vector<16xi32>
            %select_n3A_175 = arith.select %eq3A_174, %get3A_149, %broadcast_in_dim3A : vector<16xi1>, vector<16xi32>
            %reduce_max3A = arith.constant true
            %reduce_max3A_176 = vector.broadcast %reduce_max3A : i1 to vector<16xi1>
            %reduce_max3A_177 = arith.constant -2147483648 : i32
            %reduce_max3A_178 = vector.broadcast %reduce_max3A_177 : i32 to vector<16xi32>
            %reduce_max3A_179 = arith.xori %select_n3A_175, %reduce_max3A_178 : vector<16xi32>
            %reduce_max3A_180 = tpu.scan <max>, %reduce_max3A_179 masked %reduce_max3A_176 : vector<16xi32>, vector<16xi1> -> vector<16xi32>
            %reduce_max3A_181 = arith.xori %reduce_max3A_180, %reduce_max3A_178 : vector<16xi32>
            %reduce_max3A_182 = vector.extract %reduce_max3A_181[15] : i32 from vector<16xi32>
            %jit3A_183 = arith.constant -1 : i32
            %broadcast_in_dim3A_184 = vector.broadcast %jit3A_183 : i32 to vector<16xi32>
            %select_n3A_185 = arith.select %eq3A_174, %get3A_151, %broadcast_in_dim3A_184 : vector<16xi1>, vector<16xi32>
            %reduce_max3A_186 = arith.constant true
            %reduce_max3A_187 = vector.broadcast %reduce_max3A_186 : i1 to vector<16xi1>
            %reduce_max3A_188 = arith.constant -2147483648 : i32
            %reduce_max3A_189 = vector.broadcast %reduce_max3A_188 : i32 to vector<16xi32>
            %reduce_max3A_190 = arith.xori %select_n3A_185, %reduce_max3A_189 : vector<16xi32>
            %reduce_max3A_191 = tpu.scan <max>, %reduce_max3A_190 masked %reduce_max3A_187 : vector<16xi32>, vector<16xi1> -> vector<16xi32>
            %reduce_max3A_192 = arith.xori %reduce_max3A_191, %reduce_max3A_189 : vector<16xi32>
            %reduce_max3A_193 = vector.extract %reduce_max3A_192[15] : i32 from vector<16xi32>
            %scan3A = arith.constant 0 : i32
            %scan3A_194 = arith.constant 0 : i32
            %scan3A_195 = arith.constant 32 : i32
            %scan3A_196 = arith.addi %scan3A_194, %scan3A_195 : i32
            %scan3A_197 = arith.constant 1 : i32
            %scan3A_198 = scf.for %scan3A_214 = %scan3A_194 to %scan3A_196 step %scan3A_197 iter_args(%scan3A_215 = %scan3A) -> (i32)  : i32 {
              %mul3A_216 = arith.constant 16 : i32
              %mul3A_217 = arith.muli %scan3A_214, %mul3A_216 : i32
              %add3A_218 = vector.broadcast %mul3A_217 : i32 to vector<16xi32>
              %add3A_219 = arith.addi %iota3A, %add3A_218 : vector<16xi32>
              %mul3A_220 = arith.constant 16 : i32
              %mul3A_221 = arith.muli %scan3A_214, %mul3A_220 : i32
              %get3A_222 = arith.index_cast %mul3A_221 : i32 to index
              %get3A_223 = tpu.vector_load %arg27[%get3A_222] {strides = array<i32>} : memref<512xi32, #tpu.memory_space<vmem>>, vector<16xi32>,
              %ge3A_224 = vector.broadcast %reduce_max3A_182 : i32 to vector<16xi32>
              %ge3A_225 = arith.cmpi sge, %add3A_219, %ge3A_224 : vector<16xi32>
              %le3A = vector.broadcast %reduce_max3A_193 : i32 to vector<16xi32>
              %le3A_226 = arith.cmpi sle, %add3A_219, %le3A : vector<16xi32>
              %and3A_227 = arith.andi %ge3A_225, %le3A_226 : vector<16xi1>
              %jit3A_228 = arith.constant 1 : i32
              %broadcast_in_dim3A_229 = vector.broadcast %jit3A_228 : i32 to vector<16xi32>
              %select_n3A_230 = arith.select %and3A_227, %broadcast_in_dim3A_229, %get3A_223 : vector<16xi1>, vector<16xi32>
              %mul3A_231 = arith.constant 16 : i32
              %mul3A_232 = arith.muli %scan3A_214, %mul3A_231 : i32
              %swap3A_233 = arith.index_cast %mul3A_232 : i32 to index
              %swap3A_234 = tpu.vector_load %arg27[%swap3A_233] {strides = array<i32>} : memref<512xi32, #tpu.memory_space<vmem>>, vector<16xi32>,
              tpu.vector_store %arg27[%swap3A_233], %select_n3A_230 {strides = array<i32>} : memref<512xi32, #tpu.memory_space<vmem>>, vector<16xi32>,
              %broadcast_in_dim3A_235 = arith.constant true
              %broadcast_in_dim3A_236 = vector.broadcast %broadcast_in_dim3A_235 : i1 to vector<16xi1>
              %masked_cumsum3A = tpu.scan <sum>, %select_n3A_230 masked %broadcast_in_dim3A_236 : vector<16xi32>, vector<16xi1> -> vector<16xi32>
              %add3A_237 = vector.broadcast %scan3A_215 : i32 to vector<16xi32>
              %add3A_238 = arith.addi %masked_cumsum3A, %add3A_237 : vector<16xi32>
              %mul3A_239 = arith.constant 16 : i32
              %mul3A_240 = arith.muli %scan3A_214, %mul3A_239 : i32
              %swap3A_241 = arith.index_cast %mul3A_240 : i32 to index
              %swap3A_242 = tpu.vector_load %arg28[%swap3A_241] {strides = array<i32>} : memref<512xi32, #tpu.memory_space<vmem>>, vector<16xi32>,
              tpu.vector_store %arg28[%swap3A_241], %add3A_238 {strides = array<i32>} : memref<512xi32, #tpu.memory_space<vmem>>, vector<16xi32>,
              %sub3A_243 = arith.subi %masked_cumsum3A, %select_n3A_230 : vector<16xi32>
              %add3A_244 = vector.broadcast %scan3A_215 : i32 to vector<16xi32>
              %add3A_245 = arith.addi %sub3A_243, %add3A_244 : vector<16xi32>
              %mul3A_246 = arith.constant 16 : i32
              %mul3A_247 = arith.muli %scan3A_214, %mul3A_246 : i32
              %swap3A_248 = arith.index_cast %mul3A_247 : i32 to index
              %swap3A_249 = tpu.vector_load %arg29[%swap3A_248] {strides = array<i32>} : memref<512xi32, #tpu.memory_space<vmem>>, vector<16xi32>,
              tpu.vector_store %arg29[%swap3A_248], %add3A_245 {strides = array<i32>} : memref<512xi32, #tpu.memory_space<vmem>>, vector<16xi32>,
              %reduce_max3A_250 = arith.constant true
              %reduce_max3A_251 = vector.broadcast %reduce_max3A_250 : i1 to vector<16xi1>
              %reduce_max3A_252 = arith.constant -2147483648 : i32
              %reduce_max3A_253 = vector.broadcast %reduce_max3A_252 : i32 to vector<16xi32>
              %reduce_max3A_254 = arith.xori %masked_cumsum3A, %reduce_max3A_253 : vector<16xi32>
              %reduce_max3A_255 = tpu.scan <max>, %reduce_max3A_254 masked %reduce_max3A_251 : vector<16xi32>, vector<16xi1> -> vector<16xi32>
              %reduce_max3A_256 = arith.xori %reduce_max3A_255, %reduce_max3A_253 : vector<16xi32>
              %reduce_max3A_257 = vector.extract %reduce_max3A_256[15] : i32 from vector<16xi32>
              %add3A_258 = arith.addi %scan3A_215, %reduce_max3A_257 : i32
              scf.yield %add3A_258 : i32
            }
            %scan3A_199 = arith.constant 32 : i32
            %get3A_200 = arith.index_cast %mul3A_143 : i32 to index
            %get3A_201 = tpu.vector_load %arg23[%get3A_200] {strides = array<i32>} : memref<8000xi32, #tpu.memory_space<vmem>>, vector<16xi32>,
            %jit3A_202 = arith.constant 1 : i32
            %jit3A_203 = arith.constant 0 : i32
            %broadcast_in_dim3A_204 = vector.broadcast %jit3A_202 : i32 to vector<16xi32>
            %broadcast_in_dim3A_205 = vector.broadcast %jit3A_203 : i32 to vector<16xi32>
            %select_n3A_206 = arith.select %eq3A_174, %broadcast_in_dim3A_204, %broadcast_in_dim3A_205 : vector<16xi1>, vector<16xi32>
            %or3A = arith.ori %get3A_201, %select_n3A_206 : vector<16xi32>
            %swap3A = arith.index_cast %mul3A_143 : i32 to index
            %swap3A_207 = tpu.vector_load %arg23[%swap3A] {strides = array<i32>} : memref<8000xi32, #tpu.memory_space<vmem>>, vector<16xi32>,
            tpu.vector_store %arg23[%swap3A], %or3A {strides = array<i32>} : memref<8000xi32, #tpu.memory_space<vmem>>, vector<16xi32>,
            %get3A_208 = arith.index_cast %mul3A_143 : i32 to index
            %get3A_209 = tpu.vector_load %arg12[%get3A_208] {strides = array<i32>} : memref<8000xf32, #tpu.memory_space<vmem>>, vector<16xf32>,
            %convert_element_type3A_210 = arith.sitofp %or3A : vector<16xi32> to vector<16xf32>
            %mul3A_211 = arith.mulf %get3A_209, %convert_element_type3A_210 : vector<16xf32>
            %swap3A_212 = arith.index_cast %mul3A_143 : i32 to index
            %swap3A_213 = tpu.vector_load %arg22[%swap3A_212] {strides = array<i32>} : memref<8000xf32, #tpu.memory_space<vmem>>, vector<16xf32>,
            tpu.vector_store %arg22[%swap3A_212], %mul3A_211 {strides = array<i32>} : memref<8000xf32, #tpu.memory_space<vmem>>, vector<16xf32>,
          } else {
          }
          %select_n3A = arith.select %and3A_169, %squeeze3A, %while3A_156 : i32
          scf.yield %select_n3A, %and3A_169 : i32, i1
        }
        %while3A_155 = arith.constant 0 : i32
        scf.yield %while3A_155 : i32
      }
      %dma_start3A = arith.constant 0 : i32
      %dma_start3A_82 = tpu.memref_slice %arg5[%add3A, %dma_start3A] : memref<4x8000xf32, #tpu.memory_space<hbm>> -> memref<1x8000xf32, #tpu.memory_space<hbm>>
      %dma_start3A_83 = tpu.memref_squeeze %dma_start3A_82 : memref<1x8000xf32, #tpu.memory_space<hbm>> -> memref<8000xf32, #tpu.memory_space<hbm>>
      %dma_start3A_84 = arith.constant 0 : i32
      %dma_start3A_85 = tpu.memref_slice %arg5[%add3A, %dma_start3A_84] : memref<4x8000xf32, #tpu.memory_space<hbm>> -> memref<1x8000xf32, #tpu.memory_space<hbm>>
      %dma_start3A_86 = tpu.memref_squeeze %dma_start3A_85 : memref<1x8000xf32, #tpu.memory_space<hbm>> -> memref<8000xf32, #tpu.memory_space<hbm>>
      tpu.enqueue_dma source(%arg22 : memref<8000xf32, #tpu.memory_space<vmem>>) target(%dma_start3A_86 : memref<8000xf32, #tpu.memory_space<hbm>>) target_semaphore(%arg31 : memref<!tpu.dma_semaphore, #tpu.memory_space<semaphore_mem>>)
      %dma_start3A_87 = arith.constant 0 : i32
      %dma_start3A_88 = tpu.memref_slice %arg6[%add3A, %dma_start3A_87] : memref<4x8000xi32, #tpu.memory_space<hbm>> -> memref<1x8000xi32, #tpu.memory_space<hbm>>
      %dma_start3A_89 = tpu.memref_squeeze %dma_start3A_88 : memref<1x8000xi32, #tpu.memory_space<hbm>> -> memref<8000xi32, #tpu.memory_space<hbm>>
      %dma_start3A_90 = arith.constant 0 : i32
      %dma_start3A_91 = tpu.memref_slice %arg6[%add3A, %dma_start3A_90] : memref<4x8000xi32, #tpu.memory_space<hbm>> -> memref<1x8000xi32, #tpu.memory_space<hbm>>
      %dma_start3A_92 = tpu.memref_squeeze %dma_start3A_91 : memref<1x8000xi32, #tpu.memory_space<hbm>> -> memref<8000xi32, #tpu.memory_space<hbm>>
      tpu.enqueue_dma source(%arg23 : memref<8000xi32, #tpu.memory_space<vmem>>) target(%dma_start3A_92 : memref<8000xi32, #tpu.memory_space<hbm>>) target_semaphore(%arg31 : memref<!tpu.dma_semaphore, #tpu.memory_space<semaphore_mem>>)
      %dma_start3A_93 = arith.constant 0 : i32
      %dma_start3A_94 = tpu.memref_slice %arg7[%add3A, %dma_start3A_93] : memref<4x8000xi32, #tpu.memory_space<hbm>> -> memref<1x8000xi32, #tpu.memory_space<hbm>>
      %dma_start3A_95 = tpu.memref_squeeze %dma_start3A_94 : memref<1x8000xi32, #tpu.memory_space<hbm>> -> memref<8000xi32, #tpu.memory_space<hbm>>
      %dma_start3A_96 = arith.constant 0 : i32
      %dma_start3A_97 = tpu.memref_slice %arg7[%add3A, %dma_start3A_96] : memref<4x8000xi32, #tpu.memory_space<hbm>> -> memref<1x8000xi32, #tpu.memory_space<hbm>>
      %dma_start3A_98 = tpu.memref_squeeze %dma_start3A_97 : memref<1x8000xi32, #tpu.memory_space<hbm>> -> memref<8000xi32, #tpu.memory_space<hbm>>
      tpu.enqueue_dma source(%arg19 : memref<8000xi32, #tpu.memory_space<vmem>>) target(%dma_start3A_98 : memref<8000xi32, #tpu.memory_space<hbm>>) target_semaphore(%arg31 : memref<!tpu.dma_semaphore, #tpu.memory_space<semaphore_mem>>)
      %dma_start3A_99 = arith.constant 0 : i32
      %dma_start3A_100 = tpu.memref_slice %arg8[%add3A, %dma_start3A_99] : memref<4x8000xi32, #tpu.memory_space<hbm>> -> memref<1x8000xi32, #tpu.memory_space<hbm>>
      %dma_start3A_101 = tpu.memref_squeeze %dma_start3A_100 : memref<1x8000xi32, #tpu.memory_space<hbm>> -> memref<8000xi32, #tpu.memory_space<hbm>>
      %dma_start3A_102 = arith.constant 0 : i32
      %dma_start3A_103 = tpu.memref_slice %arg8[%add3A, %dma_start3A_102] : memref<4x8000xi32, #tpu.memory_space<hbm>> -> memref<1x8000xi32, #tpu.memory_space<hbm>>
      %dma_start3A_104 = tpu.memref_squeeze %dma_start3A_103 : memref<1x8000xi32, #tpu.memory_space<hbm>> -> memref<8000xi32, #tpu.memory_space<hbm>>
      tpu.enqueue_dma source(%arg20 : memref<8000xi32, #tpu.memory_space<vmem>>) target(%dma_start3A_104 : memref<8000xi32, #tpu.memory_space<hbm>>) target_semaphore(%arg31 : memref<!tpu.dma_semaphore, #tpu.memory_space<semaphore_mem>>)
      %dma_start3A_105 = arith.constant 0 : i32
      %dma_start3A_106 = tpu.memref_slice %arg9[%add3A, %dma_start3A_105] : memref<4x8000xi32, #tpu.memory_space<hbm>> -> memref<1x8000xi32, #tpu.memory_space<hbm>>
      %dma_start3A_107 = tpu.memref_squeeze %dma_start3A_106 : memref<1x8000xi32, #tpu.memory_space<hbm>> -> memref<8000xi32, #tpu.memory_space<hbm>>
      %dma_start3A_108 = arith.constant 0 : i32
      %dma_start3A_109 = tpu.memref_slice %arg9[%add3A, %dma_start3A_108] : memref<4x8000xi32, #tpu.memory_space<hbm>> -> memref<1x8000xi32, #tpu.memory_space<hbm>>
      %dma_start3A_110 = tpu.memref_squeeze %dma_start3A_109 : memref<1x8000xi32, #tpu.memory_space<hbm>> -> memref<8000xi32, #tpu.memory_space<hbm>>
      tpu.enqueue_dma source(%arg21 : memref<8000xi32, #tpu.memory_space<vmem>>) target(%dma_start3A_110 : memref<8000xi32, #tpu.memory_space<hbm>>) target_semaphore(%arg31 : memref<!tpu.dma_semaphore, #tpu.memory_space<semaphore_mem>>)
      %dma_wait3A = arith.constant 0 : i32
      %dma_wait3A_111 = tpu.memref_slice %arg5[%add3A, %dma_wait3A] : memref<4x8000xf32, #tpu.memory_space<hbm>> -> memref<1x8000xf32, #tpu.memory_space<hbm>>
      %dma_wait3A_112 = tpu.memref_squeeze %dma_wait3A_111 : memref<1x8000xf32, #tpu.memory_space<hbm>> -> memref<8000xf32, #tpu.memory_space<hbm>>
      %dma_wait3A_113 = arith.constant 0 : i32
      %dma_wait3A_114 = tpu.memref_slice %arg5[%add3A, %dma_wait3A_113] : memref<4x8000xf32, #tpu.memory_space<hbm>> -> memref<1x8000xf32, #tpu.memory_space<hbm>>
      %dma_wait3A_115 = tpu.memref_squeeze %dma_wait3A_114 : memref<1x8000xf32, #tpu.memory_space<hbm>> -> memref<8000xf32, #tpu.memory_space<hbm>>
      tpu.wait_dma2 semaphore(%arg31 : memref<!tpu.dma_semaphore, #tpu.memory_space<semaphore_mem>>) src(%arg22 : memref<8000xf32, #tpu.memory_space<vmem>>) dst(%dma_wait3A_115 : memref<8000xf32, #tpu.memory_space<hbm>>)
      %dma_wait3A_116 = arith.constant 0 : i32
      %dma_wait3A_117 = tpu.memref_slice %arg6[%add3A, %dma_wait3A_116] : memref<4x8000xi32, #tpu.memory_space<hbm>> -> memref<1x8000xi32, #tpu.memory_space<hbm>>
      %dma_wait3A_118 = tpu.memref_squeeze %dma_wait3A_117 : memref<1x8000xi32, #tpu.memory_space<hbm>> -> memref<8000xi32, #tpu.memory_space<hbm>>
      %dma_wait3A_119 = arith.constant 0 : i32
      %dma_wait3A_120 = tpu.memref_slice %arg6[%add3A, %dma_wait3A_119] : memref<4x8000xi32, #tpu.memory_space<hbm>> -> memref<1x8000xi32, #tpu.memory_space<hbm>>
      %dma_wait3A_121 = tpu.memref_squeeze %dma_wait3A_120 : memref<1x8000xi32, #tpu.memory_space<hbm>> -> memref<8000xi32, #tpu.memory_space<hbm>>
      tpu.wait_dma2 semaphore(%arg31 : memref<!tpu.dma_semaphore, #tpu.memory_space<semaphore_mem>>) src(%arg23 : memref<8000xi32, #tpu.memory_space<vmem>>) dst(%dma_wait3A_121 : memref<8000xi32, #tpu.memory_space<hbm>>)
      %dma_wait3A_122 = arith.constant 0 : i32
      %dma_wait3A_123 = tpu.memref_slice %arg7[%add3A, %dma_wait3A_122] : memref<4x8000xi32, #tpu.memory_space<hbm>> -> memref<1x8000xi32, #tpu.memory_space<hbm>>
      %dma_wait3A_124 = tpu.memref_squeeze %dma_wait3A_123 : memref<1x8000xi32, #tpu.memory_space<hbm>> -> memref<8000xi32, #tpu.memory_space<hbm>>
      %dma_wait3A_125 = arith.constant 0 : i32
      %dma_wait3A_126 = tpu.memref_slice %arg7[%add3A, %dma_wait3A_125] : memref<4x8000xi32, #tpu.memory_space<hbm>> -> memref<1x8000xi32, #tpu.memory_space<hbm>>
      %dma_wait3A_127 = tpu.memref_squeeze %dma_wait3A_126 : memref<1x8000xi32, #tpu.memory_space<hbm>> -> memref<8000xi32, #tpu.memory_space<hbm>>
      tpu.wait_dma2 semaphore(%arg31 : memref<!tpu.dma_semaphore, #tpu.memory_space<semaphore_mem>>) src(%arg19 : memref<8000xi32, #tpu.memory_space<vmem>>) dst(%dma_wait3A_127 : memref<8000xi32, #tpu.memory_space<hbm>>)
      %dma_wait3A_128 = arith.constant 0 : i32
      %dma_wait3A_129 = tpu.memref_slice %arg8[%add3A, %dma_wait3A_128] : memref<4x8000xi32, #tpu.memory_space<hbm>> -> memref<1x8000xi32, #tpu.memory_space<hbm>>
      %dma_wait3A_130 = tpu.memref_squeeze %dma_wait3A_129 : memref<1x8000xi32, #tpu.memory_space<hbm>> -> memref<8000xi32, #tpu.memory_space<hbm>>
      %dma_wait3A_131 = arith.constant 0 : i32
      %dma_wait3A_132 = tpu.memref_slice %arg8[%add3A, %dma_wait3A_131] : memref<4x8000xi32, #tpu.memory_space<hbm>> -> memref<1x8000xi32, #tpu.memory_space<hbm>>
      %dma_wait3A_133 = tpu.memref_squeeze %dma_wait3A_132 : memref<1x8000xi32, #tpu.memory_space<hbm>> -> memref<8000xi32, #tpu.memory_space<hbm>>
      tpu.wait_dma2 semaphore(%arg31 : memref<!tpu.dma_semaphore, #tpu.memory_space<semaphore_mem>>) src(%arg20 : memref<8000xi32, #tpu.memory_space<vmem>>) dst(%dma_wait3A_133 : memref<8000xi32, #tpu.memory_space<hbm>>)
      %dma_wait3A_134 = arith.constant 0 : i32
      %dma_wait3A_135 = tpu.memref_slice %arg9[%add3A, %dma_wait3A_134] : memref<4x8000xi32, #tpu.memory_space<hbm>> -> memref<1x8000xi32, #tpu.memory_space<hbm>>
      %dma_wait3A_136 = tpu.memref_squeeze %dma_wait3A_135 : memref<1x8000xi32, #tpu.memory_space<hbm>> -> memref<8000xi32, #tpu.memory_space<hbm>>
      %dma_wait3A_137 = arith.constant 0 : i32
      %dma_wait3A_138 = tpu.memref_slice %arg9[%add3A, %dma_wait3A_137] : memref<4x8000xi32, #tpu.memory_space<hbm>> -> memref<1x8000xi32, #tpu.memory_space<hbm>>
      %dma_wait3A_139 = tpu.memref_squeeze %dma_wait3A_138 : memref<1x8000xi32, #tpu.memory_space<hbm>> -> memref<8000xi32, #tpu.memory_space<hbm>>
      tpu.wait_dma2 semaphore(%arg31 : memref<!tpu.dma_semaphore, #tpu.memory_space<semaphore_mem>>) src(%arg21 : memref<8000xi32, #tpu.memory_space<vmem>>) dst(%dma_wait3A_139 : memref<8000xi32, #tpu.memory_space<hbm>>)
    } else {
    }
    return
  }
}

</mosaic_0001>

<sc_bundles>
// kernel: kernel.3.cloned.1.call-start
scs
__scs_entry_jumppad:
0x0: {  	(pc) =	sbr.rel $0x88, $3  }
0x1: {  	(tag) =	ssettag $0x0;
	lr =	simm.s32 $0x1  }
0x2: {  	[smem:$0x3F9F] =	sst lr;
	_ =	strace $0xD0000000  }
0x3: {  	_ = 	snop  }
0x4: {  	_ = 	snop  }
0x5: {  	_ = 	snop  }
0x6: {  	_ = 	snop  }
0x7: {  	_ = 	snop  }
__scs_overlays_trampoline_lowered:
0x8: {  	[smem:$0x3FAE] =	sst s0  }
0x9: {  	[smem:$0x3FAF] =	sst s1  }
0xa: {  	[smem:$0x3FB0] =	sst s2  }
0xb: {  	[smem:$0x3FB1] =	sst s3  }
0xc: {  	[smem:$0x3FB2] =	sst s4  }
0xd: {  	[smem:$0x3FB3] =	sst s5  }
0xe: {  	[smem:$0x3FB4] =	sst s6  }
0xf: {  	[smem:$0x3FB5] =	sst s7  }
0x10: {  	[smem:$0x3FB6] =	sst s8  }
0x11: {  	[smem:$0x3FB7] =	sst s9;
	s0 =	simm.s32 @!p0 $0x0  }
0x12: {  	s1 =	sld [smem:$0x3F9D];
	s0 =	simm.s32 @p0 $0x1  }
0x13: {  	[smem:$0x3FB8] =	sst s0;
	s0 =	simm.s32 @!p1 $0x0  }
0x14: {  	s2 =	sld [smem:$0x3F9C];
	s0 =	simm.s32 @p1 $0x1  }
0x15: {  	[smem:$0x3FB9] =	sst s0;
	s0 =	simm.s32 @!p2 $0x0  }
0x16: {  	s3 =	sld [smem:$0x3FDB];
	s0 =	simm.s32 @p2 $0x1  }
0x17: {  	s4 =	simm.s32 $0x1BF5;
	[smem:$0x3FBB] =	sst s0  }
0x18: {  	s0 =	sld [smem:$0x3F9E];
	_ =	swait.ge [sflag:s4], $0x0  }
0x19: {  	s7 =	sld [smem:$0x3F9F]  }
0x1a: {  	s8 =	sadd.s32 $0xFFFFE003, lr  }
0x1b: {  	s9 =	sadd.s32 $0xFFFFFEF7, lr;
	s5 =	simm.s32 $0xFFFFFFFF;
	p2 =	slt.u32 s8, $0xFFFFF086  }
0x1c: {  	p1 =	slt.u32 s9, $0xF7A;
	s5 =	simm.s32 @!p2 $0x0  }
0x1d: {  	s5 =	simm.s32 @p1 $0x1;
	p0 =	seq.s32 s7, s2  }
0x1e: {  	s7 =	smul.u32 @!p0 $0xF7A, s2;
	p2 =	seq.s32 @!p0 s5, $0x0  }
0x1f: {  	s9 =	smul.u32 $0xF7A, s1;
	s8 =	simm.s32 @!p0 $0x1BF5;
	p2 =	por !p2, p0  }
0x20: {  	[sflag:s8] =	ssyncset.s32 @!p0 $0xFFFFF086;
	s6 =	sadd.s32 @!p0 s3, s7;
	s7 =	simm.s32 @!p0 $0x108  }
0x21: {  	s3 =	sadd.s32 s3, s9;
	s6 =	sadd.s32 @!p0 $0x88, s6;
	s7 =	simm.s32 @p2 $0x1082  }
0x22: {  	[simem:s7], [sflag:s8] =	dma.local @!p0 [hbm:s6], $0xF7A  }
0x23: {  	s9 =	sor.u32 $0xD0000000, s2;
	s6 =	simm.s32 $0x108;
	_ =	swait.ge @!p0 [sflag:s8], $0x0  }
0x24: {  	s3 =	sadd.s32 $0x88, s3;
	s6 =	simm.s32 @!p1 $0x1082;
	[sflag:s4] =	ssyncset.s32 $0xFFFFF086  }
0x25: {  	[simem:s6], [sflag:s4] =	dma.local [hbm:s3], $0xF7A  }
0x26: {  	[smem:$0x3F9F] =	sst s1;
	(tag) =	ssettag s2;
	_ =	strace s9  }
0x27: {  	s1 =	sld [smem:$0x3FAF]  }
0x28: {  	s2 =	sld [smem:$0x3FB0]  }
0x29: {  	s4 =	sld [smem:$0x3FB2]  }
0x2a: {  	p0 =	seq.s32 s5, $0x0;
	s5 =	sld [smem:$0x3FB3]  }
0x2b: {  	s6 =	sld [smem:$0x3FB4]  }
0x2c: {  	s7 =	sld [smem:$0x3FB5]  }
0x2d: {  	s3 =	simm.s32 $0x108;
	s8 =	sld [smem:$0x3FB6]  }
0x2e: {  	s3 =	simm.s32 @!p0 $0x1082;
	s9 =	sld [smem:$0x3FB7]  }
0x2f: {  	lr =	sadd.s32 s0, s3;
	s0 =	sld [smem:$0x3FAE]  }
0x30: {  	s3 =	sld [smem:$0x3FB1]  }
0x31: {  	[smem:$0x3FBA] =	sst s10  }
0x32: {  	s10 =	sld [smem:$0x3FB8];
	_ =	sdelay $0x3  }
0x33: {  	p0 =	seq.s32 s10, $0x1;
	s10 =	sld [smem:$0x3FBA];
	_ =	sdelay $0x3  }
0x34: {  	[smem:$0x3FBA] =	sst s10  }
0x35: {  	s10 =	sld [smem:$0x3FB9];
	_ =	sdelay $0x3  }
0x36: {  	p1 =	seq.s32 s10, $0x1;
	s10 =	sld [smem:$0x3FBA];
	_ =	sdelay $0x3  }
0x37: {  	[smem:$0x3FBA] =	sst s10  }
0x38: {  	s10 =	sld [smem:$0x3FBB]  }
0x39: {  	_ = 	snop;
	(pc) =	sbr.ind lr, $3  }
0x3a: {  	_ = 	snop  }
0x3b: {  	_ = 	snop  }
0x3c: {  	p2 =	seq.s32 s10, $0x1;
	s10 =	sld [smem:$0x3FBA]  }
0x3d: {  	_ =	shalt  }
0x3e: {  	_ =	shalt  }
0x3f: {  	_ =	shalt  }
0x40: {  	_ =	shalt  }
0x41: {  	_ =	shalt  }
0x42: {  	_ =	shalt  }
0x43: {  	_ =	shalt  }
0x44: {  	_ =	shalt  }
0x45: {  	_ =	shalt  }
0x46: {  	_ =	shalt  }
0x47: {  	_ =	shalt  }
0x48: {  	_ =	shalt  }
0x49: {  	_ =	shalt  }
0x4a: {  	_ =	shalt  }
0x4b: {  	_ =	shalt  }
0x4c: {  	_ =	shalt  }
0x4d: {  	_ =	shalt  }
0x4e: {  	_ =	shalt  }
0x4f: {  	_ =	shalt  }
0x50: {  	_ =	shalt  }
0x51: {  	_ =	shalt  }
0x52: {  	_ =	shalt  }
0x53: {  	_ =	shalt  }
0x54: {  	_ =	shalt  }
0x55: {  	_ =	shalt  }
0x56: {  	_ =	shalt  }
0x57: {  	_ =	shalt  }
0x58: {  	_ =	shalt  }
0x59: {  	_ =	shalt  }
0x5a: {  	_ =	shalt  }
0x5b: {  	_ =	shalt  }
0x5c: {  	_ =	shalt  }
0x5d: {  	_ =	shalt  }
0x5e: {  	_ =	shalt  }
0x5f: {  	_ =	shalt  }
0x60: {  	_ =	shalt  }
0x61: {  	_ =	shalt  }
0x62: {  	_ =	shalt  }
0x63: {  	_ =	shalt  }
0x64: {  	_ =	shalt  }
0x65: {  	_ =	shalt  }
0x66: {  	_ =	shalt  }
0x67: {  	_ =	shalt  }
0x68: {  	_ =	shalt  }
0x69: {  	_ =	shalt  }
0x6a: {  	_ =	shalt  }
0x6b: {  	_ =	shalt  }
0x6c: {  	_ =	shalt  }
0x6d: {  	_ =	shalt  }
0x6e: {  	_ =	shalt  }
0x6f: {  	_ =	shalt  }
0x70: {  	_ =	shalt  }
0x71: {  	_ =	shalt  }
0x72: {  	_ =	shalt  }
0x73: {  	_ =	shalt  }
0x74: {  	_ =	shalt  }
0x75: {  	_ =	shalt  }
0x76: {  	_ =	shalt  }
0x77: {  	_ =	shalt  }
0x78: {  	_ =	shalt  }
0x79: {  	_ =	shalt  }
0x7a: {  	_ =	shalt  }
0x7b: {  	_ =	shalt  }
0x7c: {  	_ =	shalt  }
0x7d: {  	_ =	shalt  }
0x7e: {  	_ =	shalt  }
0x7f: {  	_ =	shalt  }
0x80: {  	_ =	shalt  }
0x81: {  	_ =	shalt  }
0x82: {  	_ =	shalt  }
0x83: {  	_ =	shalt  }
0x84: {  	_ =	shalt  }
0x85: {  	_ =	shalt  }
0x86: {  	_ =	shalt  }
0x87: {  	_ =	shalt  }
.Lfunc_end0:
.L_simem_size_0:
called_computation_lowered:
.L_overlay_start_0:
0x88: {  	s2 =	sld [smem:$0x3FD9]  }
0x89: {  	s3 =	sld [smem:$0x3FFE];
	_ =	sdelay $0x1  }
0x8a: {  	s1 =	srdreg.scid  }
0x8b: {  	s0 =	sand.u32 $0x1, s1  }
0x8c: {  	s14 =	sshll.u32 s0, $0xA;
	s2 =	sadd.s32 s3, s2  }
0x8d: {  	s2 =	sadd.s32 s2, s14  }
0x8e: {  	[smem:$0x3FC6] =	sst s2  }
0x8f: {  	_ = 	snop  }
0x90: {  	s2 =	sld [smem:$0x3FD0];
	_ =	sdelay $0x2  }
0x91: {  	s15 =	simm.s32 $0xA;
	s4 =	simm.s32 $0x10  }
0x92: {  	[smem:s4], [sflag:s15] =	dma.local [hbm:s2], $0x1  }
0x93: {  	_ =	swait.eq [sflag:s15], $0x1  }
0x94: {  	s16 =	sld [smem:$0x10]  }
0x95: {  	s17 =	sld [smem:$0x11];
	[sflag:s15] =	ssyncset.done $0x0  }
0x96: {  	s5 =	sld [smem:$0x12];
	[sflag:s15] =	ssyncadd.s32 $0xFFFFFFFF  }
0x97: {  	s18 =	sld [smem:$0x13];
	(tm) =	ssettm $0x1  }
0x98: {  	s6 =	sld [smem:$0x3FFB];
	_ =	sdelay $0x3  }
0x99: {  	_ =	strace s6  }
0x9a: {  	s6 =	sld [smem:$0x3FFC];
	_ =	sdelay $0x3  }
0x9b: {  	_ =	strace s6  }
0x9c: {  	s6 =	sld [smem:$0x3FFD];
	_ =	sdelay $0x3  }
0x9d: {  	_ =	strace s6  }
0x9e: {  	_ =	strace $0x8FFFFFFF  }
0x9f: {  	s19 =	sld [smem:$0x3FDB];
	_ =	sdelay $0x1  }
0xa0: {  	s7 =	simm.s32 $_scs_section_size  }
0xa1: {  	s8 =	simm.s32 $_size__tile_overlayer_lowered;
	s9 =	simm.s32 $_tile_overlayer_lowered  }
0xa2: {  	s22 =	simm.s32 $0x1BFF;
	s21 =	sshll.u32 s9, $0x1;
	s6 =	sadd.s32 s7, s19  }
0xa3: {  	s10 =	simm.s32 $0x0;
	s20 =	sshll.u32 s8, $0x1;
	s8 =	sadd.s32 s21, s6  }
0xa4: {  	[timem:s10], [sflag:s22] =	dma.local [hbm:s8], s20  }
0xa5: {  	_ =	swait.ge [sflag:s22], s20  }
0xa6: {  	s7 =	ssub.s32 $0x0, s20;
	[sflag:s22] =	ssyncset.done $0x0  }
0xa7: {  	[sflag:s22] =	ssyncadd.s32 s7;
	_ =	sdelay $0x1  }
0xa8: {  	s23 =	simm.s32 $0x1B8B  }
0xa9: {  	_ =	swait.ge [sflag:s23], $0x1  }
0xaa: {  	[sflag:s23] =	ssyncset.done $0x0  }
0xab: {  	s25 =	simm.s32 $0x1B8E;
	s24 =	sld [smem:$0x3FFE];
	[sflag:s23] =	ssyncadd.s32 $0xFFFFFFFF  }
0xac: {  	s26 =	simm.s32 $execute0_lowered;
	[smem:$0x3FD2] =	sst s25  }
0xad: {  	s8 =	sshll.u32 s26, $0x1;
	_ =	strace $0x80000046;
	[dreg:$0x1] =	wrdreg $0xFFFFFFFF  }
0xae: {  	s28 =	simm.s32 $_size_execute0_lowered;
	s6 =	sadd.s32 s6, s8;
	[dreg:$0x0] =	wrdreg $0x0  }
0xaf: {  	s8 =	sshll.u32 s28, $0x1;
	[dreg:$0x2] =	wrdreg s6  }
0xb0: {  	[dreg:$0x3] =	wrdreg s8  }
0xb1: {  	[dreg:$0x4] =	wrdreg $0xC0  }
0xb2: {  	_ =	task [dreg:s10], $0x5FFFF  }
0xb3: {  	[dreg:$0x1] =	wrdreg $0xFFFFFFFF  }
0xb4: {  	[dreg:$0x0] =	wrdreg $0x60  }
0xb5: {  	[dreg:$0x2] =	wrdreg s5  }
0xb6: {  	[dreg:$0x3] =	wrdreg s24  }
0xb7: {  	[dreg:$0x4] =	wrdreg s17  }
0xb8: {  	[dreg:$0x5] =	wrdreg s16  }
0xb9: {  	[dreg:$0x6] =	wrdreg s18  }
0xba: {  	[dreg:$0x7] =	wrdreg $0x9  }
0xbb: {  	_ =	task.clear_ibuf [dreg:s10], $0x8FFFF;
	_ =	strace $0x90000046  }
0xbc: {  	s29 =	simm.s32 $0x9;
	_ =	strace $0x80000048  }
0xbd: {  	_ =	swait.ge [sflag:s29], $0x1  }
0xbe: {  	[sflag:s29] =	ssyncadd.s32 $0xFFFFFFFF  }
0xbf: {  	_ =	strace $0x90000048  }
0xc0: {  	_ =	sfence  }
0xc1: {  	s30 =	sld [smem:$0x0];
	_ =	sdelay $0x2  }
0xc2: {  	s31 =	sshll.u32 s1, $0xD;
	s1 =	sshrl.u32 s1, $0x2  }
0xc3: {  	s3 =	sand.u32 $0x4000, s31;
	s1 =	sadd.s32 s1, s30  }
0xc4: {  	s0 =	sor.u32 s3, s0;
	s1 =	sshll.u32 s1, $0x11  }
0xc5: {  	s0 =	sor.u32 s1, s0  }
0xc6: {  	s0 =	sadd.s32 $0x8F2B, s0  }
0xc7: {  	[sflag:s0] =	ssyncadd.remote.s32 $0x1  }
0xc8: {  	_ =	sfence.sel $0xFFFF  }
0xc9: {  	[dreg:$0x0] =	wrdreg $0xFFFFFFFF;
	(pc) =	sbr.abs _section_cstart, $3  }
0xca: {  	[dreg:$0x1] =	wrdreg $0xFFFFFFFF  }
0xcb: {  	_ =	task.clear_ibuf [dreg:s10], $0x2FFFF;
	_ =	strace $0x9FFFFFFF  }
0xcc: {  	(tm) =	ssettm $0x7FFFFFFF  }
0xcd: {  	_ =	shalt  }
tec
execute0_lowered:
.L_overlay_start_1:
0x0: {  	(tag) =	ssettag $0x1  }
0x1: {  	s0 =	rddreg [dreg:$0x0]  }
0x2: {  	s1 =	rddreg [dreg:$0x1]  }
0x3: {  	s3 =	rddreg [dreg:$0x2]  }
0x4: {  	s4 =	rddreg [dreg:$0x3]  }
0x5: {  	s5 =	rddreg [dreg:$0x4]  }
0x6: {  	s2 =	srdreg.scid;
	s15 =	stileid.u32  }
0x7: {  	s16 =	simm.s32 $0x200;
	s17 =	simm.s32 $0x2;
	s18 =	simm.s32 $0xBD00  }
0x8: {  	s28 =	simm.s32 $0x400;
	s29 =	simm.s32 $0x18E00;
	s30 =	simm.s32 $0x18C00  }
0x9: {  	s31 =	simm.s32 $0x0;
	s6 =	sand.u32 $0x1, s2;
	s2 =	simm.s32 $0x0  }
0xa: {  	s8 =	sshrl.u32 s15, $0x1;
	s13 =	sand.u32 $0x1, s15;
	p3 =	sgt.u32 s15, $0x3  }
0xb: {  	s7 =	sshll.u32 s6, $0x1;
	[smem:$0x7FF] =	sst s2;
	s6 =	ssub.s32 $0x2, s6  }
0xc: {  	p0 =	seq.s32 s13, $0x1;
	p4 =	seq.s32 s13, $0x0;
	p1 =	sne.s32 s13, $0x0  }
0xd: {  	s7 =	sadd.s32 s8, s7;
	_ =	strace $0x80000047;
	s19 =	sshrl.u32 s6, $0x1  }
0xe: {  	s9 =	sshll.u32 s7, $0x4;
	s11 =	smul.u32 $0x3, s7;
	s12 =	ssub.s32 s6, s19  }
0xf: {  	s23 =	smul.u32 $0x180, s7;
	s19 =	simm.s32 $0xC100;
	s10 =	sadd.s32 s9, s1  }
0x10: {  	s1 =	sadd.s32 $0x1000, s1;
	s0 =	sadd.s32 s0, s9;
	s3 =	sadd.s32 s3, s9  }
0x11: {  	s14 =	smax.u32 s12, $0x1;
	[dreg:$0x6] =	wrdreg s0;
	s20 =	sadd.s32 $0xE00, s10  }
0x12: {  	s21 =	sshrl.u32 s11, $0x3;
	[dreg:$0x8] =	wrdreg s3;
	s22 =	sadd.s32 $0x1, s11  }
0x13: {  	s25 =	sadd.s32 $0x2, s11;
	s6 =	sand.u32 $0x380, s23;
	s23 =	sadd.s32 $0x5000, s10  }
0x14: {  	[dreg:$0x7] =	wrdreg s20;
	s0 =	smul.u32 $0xFC00, s21;
	s24 =	sshrl.u32 s22, $0x3  }
0x15: {  	s11 =	sshrl.u32 s25, $0x3;
	s3 =	sshll.u32 s22, $0x7;
	s8 =	sshll.u32 s25, $0x7  }
0x16: {  	s22 =	sadd.s32 s4, s9;
	[dreg:$0xc] =	wrdreg s23;
	s25 =	sadd.s32 $0x7000, s10  }
0x17: {  	s20 =	simm.s32 $0x18200;
	s21 =	simm.s32 $0x18600;
	s7 =	smul.u32 $0xFC00, s24  }
0x18: {  	s23 =	simm.s32 $0x9D80;
	s4 =	simm.s32 $0x16280;
	s11 =	smul.u32 $0xFC00, s11  }
0x19: {  	s3 =	sand.u32 $0x380, s3;
	s8 =	sand.u32 $0x380, s8;
	[dreg:$0xb] =	wrdreg s22  }
0x1a: {  	s24 =	sadd.s32 $0x6000, s10;
	[dreg:$0xe] =	wrdreg s25;
	s0 =	sor.u32 s6, s0  }
0x1b: {  	[dreg:$0xd] =	wrdreg s24;
	s3 =	sor.u32 s3, s7;
	s26 =	sor.u32 s8, s11  }
0x1c: {  	s0 =	sshrl.u32 s0, $0x3;
	s11 =	sand.u32 $0xD, s15;
	s3 =	sshrl.u32 s3, $0x3  }
0x1d: {  	s8 =	sshrl.u32 s26, $0x3;
	s0 =	sadd.s32 s1, s0;
	s26 =	sadd.s32 s5, s9  }
0x1e: {  	s7 =	sadd.s32 s1, s3;
	s8 =	sadd.s32 s1, s8;
	s1 =	simm.s32 @!p1 $0x0  }
0x1f: {  	[dreg:$0x9] =	wrdreg s0;
	s1 =	simm.s32 @p1 $0x1;
	p1 =	sne.s32 s11, $0x0  }
.Ltmp0:
0x20: {  	[dreg:$0xf] =	wrdreg s26;
	s0 =	simm.s32 @!p1 $0x0;
	(pc) =	sbr.rel .LBB2_1-.Ltmp0, $4  }
0x21: {  	s22 =	simm.s32 $0x7E00;
	[dreg:$0xa] =	wrdreg s7;
	s0 =	simm.s32 @p1 $0x1  }
0x22: {  	s25 =	simm.s32 $0x5E80;
	[smem:$0x7FC] =	sst s0;
	s0 =	simm.s32 @!p4 $0x0  }
0x23: {  	vm0 =	vmxor vm0, vm0;
	v0 =	vlaneseq.u32;
	s24 =	simm.s32 $0x3F00;
	[smem:$0x7FB] =	sst s1;
	s0 =	simm.s32 @p4 $0x1  }
0x24: {  	v1 =	vimm.s32 $0x0;
	v2 =	vimm.f32 $0.0e+00;
	vm0 =	vmneg @p0 vm0;
	s15 =	simm.s32 $0x80;
	s1 =	simm.s32 $0x1;
	[smem:$0x7FD] =	sst s0  }
.LBB2_99:
0x25: {  	s0 =	rddreg [dreg:$0xb];
	s3 =	simm.s32 $0x12380  }
0x26: {  	[hbm4b:s0+s15] =	stream.strided.scatter [tilespmem:s3], [sflag:$0x1], $0x1F80, s16, s15, $0x38;
	[tilespmem:$0x19000] =	vst v63  }
0x27: {  	s6 =	rddreg [dreg:$0xc];
	s7 =	simm.s32 $0x14300  }
0x28: {  	[hbm4b:s6+s15] =	stream.strided.scatter [tilespmem:s7], [sflag:$0x1], $0x1F80, s16, s15, $0x38;
	[tilespmem:$0x19000] =	vst v63  }
0x29: {  	s9 =	rddreg [dreg:$0xd];
	s10 =	simm.s32 $0xC500  }
0x2a: {  	[hbm4b:s9+s15] =	stream.strided.scatter [tilespmem:s10], [sflag:$0x1], $0x1F80, s16, s15, $0x38;
	[tilespmem:$0x19000] =	vst v63  }
0x2b: {  	s11 =	rddreg [dreg:$0xe];
	s12 =	simm.s32 $0xE480  }
0x2c: {  	[hbm4b:s11+s15] =	stream.strided.scatter [tilespmem:s12], [sflag:$0x1], $0x1F80, s16, s15, $0x38;
	[tilespmem:$0x19000] =	vst v63  }
0x2d: {  	s13 =	rddreg [dreg:$0xf];
	s26 =	simm.s32 $0x10400  }
0x2e: {  	[hbm4b:s13+s15] =	stream.strided.scatter [tilespmem:s26], [sflag:$0x1], $0x1F80, s16, s15, $0x38;
	[tilespmem:$0x19000] =	vst v63  }
0x2f: {  	_ =	swait.ge [sflag:s1], $0x1F80  }
0x30: {  	[sflag:s1] =	ssyncset.done $0x0  }
0x31: {  	[sflag:s1] =	ssyncadd.s32 $0xFFFFE080  }
0x32: {  	_ =	swait.ge [sflag:s1], $0x1F80  }
0x33: {  	[sflag:s1] =	ssyncset.done $0x0  }
0x34: {  	[sflag:s1] =	ssyncadd.s32 $0xFFFFE080  }
0x35: {  	_ =	swait.ge [sflag:s1], $0x1F80  }
0x36: {  	[sflag:s1] =	ssyncset.done $0x0  }
0x37: {  	[sflag:s1] =	ssyncadd.s32 $0xFFFFE080  }
0x38: {  	_ =	swait.ge [sflag:s1], $0x1F80  }
0x39: {  	[sflag:s1] =	ssyncset.done $0x0  }
0x3a: {  	[sflag:s1] =	ssyncadd.s32 $0xFFFFE080  }
0x3b: {  	_ =	swait.ge [sflag:s1], $0x1F80  }
0x3c: {  	[sflag:s1] =	ssyncset.done $0x0  }
0x3d: {  	s4 =	simm.s32 $0x16280;
	[sflag:s1] =	ssyncadd.s32 $0xFFFFE080  }
.LBB2_100:
0x3e: {  	s31 =	sadd.s32 $0x1, s31  }
0x3f: {  	p1 =	sne.s32 s31, s14  }
.Ltmp1:
0x40: {  	_ = 	snop;
	(pc) =	sbr.rel @!p1 .LBB2_101-.Ltmp1, $1  }
0x41: {  	_ =	sdelay $0x3  }
.LBB2_1:
.Ltmp2:
0x42: {  	(pc) =	sbr.rel @p3 .LBB2_68-.Ltmp2, $1  }
0x43: {  	_ =	sdelay $0x3  }
0x44: {  	s0 =	simm.s32 $0x0;
	s3 =	rddreg [dreg:$0x6]  }
0x45: {  	[tilespmem:s0], [sflag:$0x2] =	stream.strided.gather [hbm4b:s3+s15], $0x1F80, s16, s15, $0x38;
	[tilespmem:$0x19000] =	vst v63  }
0x46: {  	_ =	swait.ge [sflag:s17], $0x1F80  }
0x47: {  	[sflag:s17] =	ssyncset.done $0x0  }
0x48: {  	s26 =	rddreg [dreg:$0x7];
	[sflag:s17] =	ssyncadd.s32 $0xFFFFE080  }
0x49: {  	[tilespmem:s18], [sflag:$0x2] =	stream.strided.gather [hbm4b:s26+s15], $0x400, s16, s15, $0x38;
	[tilespmem:$0x19000] =	vst v63  }
0x4a: {  	_ =	swait.ge [sflag:s17], $0x400  }
0x4b: {  	[sflag:s17] =	ssyncset.done $0x0  }
0x4c: {  	s28 =	rddreg [dreg:$0x8];
	[sflag:s17] =	ssyncadd.s32 $0xFFFFFC00  }
0x4d: {  	[tilespmem:s19], [sflag:$0x2] =	stream.strided.gather [hbm4b:s28+s15], $0x400, s16, s15, $0x38;
	[tilespmem:$0x19000] =	vst v63  }
0x4e: {  	_ =	swait.ge [sflag:s17], $0x400  }
0x4f: {  	[sflag:s17] =	ssyncset.done $0x0  }
0x50: {  	[sflag:s17] =	ssyncadd.s32 $0xFFFFFC00  }
0x51: {  	v3 =	vld [tilespmem:s0+$0x0];
	_ =	sdelay $0x4  }
0x52: {  	vm1 =	vgt.f32 v3, $5.000000000e-01  }
0x53: {  	vm1 =	vmxor vm0, vm1  }
0x54: {  	v4 =	vmpcnt.ones.xlane vm1;
	_ =	sdelay $0x1  }
0x55: {  	(v2sf) =	vpush v4, $0x0;
	_ =	sdelay $0x3  }
0x56: {  	v3 =	vxor.u32 $0x7FFFFFFF, v3  }
0x57: {  	[tilespmem:s0+$0x3F00] =	vst.msk vm1, v3;
	v3 =	vor.u32 s0, v0  }
0x58: {  	s3 =	simm.s32 $0x10;
	[tilespmem:s0+$0x5E80] =	vst.msk vm1, v3  }
0x59: {  	s4 =	simm.s32 $0x20;
	s5 =	simm.s32 $0x10;
	v3 =	vld [tilespmem:s3+$0x0]  }
.LBB2_3:
0x5a: {  	p2 =	sne.s32 s4, $0x1F30;
	_ =	sdelay $0x3  }
0x5b: {  	vm1 =	vgt.f32 v3, $5.000000000e-01;
	v3 =	vxor.u32 $0x7FFFFFFF, v3  }
0x5c: {  	vm1 =	vmxor vm0, vm1  }
0x5d: {  	v4 =	vmpcnt.ones.xlane vm1  }
0x5e: {  	s9 =	spop (v2sf)  }
0x5f: {  	(v2sf) =	vpush v4, $0x0;
	s0 =	sadd.s32 s0, s9  }
0x60: {  	[tilespmem:s0+$0x3F00] =	vst.msk vm1, v3;
	v3 =	vor.u32 s3, v0;
	s3 =	smov.u32 s4  }
0x61: {  	[tilespmem:s0+$0x5E80] =	vst.msk vm1, v3  }
.Ltmp3:
0x62: {  	(pc) =	sbr.rel @p2 .LBB2_3-.Ltmp3, $3  }
0x63: {  	_ =	sdelay $0x1  }
0x64: {  	s5 =	sadd.s32 $0x10, s5  }
0x65: {  	s4 =	sadd.s32 $0x10, s4;
	v3 =	vld [tilespmem:s5+$0x0]  }
0x66: {  	_ =	sdelay $0x3  }
0x67: {  	vm1 =	vgt.f32 v3, $5.000000000e-01  }
0x68: {  	vm1 =	vmxor vm0, vm1  }
0x69: {  	v4 =	vmpcnt.ones.xlane vm1;
	_ =	sdelay $0x1  }
0x6a: {  	(v2sf) =	vpush v4, $0x0;
	_ =	sdelay $0xc  }
0x6b: {  	s4 =	spop (v2sf)  }
0x6c: {  	v3 =	vxor.u32 $0x7FFFFFFF, v3;
	s0 =	sadd.s32 s0, s4  }
0x6d: {  	[tilespmem:s0+$0x3F00] =	vst.msk vm1, v3;
	v3 =	vor.u32 s3, v0;
	s28 =	spop (v2sf)  }
0x6e: {  	[tilespmem:s0+$0x5E80] =	vst.msk vm1, v3;
	s9 =	sadd.s32 s0, s28;
	s0 =	simm.s32 $0x18220  }
0x6f: {  	[tilespmem:s0+$0xFFFFFFE0] =	vst v1  }
0x70: {  	[tilespmem:s0+$0x10] =	vst v1  }
0x71: {  	s3 =	simm.s32 $0x0;
	[smem:$0x0] =	sst s9;
	[tilespmem:s0+$0x0] =	vst v1  }
.LBB2_5:
0x72: {  	s3 =	sadd.s32 $0x40, s3  }
0x73: {  	[tilespmem:s0+$0xFFFFFFF0] =	vst v1;
	s0 =	sadd.s32 $0x40, s0;
	p1 =	slt.u32 s3, $0x3C0  }
.Ltmp4:
0x74: {  	[tilespmem:s0+$0xFFFFFFE0] =	vst v1;
	(pc) =	sbr.rel @p1 .LBB2_5-.Ltmp4, $3  }
0x75: {  	_ =	sdelay $0x1  }
0x76: {  	[tilespmem:s0+$0x10] =	vst v1  }
0x77: {  	[tilespmem:s0+$0x0] =	vst v1  }
0x78: {  	[tilespmem:s0+$0xFFFFFFF0] =	vst v1;
	s0 =	sadd.s32 $0xF, s9  }
0x79: {  	p5 =	sgt.s32 s0, $0xF  }
.Ltmp5:
0x7a: {  	_ = 	snop;
	(pc) =	sbr.rel @!p5 .LBB2_7-.Ltmp5, $4  }
0x7b: {  	s3 =	sshra.s32 s0, $0x1F  }
0x7c: {  	s3 =	sshrl.u32 s3, $0x1C  }
0x7d: {  	s3 =	sadd.s32 s3, s0  }
0x7e: {  	v3 =	vmov s9;
	s10 =	sshra.s32 s3, $0x4  }
0x7f: {  	p1 =	seq.s32 s10, $0x1  }
.Ltmp6:
0x80: {  	_ = 	snop;
	(pc) =	sbr.rel @p1 .LBB2_25-.Ltmp6, $3  }
0x81: {  	_ =	sdelay $0x1  }
0x82: {  	s4 =	simm.s32 $0x3F00  }
0x83: {  	s3 =	simm.s32 $0x0;
	p2 =	por $0x0, $0x0;
	v4 =	vld [tilespmem:s4+$0x0];
	s4 =	sadd.s32 $0xFFFFFFFF, s10  }
0x84: {  	_ =	sdelay $0x2  }
0x85: {  	v5 =	vor.u32 s3, v0  }
0x86: {  	vm1 =	vlt.s32 v5, v3;
	v4 =	vand.u32 $0x3FF, v4  }
0x87: {  	(xrf1) =	vunique.msk.u32 vm1, v4;
	_ =	sdelay $0xd  }
0x88: {  	_, v5, vm1 =	vpop (xrf1);
	_ =	sdelay $0x1  }
0x89: {  	p1 =	seq.s32 s4, $0x1  }
.Ltmp7:
0x8a: {  	_ = 	snop;
	(pc) =	sbr.rel @p1 .LBB2_27-.Ltmp7, $3  }
0x8b: {  	_ =	sdelay $0x1  }
0x8c: {  	s5 =	simm.s32 $0x3F10;
	[tilespmem:v4+s20+$0x0] =	vst.idx.add.s32.msk vm1, v5  }
0x8d: {  	s11 =	sadd.s32 $0xFFFFFFFF, s4;
	p2 =	por $0x1, $0x1;
	s4 =	simm.s32 $0x0;
	v4 =	vld [tilespmem:s5+$0x0]  }
.LBB2_28:
0x8e: {  	p6 =	seq.s32 s11, $0x1;
	_ =	sdelay $0x1  }
0x8f: {  	s4 =	sadd.s32 $0x10, s4  }
0x90: {  	v5 =	vor.u32 s4, v0  }
0x91: {  	vm1 =	vlt.s32 v5, v3;
	v4 =	vand.u32 $0x3FF, v4  }
0x92: {  	(xrf1) =	vunique.msk.u32 vm1, v4;
	_ =	sdelay $0xd  }
0x93: {  	_, v5, vm1 =	vpop (xrf1);
	_ =	sdelay $0x2  }
.Ltmp8:
0x94: {  	(pc) =	sbr.rel @!p6 .LBB2_28-.Ltmp8, $3  }
0x95: {  	_ =	sdelay $0x1  }
0x96: {  	s5 =	sadd.s32 $0x10, s5;
	[tilespmem:v4+s20+$0x0] =	vst.idx.add.s32.msk vm1, v5  }
0x97: {  	s11 =	sadd.s32 $0xFFFFFFFF, s11;
	v4 =	vld [tilespmem:s5+$0x0]  }
.LBB2_29:
0x98: {  	_ = 	snop  }
0x99: {  	s4 =	sadd.s32 @p2 $0x10, s4  }
0x9a: {  	s3 =	smov.u32 @p2 s4  }
0x9b: {  	v5 =	vor.u32 s3, v0  }
0x9c: {  	vm1 =	vlt.s32 v5, v3;
	v4 =	vand.u32 $0x3FF, v4  }
0x9d: {  	(xrf1) =	vunique.msk.u32 vm1, v4;
	_ =	sdelay $0xd  }
0x9e: {  	_, v5, vm1 =	vpop (xrf1);
	_ =	sdelay $0x5  }
0x9f: {  	[tilespmem:v4+s20+$0x0] =	vst.idx.add.s32.msk vm1, v5  }
.LBB2_7:
0xa0: {  	s13 =	simm.s32 $0x0  }
0xa1: {  	v11 =	vld [tilespmem:s13+$0x18200];
	_ =	sdelay $0x4  }
0xa2: {  	s11 =	simm.s32 $0x10;
	(xrf0) =	vadd.scan.msk.s32 $0xffff, v11  }
0xa3: {  	v5 =	vld [tilespmem:s11+$0x18200];
	_ =	sdelay $0x2  }
0xa4: {  	s3 =	simm.s32 $0x20  }
0xa5: {  	v4 =	vld [tilespmem:s3+$0x18200]  }
0xa6: {  	v12, _, _ =	vpop (xrf0);
	(xrf0) =	vadd.scan.msk.s32 $0xffff, v5;
	_ =	sdelay $0x1  }
0xa7: {  	v6 =	vxor.u32 $0x80000000, v12  }
0xa8: {  	(xrf0) =	vmax.scan.msk.u32 $0xffff, v6  }
0xa9: {  	(xrf0) =	vadd.scan.msk.s32 $0xffff, v4  }
0xaa: {  	s12 =	simm.s32 $0x30  }
0xab: {  	v6 =	vld [tilespmem:s12+$0x18200];
	v8, _, _ =	vpop (xrf0)  }
0xac: {  	v7 =	vxor.u32 $0x80000000, v8;
	_ =	sdelay $0x1  }
0xad: {  	v9, _, _ =	vpop (xrf0)  }
0xae: {  	(xrf0) =	vmax.scan.msk.u32 $0xffff, v7;
	v7, _, _ =	vpop (xrf0)  }
0xaf: {  	(xrf0) =	vadd.scan.msk.s32 $0xffff, v6;
	v10 =	vxor.u32 $0x80000000, v7  }
0xb0: {  	(xrf0) =	vmax.scan.msk.u32 $0xffff, v10;
	_ =	sdelay $0x2  }
0xb1: {  	(v2sf) =	vpush v9, $0xF  }
0xb2: {  	v13, _, _ =	vpop (xrf0)  }
0xb3: {  	v9, _, _ =	vpop (xrf0)  }
0xb4: {  	s4 =	simm.s32 $0x40;
	(v2sf) =	vpush v13, $0xF;
	v14, _, _ =	vpop (xrf0)  }
0xb5: {  	v10 =	vld [tilespmem:s4+$0x18200];
	(v2sf) =	vpush v14, $0xF;
	_ =	sdelay $0x4  }
0xb6: {  	s26 =	simm.s32 $0x0;
	s5 =	simm.s32 $0x50;
	(xrf0) =	vadd.scan.msk.s32 $0xffff, v10  }
0xb7: {  	v15 =	vsub.s32 s26, v11;
	v11 =	vld [tilespmem:s5+$0x18200];
	v13 =	vxor.u32 $0x80000000, v9  }
0xb8: {  	s9 =	ssub.s32 $0x1F40, s9;
	(xrf0) =	vmax.scan.msk.u32 $0xffff, v13  }
0xb9: {  	s28 =	simm.s32 $0x180;
	s9 =	simm.s32 @p4 $0x0;
	v12 =	vadd.s32 v12, v15  }
.LBB2_8:
0xba: {  	s6 =	sshra.s32 s28, $0x2  }
0xbb: {  	[tilespmem:s13+$0x18600] =	vst v12;
	s13 =	smov.u32 s11;
	s11 =	smov.u32 s3;
	p2 =	seq.s32 s28, $0xFC0  }
.Ltmp9:
0xbc: {  	s28 =	sadd.s32 $0x40, s28;
	(xrf0) =	vadd.scan.msk.s32 $0xffff, v11;
	v13, _, _ =	vpop (xrf0);
	s3 =	spop (v2sf);
	(pc) =	sbr.rel @!p2 .LBB2_8-.Ltmp9, $4  }
0xbd: {  	v14 =	vmov v11;
	v15 =	vxor.u32 $0x80000000, v13;
	s26 =	sadd.s32 s3, s26;
	v11 =	vld [tilespmem:s6+$0x18200];
	s3 =	smov.u32 s12;
	s12 =	smov.u32 s4  }
0xbe: {  	s4 =	smov.u32 s5;
	s5 =	smov.u32 s6;
	(xrf0) =	vmax.scan.msk.u32 $0xffff, v15;
	v12, _, _ =	vpop (xrf0);
	s26 =	sadd.s32 $0x80000000, s26  }
0xbf: {  	(v2sf) =	vpush v12, $0xF;
	v12 =	vsub.s32 s26, v5;
	v5 =	vmovc v4;
	v4 =	vmovc v6;
	v6 =	vmov v10  }
0xc0: {  	v10 =	vmovc v14;
	v12 =	vadd.s32 v8, v12;
	v8 =	vmovc v7;
	v7 =	vmov v9;
	v9 =	vmov v13  }
0xc1: {  	_ = 	snop  }
0xc2: {  	(xrf0) =	vadd.scan.msk.s32 $0xffff, v11  }
0xc3: {  	v13, _, _ =	vpop (xrf0)  }
0xc4: {  	v14 =	vxor.u32 $0x80000000, v13  }
0xc5: {  	(xrf0) =	vmax.scan.msk.u32 $0xffff, v14;
	_ =	sdelay $0x1  }
0xc6: {  	v61, _, _ =	vpop (xrf0)  }
0xc7: {  	v15, _, _ =	vpop (xrf0)  }
0xc8: {  	v16 =	vxor.u32 $0x80000000, v15  }
0xc9: {  	(v2sf) =	vpush v61, $0xF;
	(xrf0) =	vmax.scan.msk.u32 $0xffff, v16  }
0xca: {  	v62, _, _ =	vpop (xrf0)  }
0xcb: {  	(v2sf) =	vpush v62, $0xF;
	_ =	sdelay $0x3  }
0xcc: {  	v63, _, _ =	vpop (xrf0)  }
0xcd: {  	(v2sf) =	vpush v63, $0xF;
	_ =	sdelay $0x1  }
0xce: {  	s6 =	spop (v2sf)  }
0xcf: {  	s6 =	sadd.s32 s6, s26  }
0xd0: {  	s28 =	spop (v2sf);
	s6 =	sadd.s32 $0x80000000, s6  }
0xd1: {  	s26 =	sadd.s32 s28, s6  }
0xd2: {  	s26 =	sadd.s32 $0x80000000, s26;
	s28 =	spop (v2sf)  }
0xd3: {  	s28 =	sadd.s32 s28, s26  }
0xd4: {  	s28 =	sadd.s32 $0x80000000, s28;
	s7 =	spop (v2sf)  }
0xd5: {  	v5 =	vsub.s32 s6, v5;
	s7 =	sadd.s32 s7, s28  }
0xd6: {  	[tilespmem:s13+$0x18600] =	vst v12;
	v5 =	vadd.s32 v8, v5;
	v4 =	vsub.s32 s26, v4;
	s6 =	sadd.s32 $0x80000000, s7;
	s13 =	spop (v2sf)  }
.Ltmp10:
0xd7: {  	[tilespmem:s11+$0x18600] =	vst v5;
	v4 =	vadd.s32 v7, v4;
	v5 =	vsub.s32 s28, v6;
	s7 =	sadd.s32 s13, s6;
	(pc) =	sbr.rel @!p5 .LBB2_10-.Ltmp10, $4  }
0xd8: {  	[tilespmem:s3+$0x18600] =	vst v4;
	v4 =	vadd.s32 v9, v5;
	v5 =	vsub.s32 s6, v10;
	s26 =	sadd.s32 $0x80000000, s7  }
0xd9: {  	[tilespmem:s12+$0x18600] =	vst v4;
	v4 =	vadd.s32 v13, v5;
	v5 =	vsub.s32 s26, v11  }
0xda: {  	[tilespmem:s4+$0x18600] =	vst v4;
	v4 =	vadd.s32 v15, v5  }
0xdb: {  	[tilespmem:s5+$0x18600] =	vst v4;
	s28 =	spop (v2sf)  }
0xdc: {  	p1 =	seq.s32 s10, $0x1  }
.Ltmp11:
0xdd: {  	_ = 	snop;
	(pc) =	sbr.rel @p1 .LBB2_31-.Ltmp11, $4  }
0xde: {  	_ = 	snop  }
0xdf: {  	s5 =	simm.s32 $0x3F00  }
0xe0: {  	s4 =	simm.s32 $0x5E80;
	v4 =	vld [tilespmem:s5+$0x0]  }
0xe1: {  	s3 =	simm.s32 $0x0;
	p2 =	por $0x0, $0x0;
	v5 =	vld [tilespmem:s4+$0x0];
	s5 =	sadd.s32 $0xFFFFFFFF, s10  }
0xe2: {  	_ =	sdelay $0x1  }
0xe3: {  	v6 =	vor.u32 s3, v0  }
0xe4: {  	vm1 =	vlt.s32 v6, v3;
	v6 =	vand.u32 $0x3FF, v4  }
0xe5: {  	(xrf1) =	vunique.msk.u32 vm1, v6;
	_ =	sdelay $0x9  }
0xe6: {  	v7 =	vld.idx.msk [tilespmem:v6+s21+$0x0], $0xffff;
	_ =	sdelay $0x3  }
0xe7: {  	_, v8, vm2 =	vpop (xrf1)  }
0xe8: {  	v7 =	vadd.s32 v8, v7  }
0xe9: {  	v7 =	vadd.s32 $0xFFFFFFFF, v7;
	_ =	sdelay $0x4  }
0xea: {  	p1 =	seq.s32 s5, $0x1;
	[tilespmem:v7+s22+$0x0] =	vst.idx.msk vm1, v4  }
.Ltmp12:
0xeb: {  	[tilespmem:v7+s23+$0x0] =	vst.idx.msk vm1, v5;
	(pc) =	sbr.rel @p1 .LBB2_33-.Ltmp12, $4  }
0xec: {  	s4 =	simm.s32 $0x3F10;
	[tilespmem:v6+s21+$0x0] =	vst.idx.add.s32.msk vm2, v8  }
0xed: {  	v4 =	vld [tilespmem:s4+$0x0]  }
0xee: {  	s11 =	simm.s32 $0x5E90  }
0xef: {  	s12 =	sadd.s32 $0xFFFFFFFF, s5;
	p2 =	por $0x1, $0x1;
	s5 =	simm.s32 $0x0;
	v5 =	vld [tilespmem:s11+$0x0]  }
.LBB2_34:
0xf0: {  	p6 =	seq.s32 s12, $0x1;
	s5 =	sadd.s32 $0x10, s5  }
0xf1: {  	v6 =	vor.u32 s5, v0  }
0xf2: {  	vm1 =	vlt.s32 v6, v3;
	v6 =	vand.u32 $0x3FF, v4  }
0xf3: {  	(xrf1) =	vunique.msk.u32 vm1, v6;
	_ =	sdelay $0x8  }
0xf4: {  	v7 =	vld.idx.msk [tilespmem:v6+s21+$0x0], $0xffff;
	_ =	sdelay $0x4  }
0xf5: {  	_, v8, vm2 =	vpop (xrf1)  }
0xf6: {  	v7 =	vadd.s32 v8, v7  }
0xf7: {  	v7 =	vadd.s32 $0xFFFFFFFF, v7;
	_ =	sdelay $0x4  }
0xf8: {  	[tilespmem:v7+s22+$0x0] =	vst.idx.msk vm1, v4  }
.Ltmp13:
0xf9: {  	[tilespmem:v7+s23+$0x0] =	vst.idx.msk vm1, v5;
	(pc) =	sbr.rel @!p6 .LBB2_34-.Ltmp13, $4  }
0xfa: {  	s4 =	sadd.s32 $0x10, s4;
	[tilespmem:v6+s21+$0x0] =	vst.idx.add.s32.msk vm2, v8  }
0xfb: {  	s11 =	sadd.s32 $0x10, s11;
	v4 =	vld [tilespmem:s4+$0x0]  }
0xfc: {  	v5 =	vld [tilespmem:s11+$0x0]  }
0xfd: {  	s12 =	sadd.s32 $0xFFFFFFFF, s12  }
.LBB2_35:
0xfe: {  	s4 =	sadd.s32 @p2 $0x10, s5  }
0xff: {  	s3 =	smov.u32 @p2 s4  }
0x100: {  	v6 =	vor.u32 s3, v0  }
0x101: {  	v63 =	vand.u32 $0x3FF, v4;
	vm1 =	vlt.s32 v6, v3  }
0x102: {  	(xrf1) =	vunique.msk.u32 vm1, v63;
	_ =	sdelay $0x9  }
0x103: {  	v7 =	vld.idx.msk [tilespmem:v63+s21+$0x0], $0xffff;
	_ =	sdelay $0x3  }
0x104: {  	_, v8, vm2 =	vpop (xrf1)  }
0x105: {  	v7 =	vadd.s32 v8, v7  }
0x106: {  	v7 =	vadd.s32 $0xFFFFFFFF, v7;
	_ =	sdelay $0x4  }
0x107: {  	[tilespmem:v7+s22+$0x0] =	vst.idx.msk vm1, v4  }
0x108: {  	[tilespmem:v7+s23+$0x0] =	vst.idx.msk vm1, v5  }
0x109: {  	[tilespmem:v63+s21+$0x0] =	vst.idx.add.s32.msk vm2, v8  }
.LBB2_10:
0x10a: {  	s3 =	simm.s32 $0x18220  }
0x10b: {  	[tilespmem:s3+$0xFFFFFFE0] =	vst v1  }
0x10c: {  	[tilespmem:s3+$0x10] =	vst v1  }
0x10d: {  	s4 =	simm.s32 $0x0;
	[tilespmem:s3+$0x0] =	vst v1  }
.LBB2_11:
0x10e: {  	s4 =	sadd.s32 $0x40, s4  }
0x10f: {  	[tilespmem:s3+$0xFFFFFFF0] =	vst v1;
	s3 =	sadd.s32 $0x40, s3;
	p1 =	slt.u32 s4, $0x3C0  }
.Ltmp14:
0x110: {  	[tilespmem:s3+$0xFFFFFFE0] =	vst v1;
	(pc) =	sbr.rel @p1 .LBB2_11-.Ltmp14, $3  }
0x111: {  	_ =	sdelay $0x1  }
0x112: {  	[tilespmem:s3+$0x10] =	vst v1  }
0x113: {  	[tilespmem:s3+$0x0] =	vst v1  }
.Ltmp15:
0x114: {  	(pc) =	sbr.rel @!p5 .LBB2_13-.Ltmp15, $2  }
0x115: {  	_ =	sdelay $0x2  }
0x116: {  	[tilespmem:s3+$0xFFFFFFF0] =	vst v1  }
0x117: {  	p1 =	seq.s32 s10, $0x1  }
.Ltmp16:
0x118: {  	_ = 	snop;
	(pc) =	sbr.rel @p1 .LBB2_37-.Ltmp16, $3  }
0x119: {  	_ =	sdelay $0x1  }
0x11a: {  	s4 =	simm.s32 $0x7E00  }
0x11b: {  	s3 =	simm.s32 $0x0;
	p2 =	por $0x0, $0x0;
	v4 =	vld [tilespmem:s4+$0x0];
	s4 =	sadd.s32 $0xFFFFFFFF, s10  }
0x11c: {  	_ =	sdelay $0x3  }
0x11d: {  	v5 =	vor.u32 s3, v0;
	v4 =	vshrl.u32 v4, $0xA  }
0x11e: {  	vm1 =	vlt.s32 v5, v3;
	v4 =	vand.u32 $0x3FF, v4  }
0x11f: {  	(xrf1) =	vunique.msk.u32 vm1, v4;
	_ =	sdelay $0xd  }
0x120: {  	_, v5, vm1 =	vpop (xrf1);
	_ =	sdelay $0x1  }
0x121: {  	p1 =	seq.s32 s4, $0x1  }
.Ltmp17:
0x122: {  	_ = 	snop;
	(pc) =	sbr.rel @p1 .LBB2_39-.Ltmp17, $3  }
0x123: {  	_ =	sdelay $0x1  }
0x124: {  	s5 =	simm.s32 $0x7E10;
	[tilespmem:v4+s20+$0x0] =	vst.idx.add.s32.msk vm1, v5  }
0x125: {  	s11 =	sadd.s32 $0xFFFFFFFF, s4;
	p2 =	por $0x1, $0x1;
	s4 =	simm.s32 $0x0;
	v4 =	vld [tilespmem:s5+$0x0]  }
.LBB2_40:
0x126: {  	p6 =	seq.s32 s11, $0x1;
	_ =	sdelay $0x2  }
0x127: {  	s4 =	sadd.s32 $0x10, s4  }
0x128: {  	v5 =	vor.u32 s4, v0;
	v4 =	vshrl.u32 v4, $0xA  }
0x129: {  	vm1 =	vlt.s32 v5, v3;
	v4 =	vand.u32 $0x3FF, v4  }
0x12a: {  	(xrf1) =	vunique.msk.u32 vm1, v4;
	_ =	sdelay $0xd  }
0x12b: {  	_, v5, vm1 =	vpop (xrf1);
	_ =	sdelay $0x2  }
.Ltmp18:
0x12c: {  	(pc) =	sbr.rel @!p6 .LBB2_40-.Ltmp18, $3  }
0x12d: {  	_ =	sdelay $0x1  }
0x12e: {  	s5 =	sadd.s32 $0x10, s5;
	[tilespmem:v4+s20+$0x0] =	vst.idx.add.s32.msk vm1, v5  }
0x12f: {  	s11 =	sadd.s32 $0xFFFFFFFF, s11;
	v4 =	vld [tilespmem:s5+$0x0]  }
.LBB2_41:
0x130: {  	_ =	sdelay $0x1  }
0x131: {  	s4 =	sadd.s32 @p2 $0x10, s4  }
0x132: {  	s3 =	smov.u32 @p2 s4  }
0x133: {  	v5 =	vor.u32 s3, v0;
	v4 =	vshrl.u32 v4, $0xA  }
0x134: {  	vm1 =	vlt.s32 v5, v3;
	v4 =	vand.u32 $0x3FF, v4  }
0x135: {  	(xrf1) =	vunique.msk.u32 vm1, v4;
	_ =	sdelay $0xd  }
0x136: {  	_, v5, vm1 =	vpop (xrf1);
	_ =	sdelay $0x5  }
0x137: {  	[tilespmem:v4+s20+$0x0] =	vst.idx.add.s32.msk vm1, v5  }
.LBB2_13:
0x138: {  	s13 =	simm.s32 $0x0  }
0x139: {  	v11 =	vld [tilespmem:s13+$0x18200];
	_ =	sdelay $0x4  }
0x13a: {  	s11 =	simm.s32 $0x10;
	(xrf0) =	vadd.scan.msk.s32 $0xffff, v11  }
0x13b: {  	v5 =	vld [tilespmem:s11+$0x18200];
	_ =	sdelay $0x2  }
0x13c: {  	s3 =	simm.s32 $0x20  }
0x13d: {  	v4 =	vld [tilespmem:s3+$0x18200]  }
0x13e: {  	v12, _, _ =	vpop (xrf0);
	(xrf0) =	vadd.scan.msk.s32 $0xffff, v5;
	_ =	sdelay $0x1  }
0x13f: {  	v6 =	vxor.u32 $0x80000000, v12  }
0x140: {  	(xrf0) =	vmax.scan.msk.u32 $0xffff, v6  }
0x141: {  	(xrf0) =	vadd.scan.msk.s32 $0xffff, v4  }
0x142: {  	s12 =	simm.s32 $0x30  }
0x143: {  	v6 =	vld [tilespmem:s12+$0x18200];
	v8, _, _ =	vpop (xrf0)  }
0x144: {  	v7 =	vxor.u32 $0x80000000, v8;
	_ =	sdelay $0x1  }
0x145: {  	v9, _, _ =	vpop (xrf0)  }
0x146: {  	(xrf0) =	vmax.scan.msk.u32 $0xffff, v7;
	v7, _, _ =	vpop (xrf0)  }
0x147: {  	(xrf0) =	vadd.scan.msk.s32 $0xffff, v6;
	v10 =	vxor.u32 $0x80000000, v7  }
0x148: {  	(xrf0) =	vmax.scan.msk.u32 $0xffff, v10;
	_ =	sdelay $0x2  }
0x149: {  	(v2sf) =	vpush v9, $0xF  }
0x14a: {  	v13, _, _ =	vpop (xrf0)  }
0x14b: {  	v9, _, _ =	vpop (xrf0)  }
0x14c: {  	s4 =	simm.s32 $0x40;
	(v2sf) =	vpush v13, $0xF;
	v14, _, _ =	vpop (xrf0)  }
0x14d: {  	v10 =	vld [tilespmem:s4+$0x18200];
	(v2sf) =	vpush v14, $0xF;
	_ =	sdelay $0x4  }
0x14e: {  	s26 =	simm.s32 $0x0;
	s5 =	simm.s32 $0x50;
	(xrf0) =	vadd.scan.msk.s32 $0xffff, v10  }
0x14f: {  	v15 =	vsub.s32 s26, v11;
	v11 =	vld [tilespmem:s5+$0x18200];
	v13 =	vxor.u32 $0x80000000, v9  }
0x150: {  	(xrf0) =	vmax.scan.msk.u32 $0xffff, v13  }
0x151: {  	s28 =	simm.s32 $0x180;
	v12 =	vadd.s32 v12, v15  }
.LBB2_14:
0x152: {  	s6 =	sshra.s32 s28, $0x2  }
0x153: {  	[tilespmem:s13+$0x18600] =	vst v12;
	s13 =	smov.u32 s11;
	s11 =	smov.u32 s3;
	p2 =	seq.s32 s28, $0xFC0  }
.Ltmp19:
0x154: {  	s28 =	sadd.s32 $0x40, s28;
	(xrf0) =	vadd.scan.msk.s32 $0xffff, v11;
	v13, _, _ =	vpop (xrf0);
	s3 =	spop (v2sf);
	(pc) =	sbr.rel @!p2 .LBB2_14-.Ltmp19, $4  }
0x155: {  	v14 =	vmov v11;
	v15 =	vxor.u32 $0x80000000, v13;
	s7 =	sadd.s32 s3, s26;
	v11 =	vld [tilespmem:s6+$0x18200];
	s3 =	smov.u32 s12;
	s12 =	smov.u32 s4  }
0x156: {  	s4 =	smov.u32 s5;
	s5 =	smov.u32 s6;
	(xrf0) =	vmax.scan.msk.u32 $0xffff, v15;
	v12, _, _ =	vpop (xrf0);
	s26 =	sadd.s32 $0x80000000, s7  }
0x157: {  	(v2sf) =	vpush v12, $0xF;
	v12 =	vsub.s32 s26, v5;
	v5 =	vmovc v4;
	v4 =	vmovc v6;
	v6 =	vmov v10  }
0x158: {  	v10 =	vmovc v14;
	v12 =	vadd.s32 v8, v12;
	v8 =	vmovc v7;
	v7 =	vmov v9;
	v9 =	vmov v13  }
0x159: {  	_ = 	snop  }
0x15a: {  	(xrf0) =	vadd.scan.msk.s32 $0xffff, v11  }
0x15b: {  	v13, _, _ =	vpop (xrf0)  }
0x15c: {  	v14 =	vxor.u32 $0x80000000, v13  }
0x15d: {  	(xrf0) =	vmax.scan.msk.u32 $0xffff, v14;
	_ =	sdelay $0x1  }
0x15e: {  	v61, _, _ =	vpop (xrf0)  }
0x15f: {  	v15, _, _ =	vpop (xrf0)  }
0x160: {  	v16 =	vxor.u32 $0x80000000, v15  }
0x161: {  	(v2sf) =	vpush v61, $0xF;
	(xrf0) =	vmax.scan.msk.u32 $0xffff, v16  }
0x162: {  	v62, _, _ =	vpop (xrf0)  }
0x163: {  	(v2sf) =	vpush v62, $0xF;
	_ =	sdelay $0x3  }
0x164: {  	v63, _, _ =	vpop (xrf0)  }
0x165: {  	(v2sf) =	vpush v63, $0xF;
	_ =	sdelay $0x1  }
0x166: {  	s6 =	spop (v2sf)  }
0x167: {  	s6 =	sadd.s32 s6, s26  }
0x168: {  	s7 =	spop (v2sf);
	s6 =	sadd.s32 $0x80000000, s6  }
0x169: {  	s7 =	sadd.s32 s7, s6  }
0x16a: {  	s7 =	sadd.s32 $0x80000000, s7;
	s28 =	spop (v2sf)  }
0x16b: {  	s26 =	sadd.s32 s28, s7  }
0x16c: {  	s26 =	sadd.s32 $0x80000000, s26;
	s28 =	spop (v2sf)  }
0x16d: {  	v5 =	vsub.s32 s6, v5;
	s28 =	sadd.s32 s28, s26  }
0x16e: {  	[tilespmem:s13+$0x18600] =	vst v12;
	v5 =	vadd.s32 v8, v5;
	v4 =	vsub.s32 s7, v4;
	s6 =	sadd.s32 $0x80000000, s28;
	s13 =	spop (v2sf)  }
.Ltmp20:
0x16f: {  	[tilespmem:s11+$0x18600] =	vst v5;
	v4 =	vadd.s32 v7, v4;
	v5 =	vsub.s32 s26, v6;
	s7 =	sadd.s32 s13, s6;
	(pc) =	sbr.rel @!p5 .LBB2_16-.Ltmp20, $4  }
0x170: {  	[tilespmem:s3+$0x18600] =	vst v4;
	v4 =	vadd.s32 v9, v5;
	v5 =	vsub.s32 s6, v10;
	s26 =	sadd.s32 $0x80000000, s7  }
0x171: {  	[tilespmem:s12+$0x18600] =	vst v4;
	v4 =	vadd.s32 v13, v5;
	v5 =	vsub.s32 s26, v11  }
0x172: {  	[tilespmem:s4+$0x18600] =	vst v4;
	v4 =	vadd.s32 v15, v5  }
0x173: {  	[tilespmem:s5+$0x18600] =	vst v4;
	s28 =	spop (v2sf)  }
0x174: {  	p1 =	seq.s32 s10, $0x1  }
.Ltmp21:
0x175: {  	_ = 	snop;
	(pc) =	sbr.rel @p1 .LBB2_43-.Ltmp21, $4  }
0x176: {  	_ = 	snop  }
0x177: {  	s5 =	simm.s32 $0x7E00  }
0x178: {  	s4 =	simm.s32 $0x9D80;
	v4 =	vld [tilespmem:s5+$0x0]  }
0x179: {  	s3 =	simm.s32 $0x0;
	p2 =	por $0x0, $0x0;
	v5 =	vld [tilespmem:s4+$0x0];
	s5 =	sadd.s32 $0xFFFFFFFF, s10  }
0x17a: {  	_ =	sdelay $0x2  }
0x17b: {  	v6 =	vor.u32 s3, v0;
	v7 =	vshrl.u32 v4, $0xA  }
0x17c: {  	vm1 =	vlt.s32 v6, v3;
	v6 =	vand.u32 $0x3FF, v7  }
0x17d: {  	(xrf1) =	vunique.msk.u32 vm1, v6;
	_ =	sdelay $0x9  }
0x17e: {  	v7 =	vld.idx.msk [tilespmem:v6+s21+$0x0], $0xffff;
	_ =	sdelay $0x3  }
0x17f: {  	_, v8, vm2 =	vpop (xrf1)  }
0x180: {  	v7 =	vadd.s32 v8, v7  }
0x181: {  	v7 =	vadd.s32 $0xFFFFFFFF, v7;
	_ =	sdelay $0x4  }
0x182: {  	p1 =	seq.s32 s5, $0x1;
	[tilespmem:v7+s24+$0x0] =	vst.idx.msk vm1, v4  }
.Ltmp22:
0x183: {  	[tilespmem:v7+s25+$0x0] =	vst.idx.msk vm1, v5;
	(pc) =	sbr.rel @p1 .LBB2_45-.Ltmp22, $4  }
0x184: {  	s4 =	simm.s32 $0x7E10;
	[tilespmem:v6+s21+$0x0] =	vst.idx.add.s32.msk vm2, v8  }
0x185: {  	v4 =	vld [tilespmem:s4+$0x0]  }
0x186: {  	s11 =	simm.s32 $0x9D90  }
0x187: {  	s12 =	sadd.s32 $0xFFFFFFFF, s5;
	p2 =	por $0x1, $0x1;
	s5 =	simm.s32 $0x0;
	v5 =	vld [tilespmem:s11+$0x0]  }
.LBB2_46:
0x188: {  	p6 =	seq.s32 s12, $0x1  }
0x189: {  	s5 =	sadd.s32 $0x10, s5  }
0x18a: {  	v6 =	vor.u32 s5, v0;
	v7 =	vshrl.u32 v4, $0xA  }
0x18b: {  	vm1 =	vlt.s32 v6, v3;
	v6 =	vand.u32 $0x3FF, v7  }
0x18c: {  	(xrf1) =	vunique.msk.u32 vm1, v6;
	_ =	sdelay $0x8  }
0x18d: {  	v7 =	vld.idx.msk [tilespmem:v6+s21+$0x0], $0xffff;
	_ =	sdelay $0x4  }
0x18e: {  	_, v8, vm2 =	vpop (xrf1)  }
0x18f: {  	v7 =	vadd.s32 v8, v7  }
0x190: {  	v7 =	vadd.s32 $0xFFFFFFFF, v7;
	_ =	sdelay $0x4  }
0x191: {  	[tilespmem:v7+s24+$0x0] =	vst.idx.msk vm1, v4  }
.Ltmp23:
0x192: {  	[tilespmem:v7+s25+$0x0] =	vst.idx.msk vm1, v5;
	(pc) =	sbr.rel @!p6 .LBB2_46-.Ltmp23, $4  }
0x193: {  	s4 =	sadd.s32 $0x10, s4;
	[tilespmem:v6+s21+$0x0] =	vst.idx.add.s32.msk vm2, v8  }
0x194: {  	s11 =	sadd.s32 $0x10, s11;
	v4 =	vld [tilespmem:s4+$0x0]  }
0x195: {  	v5 =	vld [tilespmem:s11+$0x0]  }
0x196: {  	s12 =	sadd.s32 $0xFFFFFFFF, s12  }
.LBB2_47:
0x197: {  	s4 =	sadd.s32 @p2 $0x10, s5  }
0x198: {  	s3 =	smov.u32 @p2 s4  }
0x199: {  	v6 =	vor.u32 s3, v0;
	v7 =	vshrl.u32 v4, $0xA  }
0x19a: {  	vm1 =	vlt.s32 v6, v3;
	v63 =	vand.u32 $0x3FF, v7  }
0x19b: {  	(xrf1) =	vunique.msk.u32 vm1, v63;
	_ =	sdelay $0x9  }
0x19c: {  	v7 =	vld.idx.msk [tilespmem:v63+s21+$0x0], $0xffff;
	_ =	sdelay $0x3  }
0x19d: {  	_, v8, vm2 =	vpop (xrf1)  }
0x19e: {  	v7 =	vadd.s32 v8, v7  }
0x19f: {  	v7 =	vadd.s32 $0xFFFFFFFF, v7;
	_ =	sdelay $0x4  }
0x1a0: {  	[tilespmem:v7+s24+$0x0] =	vst.idx.msk vm1, v4  }
0x1a1: {  	[tilespmem:v7+s25+$0x0] =	vst.idx.msk vm1, v5  }
0x1a2: {  	[tilespmem:v63+s21+$0x0] =	vst.idx.add.s32.msk vm2, v8  }
.LBB2_16:
0x1a3: {  	s3 =	simm.s32 $0x18220  }
0x1a4: {  	[tilespmem:s3+$0xFFFFFFE0] =	vst v1  }
0x1a5: {  	[tilespmem:s3+$0x10] =	vst v1  }
0x1a6: {  	s4 =	simm.s32 $0x0;
	[tilespmem:s3+$0x0] =	vst v1  }
.LBB2_17:
0x1a7: {  	s4 =	sadd.s32 $0x40, s4  }
0x1a8: {  	[tilespmem:s3+$0xFFFFFFF0] =	vst v1;
	s3 =	sadd.s32 $0x40, s3;
	p1 =	slt.u32 s4, $0x3C0  }
.Ltmp24:
0x1a9: {  	[tilespmem:s3+$0xFFFFFFE0] =	vst v1;
	(pc) =	sbr.rel @p1 .LBB2_17-.Ltmp24, $3  }
0x1aa: {  	_ =	sdelay $0x1  }
0x1ab: {  	[tilespmem:s3+$0x10] =	vst v1  }
0x1ac: {  	[tilespmem:s3+$0x0] =	vst v1  }
.Ltmp25:
0x1ad: {  	(pc) =	sbr.rel @!p5 .LBB2_19-.Ltmp25, $2  }
0x1ae: {  	_ =	sdelay $0x2  }
0x1af: {  	[tilespmem:s3+$0xFFFFFFF0] =	vst v1  }
0x1b0: {  	p1 =	seq.s32 s10, $0x1  }
.Ltmp26:
0x1b1: {  	_ = 	snop;
	(pc) =	sbr.rel @p1 .LBB2_49-.Ltmp26, $3  }
0x1b2: {  	_ =	sdelay $0x1  }
0x1b3: {  	s4 =	simm.s32 $0x3F00  }
0x1b4: {  	s3 =	simm.s32 $0x0;
	p2 =	por $0x0, $0x0;
	v4 =	vld [tilespmem:s4+$0x0];
	s4 =	sadd.s32 $0xFFFFFFFF, s10  }
0x1b5: {  	_ =	sdelay $0x3  }
0x1b6: {  	v5 =	vor.u32 s3, v0;
	v4 =	vshrl.u32 v4, $0x14  }
0x1b7: {  	vm1 =	vlt.s32 v5, v3;
	v4 =	vand.u32 $0x3FF, v4  }
0x1b8: {  	(xrf1) =	vunique.msk.u32 vm1, v4;
	_ =	sdelay $0xd  }
0x1b9: {  	_, v5, vm1 =	vpop (xrf1);
	_ =	sdelay $0x1  }
0x1ba: {  	p1 =	seq.s32 s4, $0x1  }
.Ltmp27:
0x1bb: {  	_ = 	snop;
	(pc) =	sbr.rel @p1 .LBB2_51-.Ltmp27, $3  }
0x1bc: {  	_ =	sdelay $0x1  }
0x1bd: {  	s5 =	simm.s32 $0x3F10;
	[tilespmem:v4+s20+$0x0] =	vst.idx.add.s32.msk vm1, v5  }
0x1be: {  	s11 =	sadd.s32 $0xFFFFFFFF, s4;
	p2 =	por $0x1, $0x1;
	s4 =	simm.s32 $0x0;
	v4 =	vld [tilespmem:s5+$0x0]  }
.LBB2_52:
0x1bf: {  	p5 =	seq.s32 s11, $0x1;
	_ =	sdelay $0x2  }
0x1c0: {  	s4 =	sadd.s32 $0x10, s4  }
0x1c1: {  	v5 =	vor.u32 s4, v0;
	v4 =	vshrl.u32 v4, $0x14  }
0x1c2: {  	vm1 =	vlt.s32 v5, v3;
	v4 =	vand.u32 $0x3FF, v4  }
0x1c3: {  	(xrf1) =	vunique.msk.u32 vm1, v4;
	_ =	sdelay $0xd  }
0x1c4: {  	_, v5, vm1 =	vpop (xrf1);
	_ =	sdelay $0x2  }
.Ltmp28:
0x1c5: {  	(pc) =	sbr.rel @!p5 .LBB2_52-.Ltmp28, $3  }
0x1c6: {  	_ =	sdelay $0x1  }
0x1c7: {  	s5 =	sadd.s32 $0x10, s5;
	[tilespmem:v4+s20+$0x0] =	vst.idx.add.s32.msk vm1, v5  }
0x1c8: {  	s11 =	sadd.s32 $0xFFFFFFFF, s11;
	v4 =	vld [tilespmem:s5+$0x0]  }
.LBB2_53:
0x1c9: {  	_ =	sdelay $0x1  }
0x1ca: {  	s4 =	sadd.s32 @p2 $0x10, s4  }
0x1cb: {  	s3 =	smov.u32 @p2 s4  }
0x1cc: {  	v5 =	vor.u32 s3, v0;
	v4 =	vshrl.u32 v4, $0x14  }
0x1cd: {  	vm1 =	vlt.s32 v5, v3;
	v4 =	vand.u32 $0x3FF, v4  }
0x1ce: {  	(xrf1) =	vunique.msk.u32 vm1, v4;
	_ =	sdelay $0xd  }
0x1cf: {  	_, v5, vm1 =	vpop (xrf1);
	_ =	sdelay $0x5  }
0x1d0: {  	[tilespmem:v4+s20+$0x0] =	vst.idx.add.s32.msk vm1, v5  }
.LBB2_19:
0x1d1: {  	s13 =	simm.s32 $0x0  }
0x1d2: {  	v11 =	vld [tilespmem:s13+$0x18200];
	_ =	sdelay $0x4  }
0x1d3: {  	s11 =	simm.s32 $0x10;
	(xrf0) =	vadd.scan.msk.s32 $0xffff, v11  }
0x1d4: {  	v5 =	vld [tilespmem:s11+$0x18200];
	_ =	sdelay $0x2  }
0x1d5: {  	s3 =	simm.s32 $0x20  }
0x1d6: {  	v4 =	vld [tilespmem:s3+$0x18200]  }
0x1d7: {  	v12, _, _ =	vpop (xrf0);
	(xrf0) =	vadd.scan.msk.s32 $0xffff, v5;
	_ =	sdelay $0x1  }
0x1d8: {  	v6 =	vxor.u32 $0x80000000, v12  }
0x1d9: {  	(xrf0) =	vmax.scan.msk.u32 $0xffff, v6  }
0x1da: {  	(xrf0) =	vadd.scan.msk.s32 $0xffff, v4  }
0x1db: {  	s12 =	simm.s32 $0x30  }
0x1dc: {  	v6 =	vld [tilespmem:s12+$0x18200];
	v8, _, _ =	vpop (xrf0)  }
0x1dd: {  	v7 =	vxor.u32 $0x80000000, v8;
	_ =	sdelay $0x1  }
0x1de: {  	v9, _, _ =	vpop (xrf0)  }
0x1df: {  	(xrf0) =	vmax.scan.msk.u32 $0xffff, v7;
	v7, _, _ =	vpop (xrf0)  }
0x1e0: {  	(xrf0) =	vadd.scan.msk.s32 $0xffff, v6;
	v10 =	vxor.u32 $0x80000000, v7  }
0x1e1: {  	(xrf0) =	vmax.scan.msk.u32 $0xffff, v10;
	_ =	sdelay $0x2  }
0x1e2: {  	(v2sf) =	vpush v9, $0xF  }
0x1e3: {  	v13, _, _ =	vpop (xrf0)  }
0x1e4: {  	v9, _, _ =	vpop (xrf0)  }
0x1e5: {  	s4 =	simm.s32 $0x40;
	(v2sf) =	vpush v13, $0xF;
	v14, _, _ =	vpop (xrf0)  }
0x1e6: {  	v10 =	vld [tilespmem:s4+$0x18200];
	(v2sf) =	vpush v14, $0xF;
	_ =	sdelay $0x4  }
0x1e7: {  	s26 =	simm.s32 $0x0;
	s5 =	simm.s32 $0x50;
	(xrf0) =	vadd.scan.msk.s32 $0xffff, v10  }
0x1e8: {  	v15 =	vsub.s32 s26, v11;
	v11 =	vld [tilespmem:s5+$0x18200];
	v13 =	vxor.u32 $0x80000000, v9  }
0x1e9: {  	(xrf0) =	vmax.scan.msk.u32 $0xffff, v13  }
0x1ea: {  	s28 =	simm.s32 $0x180;
	v12 =	vadd.s32 v12, v15  }
.LBB2_20:
0x1eb: {  	s6 =	sshra.s32 s28, $0x2  }
0x1ec: {  	[tilespmem:s13+$0x18600] =	vst v12;
	s13 =	smov.u32 s11;
	s11 =	smov.u32 s3;
	p2 =	seq.s32 s28, $0xFC0  }
.Ltmp29:
0x1ed: {  	s28 =	sadd.s32 $0x40, s28;
	(xrf0) =	vadd.scan.msk.s32 $0xffff, v11;
	v13, _, _ =	vpop (xrf0);
	s3 =	spop (v2sf);
	(pc) =	sbr.rel @!p2 .LBB2_20-.Ltmp29, $4  }
0x1ee: {  	v14 =	vmov v11;
	v15 =	vxor.u32 $0x80000000, v13;
	s7 =	sadd.s32 s3, s26;
	v11 =	vld [tilespmem:s6+$0x18200];
	s3 =	smov.u32 s12;
	s12 =	smov.u32 s4  }
0x1ef: {  	s4 =	smov.u32 s5;
	s5 =	smov.u32 s6;
	(xrf0) =	vmax.scan.msk.u32 $0xffff, v15;
	v12, _, _ =	vpop (xrf0);
	s26 =	sadd.s32 $0x80000000, s7  }
0x1f0: {  	(v2sf) =	vpush v12, $0xF;
	v12 =	vsub.s32 s26, v5;
	v5 =	vmovc v4;
	v4 =	vmovc v6;
	v6 =	vmov v10  }
0x1f1: {  	v10 =	vmovc v14;
	v12 =	vadd.s32 v8, v12;
	v8 =	vmovc v7;
	v7 =	vmov v9;
	v9 =	vmov v13  }
0x1f2: {  	_ = 	snop  }
0x1f3: {  	(xrf0) =	vadd.scan.msk.s32 $0xffff, v11  }
0x1f4: {  	v13, _, _ =	vpop (xrf0)  }
0x1f5: {  	v14 =	vxor.u32 $0x80000000, v13  }
0x1f6: {  	(xrf0) =	vmax.scan.msk.u32 $0xffff, v14;
	_ =	sdelay $0x1  }
0x1f7: {  	v61, _, _ =	vpop (xrf0)  }
0x1f8: {  	v15, _, _ =	vpop (xrf0)  }
0x1f9: {  	v16 =	vxor.u32 $0x80000000, v15  }
0x1fa: {  	(v2sf) =	vpush v61, $0xF;
	(xrf0) =	vmax.scan.msk.u32 $0xffff, v16  }
0x1fb: {  	v62, _, _ =	vpop (xrf0)  }
0x1fc: {  	(v2sf) =	vpush v62, $0xF;
	_ =	sdelay $0x3  }
0x1fd: {  	v63, _, _ =	vpop (xrf0)  }
0x1fe: {  	(v2sf) =	vpush v63, $0xF;
	_ =	sdelay $0x1  }
0x1ff: {  	s6 =	spop (v2sf)  }
0x200: {  	s6 =	sadd.s32 s6, s26  }
0x201: {  	s7 =	spop (v2sf);
	s6 =	sadd.s32 $0x80000000, s6  }
0x202: {  	s7 =	sadd.s32 s7, s6  }
0x203: {  	s7 =	sadd.s32 $0x80000000, s7;
	s26 =	spop (v2sf)  }
0x204: {  	s26 =	sadd.s32 s26, s7  }
0x205: {  	s26 =	sadd.s32 $0x80000000, s26;
	s28 =	spop (v2sf)  }
0x206: {  	v5 =	vsub.s32 s6, v5;
	s6 =	sadd.s32 s28, s26  }
0x207: {  	[tilespmem:s13+$0x18600] =	vst v12;
	p1 =	slt.s32 s0, $0x10;
	v5 =	vadd.s32 v8, v5;
	v4 =	vsub.s32 s7, v4;
	s6 =	sadd.s32 $0x80000000, s6;
	s13 =	spop (v2sf)  }
.Ltmp30:
0x208: {  	[tilespmem:s11+$0x18600] =	vst v5;
	v4 =	vadd.s32 v7, v4;
	v5 =	vsub.s32 s26, v6;
	s7 =	sadd.s32 s13, s6;
	(pc) =	sbr.rel @p1 .LBB2_58-.Ltmp30, $4  }
0x209: {  	[tilespmem:s3+$0x18600] =	vst v4;
	v4 =	vadd.s32 v9, v5;
	v5 =	vsub.s32 s6, v10;
	s13 =	sadd.s32 $0x80000000, s7  }
0x20a: {  	[tilespmem:s12+$0x18600] =	vst v4;
	v4 =	vadd.s32 v13, v5;
	v5 =	vsub.s32 s13, v11  }
0x20b: {  	[tilespmem:s4+$0x18600] =	vst v4;
	v4 =	vadd.s32 v15, v5  }
0x20c: {  	s28 =	simm.s32 $0x400;
	[tilespmem:s5+$0x18600] =	vst v4;
	s26 =	spop (v2sf)  }
0x20d: {  	p1 =	sne.s32 s10, $0x1  }
.Ltmp31:
0x20e: {  	_ = 	snop;
	(pc) =	sbr.rel @!p1 .LBB2_23-.Ltmp31, $4  }
0x20f: {  	_ = 	snop  }
0x210: {  	v4 =	vmov s9  }
0x211: {  	s4 =	simm.s32 $0x3F00;
	s11 =	simm.s32 $0x5E80;
	v4 =	vadd.s32 $0xFFFFFFFF, v4  }
0x212: {  	s3 =	simm.s32 $0x0;
	p2 =	por $0x0, $0x0;
	v5 =	vld [tilespmem:s4+$0x0];
	s4 =	sadd.s32 $0xFFFFFFFF, s10;
	v4 =	vbroadcast v4, $0x0  }
0x213: {  	_ =	sdelay $0x3  }
0x214: {  	v6 =	vor.u32 s3, v0;
	v5 =	vshrl.u32 v5, $0x14  }
0x215: {  	vm1 =	vlt.s32 v6, v3;
	v5 =	vand.u32 $0x3FF, v5  }
0x216: {  	(xrf1) =	vunique.msk.u32 vm1, v5;
	_ =	sdelay $0x8  }
0x217: {  	v6 =	vld.idx.msk [tilespmem:v5+s21+$0x0], $0xffff;
	_ =	sdelay $0x4  }
0x218: {  	v6 =	vadd.s32 v4, v6;
	_, v7, vm2 =	vpop (xrf1)  }
0x219: {  	v8 =	vld [tilespmem:s11+$0x0];
	v6 =	vadd.s32 v7, v6;
	_ =	sdelay $0x2  }
0x21a: {  	p1 =	sne.s32 s4, $0x1  }
.Ltmp32:
0x21b: {  	_ = 	snop;
	(pc) =	sbr.rel @!p1 .LBB2_55-.Ltmp32, $4  }
0x21c: {  	[tilespmem:v6+s23+$0x0] =	vst.idx.msk vm1, v8  }
0x21d: {  	s10 =	simm.s32 $0x3F10;
	[tilespmem:v5+s21+$0x0] =	vst.idx.add.s32.msk vm2, v7  }
0x21e: {  	s12 =	sadd.s32 $0xFFFFFFFF, s4;
	v5 =	vld [tilespmem:s10+$0x0]  }
0x21f: {  	p2 =	por $0x1, $0x1;
	s5 =	simm.s32 $0x0;
	s4 =	simm.s32 $0x5E80  }
.LBB2_56:
0x220: {  	p5 =	sne.s32 s12, $0x1;
	_ =	sdelay $0x1  }
0x221: {  	s5 =	sadd.s32 $0x10, s5  }
0x222: {  	v6 =	vor.u32 s5, v0;
	v5 =	vshrl.u32 v5, $0x14  }
0x223: {  	vm1 =	vlt.s32 v6, v3;
	v5 =	vand.u32 $0x3FF, v5  }
0x224: {  	(xrf1) =	vunique.msk.u32 vm1, v5;
	_ =	sdelay $0x7  }
0x225: {  	v6 =	vld.idx.msk [tilespmem:v5+s21+$0x0], $0xffff;
	_ =	sdelay $0x5  }
0x226: {  	s4 =	sadd.s32 $0x10, s4;
	v6 =	vadd.s32 v4, v6;
	_, v7, vm2 =	vpop (xrf1)  }
0x227: {  	v8 =	vld [tilespmem:s4+$0x0];
	v6 =	vadd.s32 v7, v6;
	_ =	sdelay $0x3  }
.Ltmp33:
0x228: {  	(pc) =	sbr.rel @p5 .LBB2_56-.Ltmp33, $4  }
0x229: {  	[tilespmem:v6+s23+$0x0] =	vst.idx.msk vm1, v8  }
0x22a: {  	s10 =	sadd.s32 $0x10, s10;
	[tilespmem:v5+s21+$0x0] =	vst.idx.add.s32.msk vm2, v7  }
0x22b: {  	v5 =	vld [tilespmem:s10+$0x0]  }
0x22c: {  	s12 =	sadd.s32 $0xFFFFFFFF, s12  }
.LBB2_57:
0x22d: {  	_ = 	snop  }
0x22e: {  	s5 =	sadd.s32 @p2 $0x10, s5  }
0x22f: {  	s3 =	smov.u32 @p2 s5  }
0x230: {  	v6 =	vor.u32 s3, v0;
	v5 =	vshrl.u32 v5, $0x14  }
0x231: {  	vm1 =	vlt.s32 v6, v3;
	v3 =	vand.u32 $0x3FF, v5  }
0x232: {  	(xrf1) =	vunique.msk.u32 vm1, v3;
	_ =	sdelay $0x8  }
0x233: {  	v5 =	vld.idx.msk [tilespmem:v3+s21+$0x0], $0xffff;
	_ =	sdelay $0x3  }
0x234: {  	s3 =	sadd.s32 @p2 $0x10, s4  }
0x235: {  	s11 =	smov.u32 @p2 s3;
	v4 =	vadd.s32 v4, v5;
	_, v62, vm2 =	vpop (xrf1)  }
0x236: {  	v63 =	vld [tilespmem:s11+$0x0];
	v4 =	vadd.s32 v62, v4;
	_ =	sdelay $0x4  }
0x237: {  	[tilespmem:v4+s23+$0x0] =	vst.idx.msk vm1, v63  }
0x238: {  	[tilespmem:v3+s21+$0x0] =	vst.idx.add.s32.msk vm2, v62  }
.LBB2_58:
0x239: {  	s0 =	sadd.s32 s9, s0  }
0x23a: {  	s3 =	sshra.s32 s9, $0x1F;
	s4 =	sshra.s32 s0, $0x1F  }
0x23b: {  	s3 =	sshrl.u32 s3, $0x1C;
	s4 =	sshrl.u32 s4, $0x1C  }
0x23c: {  	s3 =	sadd.s32 s3, s9;
	s0 =	sadd.s32 s4, s0  }
0x23d: {  	s5 =	sshra.s32 s3, $0x4;
	s9 =	sshra.s32 s0, $0x4  }
0x23e: {  	p1 =	sle.s32 s9, s5  }
.Ltmp34:
0x23f: {  	_ = 	snop;
	(pc) =	sbr.rel @p1 .LBB2_62-.Ltmp34, $1  }
0x240: {  	_ =	sdelay $0x3  }
0x241: {  	s0 =	sshll.u32 s5, $0x6  }
0x242: {  	s6 =	sshra.s32 s0, $0x2  }
0x243: {  	s0 =	sadd.s32 $0x9D80, s6  }
0x244: {  	v3 =	vld [tilespmem:s0+$0x0];
	_ =	sdelay $0x4  }
0x245: {  	vm1 =	vgt.s32 v3, $0x0  }
0x246: {  	v3 =	vnsel vm1, $0x0, v3  }
0x247: {  	v3 =	vmin.u32 v3, $0x1F3F  }
0x248: {  	v4 =	vshrl.u32 v3, $0x3;
	_ =	sdelay $0x4  }
0x249: {  	v5 =	vld.idx.msk [tilespmem:v4+s18+$0x0], $0xffff;
	_ =	sdelay $0x3  }
0x24a: {  	s3 =	sadd.s32 $0xC500, s6  }
0x24b: {  	[tilespmem:s3+$0x0] =	vst v5  }
0x24c: {  	v4 =	vld.idx.msk [tilespmem:v4+s19+$0x0], $0xffff;
	_ =	sdelay $0x3  }
0x24d: {  	s4 =	sadd.s32 $0xE480, s6  }
0x24e: {  	s26 =	ssub.s32 s9, s5;
	s7 =	sadd.s32 $0x10400, s6;
	[tilespmem:s4+$0x0] =	vst v4;
	v4 =	vand.u32 $0x7, v3  }
0x24f: {  	p1 =	sne.s32 s26, $0x1;
	[tilespmem:s7+$0x0] =	vst v4  }
.Ltmp35:
0x250: {  	v3 =	vld.idx.msk [tilespmem:v3+s2+$0x0], $0xffff;
	(pc) =	sbr.rel @!p1 .LBB2_61-.Ltmp35, $3  }
0x251: {  	_ =	sdelay $0x1  }
0x252: {  	s11 =	sadd.s32 $0x1F80, s6  }
0x253: {  	s5 =	sadd.s32 $0xFFFFFFFF, s26;
	s9 =	sadd.s32 $0x10, s7;
	s10 =	sadd.s32 $0x10, s11  }
.LBB2_60:
0x254: {  	[tilespmem:s11+$0x0] =	vst v3;
	s0 =	sadd.s32 $0x10, s0;
	s3 =	sadd.s32 $0x10, s3;
	s4 =	sadd.s32 $0x10, s4  }
0x255: {  	p2 =	sne.s32 s5, $0x1;
	s5 =	sadd.s32 $0xFFFFFFFF, s5;
	s11 =	smov.u32 s10;
	v3 =	vld [tilespmem:s0+$0x0]  }
0x256: {  	_ =	sdelay $0x3  }
0x257: {  	vm1 =	vgt.s32 v3, $0x0  }
0x258: {  	v3 =	vnsel vm1, $0x0, v3  }
0x259: {  	v3 =	vmin.u32 v3, $0x1F3F  }
0x25a: {  	v4 =	vshrl.u32 v3, $0x3;
	_ =	sdelay $0x4  }
0x25b: {  	v5 =	vld.idx.msk [tilespmem:v4+s18+$0x0], $0xffff;
	_ =	sdelay $0x5  }
0x25c: {  	[tilespmem:s3+$0x0] =	vst v5  }
0x25d: {  	v4 =	vld.idx.msk [tilespmem:v4+s19+$0x0], $0xffff;
	_ =	sdelay $0x5  }
0x25e: {  	[tilespmem:s4+$0x0] =	vst v4;
	v4 =	vand.u32 $0x7, v3  }
0x25f: {  	[tilespmem:s9+$0x0] =	vst v4  }
0x260: {  	v3 =	vld.idx.msk [tilespmem:v3+s2+$0x0], $0xffff  }
.Ltmp36:
0x261: {  	(pc) =	sbr.rel @p2 .LBB2_60-.Ltmp36, $2  }
0x262: {  	_ =	sdelay $0x2  }
0x263: {  	s10 =	sadd.s32 $0x10, s10;
	s9 =	sadd.s32 $0x10, s9  }
.LBB2_61:
0x264: {  	[tilespmem:s11+$0x0] =	vst v3  }
.LBB2_62:
0x265: {  	s0 =	sld [smem:$0x7FB];
	_ =	sdelay $0x2  }
0x266: {  	p1 =	seq.s32 s0, $0x1  }
.Ltmp37:
0x267: {  	_ = 	snop;
	(pc) =	sbr.rel @p1 .LBB2_67-.Ltmp37, $1  }
0x268: {  	_ =	sdelay $0x3  }
0x269: {  	s0 =	simm.s32 $0x123A0  }
0x26a: {  	[tilespmem:s0+$0xFFFFFFF0] =	vst v2  }
0x26b: {  	[tilespmem:s0+$0x0] =	vst v2  }
0x26c: {  	[tilespmem:s0+$0x10] =	vst v2  }
0x26d: {  	s5 =	simm.s32 $0x14320;
	[tilespmem:s0+$0xFFFFFFE0] =	vst v2  }
0x26e: {  	[tilespmem:s5+$0xFFFFFFF0] =	vst v1  }
0x26f: {  	[tilespmem:s5+$0x0] =	vst v1  }
0x270: {  	s9 =	simm.s32 $0x0;
	s4 =	simm.s32 $0x18A20;
	[tilespmem:s5+$0x10] =	vst v1  }
0x271: {  	s10 =	simm.s32 $0x123E0;
	s3 =	simm.s32 $0x18E20;
	s0 =	simm.s32 $0x18C20;
	[tilespmem:s5+$0xFFFFFFE0] =	vst v1  }
.LBB2_64:
0x272: {  	[tilespmem:s10+$0xFFFFFFF0] =	vst v2;
	s5 =	sadd.s32 $0x40, s5  }
0x273: {  	s9 =	sadd.s32 $0x40, s9;
	[tilespmem:s5+$0xFFFFFFF0] =	vst v1  }
0x274: {  	p1 =	slt.u32 s9, $0x1F00;
	[tilespmem:s10+$0x0] =	vst v2  }
.Ltmp38:
0x275: {  	[tilespmem:s5+$0x0] =	vst v1;
	(pc) =	sbr.rel @p1 .LBB2_64-.Ltmp38, $4  }
0x276: {  	[tilespmem:s10+$0x10] =	vst v2  }
0x277: {  	[tilespmem:s5+$0x10] =	vst v1  }
0x278: {  	[tilespmem:s10+$0xFFFFFFE0] =	vst v2  }
0x279: {  	s10 =	sadd.s32 $0x40, s10;
	[tilespmem:s5+$0xFFFFFFE0] =	vst v1  }
0x27a: {  	[tilespmem:s4+$0xFFFFFFF0] =	vst v1  }
0x27b: {  	[tilespmem:s4+$0x0] =	vst v1  }
0x27c: {  	[tilespmem:s4+$0x10] =	vst v1  }
0x27d: {  	[tilespmem:s4+$0xFFFFFFE0] =	vst v1  }
0x27e: {  	[tilespmem:s0+$0xFFFFFFF0] =	vst v1  }
0x27f: {  	[tilespmem:s0+$0x0] =	vst v1  }
0x280: {  	[tilespmem:s0+$0x10] =	vst v1  }
0x281: {  	[tilespmem:s0+$0xFFFFFFE0] =	vst v1  }
0x282: {  	[tilespmem:s3+$0xFFFFFFF0] =	vst v1  }
0x283: {  	[tilespmem:s3+$0x0] =	vst v1  }
0x284: {  	[tilespmem:s3+$0x10] =	vst v1  }
0x285: {  	s4 =	simm.s32 $0x0;
	s5 =	simm.s32 $0x18A60;
	[tilespmem:s3+$0xFFFFFFE0] =	vst v1  }
.LBB2_66:
0x286: {  	[tilespmem:s5+$0xFFFFFFF0] =	vst v1;
	s0 =	sadd.s32 $0x40, s0  }
0x287: {  	s3 =	sadd.s32 $0x40, s3;
	[tilespmem:s0+$0xFFFFFFF0] =	vst v1  }
0x288: {  	[tilespmem:s3+$0xFFFFFFF0] =	vst v1  }
0x289: {  	[tilespmem:s5+$0x0] =	vst v1  }
0x28a: {  	[tilespmem:s0+$0x0] =	vst v1  }
0x28b: {  	s4 =	sadd.s32 $0x40, s4;
	[tilespmem:s3+$0x0] =	vst v1  }
0x28c: {  	p1 =	slt.u32 s4, $0x1C0;
	[tilespmem:s5+$0x10] =	vst v1  }
.Ltmp39:
0x28d: {  	[tilespmem:s0+$0x10] =	vst v1;
	(pc) =	sbr.rel @p1 .LBB2_66-.Ltmp39, $4  }
0x28e: {  	[tilespmem:s3+$0x10] =	vst v1  }
0x28f: {  	[tilespmem:s5+$0xFFFFFFE0] =	vst v1  }
0x290: {  	[tilespmem:s0+$0xFFFFFFE0] =	vst v1  }
0x291: {  	s5 =	sadd.s32 $0x40, s5;
	[tilespmem:s3+$0xFFFFFFE0] =	vst v1  }
.LBB2_67:
0x292: {  	s0 =	simm.s32 @p0 $0x80  }
0x293: {  	s3 =	simm.s32 @p0 $0x400;
	s4 =	simm.s32 @p0 $0xC500;
	s5 =	rddreg [dreg:$0x9]  }
0x294: {  	[hbm4b:s5+s0] =	stream.strided.scatter @p0 [tilespmem:s4], [sflag:$0x2], $0x1F80, s3, s0, $0x38;
	[tilespmem:$0x19000] =	vst v63  }
0x295: {  	s4 =	simm.s32 @p0 $0x2  }
0x296: {  	_ =	swait.ge @p0 [sflag:s4], $0x1F80  }
0x297: {  	[sflag:s4] =	ssyncset.done @p0 $0x0  }
0x298: {  	s5 =	simm.s32 @p0 $0xE480;
	s6 =	rddreg [dreg:$0xa];
	[sflag:s4] =	ssyncadd.s32 @p0 $0xFFFFE080  }
0x299: {  	[hbm4b:s6+s0] =	stream.strided.scatter @p0 [tilespmem:s5], [sflag:$0x2], $0x1F80, s3, s0, $0x38;
	[tilespmem:$0x19000] =	vst v63  }
0x29a: {  	_ =	swait.ge @p0 [sflag:s4], $0x1F80  }
0x29b: {  	[sflag:s4] =	ssyncset.done @p0 $0x0  }
0x29c: {  	s5 =	simm.s32 @p0 $0x10400;
	[sflag:s4] =	ssyncadd.s32 @p0 $0xFFFFE080  }
0x29d: {  	[hbm4b:s8+s0] =	stream.strided.scatter @p0 [tilespmem:s5], [sflag:$0x2], $0x1F80, s3, s0, $0x38;
	[tilespmem:$0x19000] =	vst v63  }
0x29e: {  	_ =	swait.ge @p0 [sflag:s4], $0x1F80  }
0x29f: {  	[sflag:s4] =	ssyncset.done @p0 $0x0  }
0x2a0: {  	[sflag:s4] =	ssyncadd.s32 @p0 $0xFFFFE080;
	s4 =	simm.s32 $0x16280  }
.LBB2_68:
0x2a1: {  	[bflag:$0x0] =	sbarrier.arrive $0xFFFF  }
0x2a2: {  	s0 =	sld [smem:$0x7FC];
	_ =	sdelay $0x2  }
0x2a3: {  	p1 =	seq.s32 s0, $0x1  }
.Ltmp40:
0x2a4: {  	_ = 	snop;
	(pc) =	sbr.rel @p1 .LBB2_100-.Ltmp40, $1  }
0x2a5: {  	_ =	sdelay $0x3  }
0x2a6: {  	s0 =	sld [smem:$0x0]  }
0x2a7: {  	s3 =	rddreg [dreg:$0x9]  }
0x2a8: {  	[tilespmem:s4], [sflag:$0x2] =	stream.strided.gather [hbm4b:s3+s15], $0x1F80, s28, s15, $0x38;
	[tilespmem:$0x19000] =	vst v63  }
0x2a9: {  	p6 =	sgt.s32 s0, $0x1F3F  }
.Ltmp41:
0x2aa: {  	s26 =	sshra.s32 s0, $0x1F;
	(pc) =	sbr.rel @p6 .LBB2_83-.Ltmp41, $4  }
0x2ab: {  	s3 =	sshrl.u32 s26, $0x1C  }
0x2ac: {  	_ =	swait.ge [sflag:s17], $0x1F80;
	s3 =	sadd.s32 s3, s0  }
0x2ad: {  	[sflag:s17] =	ssyncset.done $0x0;
	s9 =	sshra.s32 s3, $0x4  }
0x2ae: {  	v3 =	vmov s0;
	[sflag:s17] =	ssyncadd.s32 $0xFFFFE080;
	p5 =	sgt.s32 s9, $0x1F3  }
0x2af: {  	s3 =	smov.u32 s9  }
0x2b0: {  	s3 =	simm.s32 @!p5 $0x1F3  }
0x2b1: {  	s3 =	ssub.s32 s3, s9  }
0x2b2: {  	s5 =	sadd.s32 $0x1, s3  }
0x2b3: {  	p1 =	sne.s32 s5, $0x1  }
.Ltmp42:
0x2b4: {  	s4 =	sshll.u32 s9, $0x6;
	(pc) =	sbr.rel @!p1 .LBB2_71-.Ltmp42, $4  }
0x2b5: {  	s11 =	sshra.s32 s4, $0x2  }
0x2b6: {  	s12 =	sadd.s32 $0xC500, s11  }
0x2b7: {  	s16 =	simm.s32 $0x16280;
	s10 =	sshll.u32 s9, $0x4;
	s3 =	sadd.s32 $0x16280, s11;
	v5 =	vld [tilespmem:s12+$0x0]  }
0x2b8: {  	p4 =	por p3, p3;
	p2 =	por $0x0, $0x0;
	v4 =	vor.u32 s10, v0;
	v6 =	vld [tilespmem:s3+$0x0];
	s4 =	sadd.s32 $0xFFFFFFFF, s5  }
0x2b9: {  	_ =	sdelay $0x1  }
0x2ba: {  	p1 =	sne.s32 s4, $0x1  }
.Ltmp43:
0x2bb: {  	vm1 =	vlt.s32 v4, v3;
	(pc) =	sbr.rel @!p1 .LBB2_73-.Ltmp43, $4  }
0x2bc: {  	v5 =	vsel vm1, v5, v6  }
0x2bd: {  	[tilespmem:s12+$0x0] =	vst v5;
	s12 =	sadd.s32 $0x10, s12  }
0x2be: {  	s26 =	sadd.s32 $0x10, s3;
	v5 =	vld [tilespmem:s12+$0x0]  }
0x2bf: {  	s28 =	sadd.s32 $0xFFFFFFFF, s4;
	p3 =	por $0x1, $0x1;
	s13 =	smov.u32 s10;
	v6 =	vld [tilespmem:s26+$0x0]  }
.LBB2_74:
0x2c0: {  	p1 =	sne.s32 s28, $0x1  }
0x2c1: {  	s13 =	sadd.s32 $0x10, s13  }
0x2c2: {  	v7 =	vor.u32 s13, v0  }
.Ltmp44:
0x2c3: {  	vm1 =	vlt.s32 v7, v3;
	(pc) =	sbr.rel @p1 .LBB2_74-.Ltmp44, $4  }
0x2c4: {  	v5 =	vsel vm1, v5, v6  }
0x2c5: {  	[tilespmem:s12+$0x0] =	vst v5;
	s12 =	sadd.s32 $0x10, s12  }
0x2c6: {  	s26 =	sadd.s32 $0x10, s26;
	v5 =	vld [tilespmem:s12+$0x0]  }
0x2c7: {  	s28 =	sadd.s32 $0xFFFFFFFF, s28;
	v6 =	vld [tilespmem:s26+$0x0]  }
0x2c8: {  	s28 =	simm.s32 $0x400  }
.LBB2_76:
0x2c9: {  	s6 =	sadd.s32 @p3 $0x10, s13;
	s7 =	smov.u32 s10  }
0x2ca: {  	s7 =	smov.u32 @p3 s6  }
0x2cb: {  	v7 =	vor.u32 s7, v0  }
0x2cc: {  	vm1 =	vlt.s32 v7, v3  }
0x2cd: {  	v5 =	vsel vm1, v5, v6  }
0x2ce: {  	s26 =	rddreg [dreg:$0xa];
	p1 =	seq.s32 s5, $0x1;
	[tilespmem:s12+$0x0] =	vst v5  }
0x2cf: {  	[tilespmem:s16], [sflag:$0x2] =	stream.strided.gather [hbm4b:s26+s15], $0x1F80, s28, s15, $0x38;
	[tilespmem:$0x19000] =	vst v63  }
.Ltmp45:
0x2d0: {  	_ =	swait.ge [sflag:s17], $0x1F80;
	(pc) =	sbr.rel @p1 .LBB2_77-.Ltmp45, $4  }
0x2d1: {  	[sflag:s17] =	ssyncset.done $0x0  }
0x2d2: {  	s11 =	sadd.s32 $0xE480, s11;
	[sflag:s17] =	ssyncadd.s32 $0xFFFFE080  }
0x2d3: {  	v5 =	vld [tilespmem:s11+$0x0]  }
0x2d4: {  	v6 =	vld [tilespmem:s3+$0x0]  }
0x2d5: {  	_ =	sdelay $0x1  }
0x2d6: {  	p1 =	seq.s32 s4, $0x1  }
.Ltmp46:
0x2d7: {  	vm1 =	vlt.s32 v4, v3;
	(pc) =	sbr.rel @p1 .LBB2_79-.Ltmp46, $4  }
0x2d8: {  	v4 =	vsel vm1, v5, v6  }
0x2d9: {  	[tilespmem:s11+$0x0] =	vst v4;
	s11 =	sadd.s32 $0x10, s11  }
0x2da: {  	s5 =	sadd.s32 $0x10, s3;
	s4 =	sadd.s32 $0xFFFFFFFF, s4;
	p2 =	por $0x1, $0x1;
	v5 =	vld [tilespmem:s11+$0x0]  }
0x2db: {  	s3 =	smov.u32 s10;
	p3 =	por p4, p4;
	s16 =	simm.s32 $0x200;
	v6 =	vld [tilespmem:s5+$0x0]  }
.LBB2_80:
0x2dc: {  	p1 =	seq.s32 s4, $0x1  }
0x2dd: {  	s3 =	sadd.s32 $0x10, s3  }
0x2de: {  	v4 =	vor.u32 s3, v0  }
.Ltmp47:
0x2df: {  	vm1 =	vlt.s32 v4, v3;
	(pc) =	sbr.rel @!p1 .LBB2_80-.Ltmp47, $4  }
0x2e0: {  	v4 =	vsel vm1, v5, v6  }
0x2e1: {  	[tilespmem:s11+$0x0] =	vst v4;
	s11 =	sadd.s32 $0x10, s11  }
0x2e2: {  	s5 =	sadd.s32 $0x10, s5;
	v5 =	vld [tilespmem:s11+$0x0]  }
0x2e3: {  	s4 =	sadd.s32 $0xFFFFFFFF, s4;
	v6 =	vld [tilespmem:s5+$0x0]  }
0x2e4: {  	s4 =	sld [smem:$0x7FD];
	_ =	sdelay $0x2  }
0x2e5: {  	p4 =	seq.s32 s4, $0x1  }
.LBB2_82:
0x2e6: {  	s3 =	sadd.s32 @p2 $0x10, s3  }
.Ltmp48:
0x2e7: {  	s10 =	smov.u32 @p2 s3;
	(pc) =	sbr.rel .LBB2_84-.Ltmp48, $4  }
0x2e8: {  	v4 =	vor.u32 s10, v0  }
0x2e9: {  	vm1 =	vlt.s32 v4, v3  }
0x2ea: {  	v4 =	vsel vm1, v5, v6  }
0x2eb: {  	s4 =	simm.s32 $0x16280;
	[tilespmem:s11+$0x0] =	vst v4  }
.LBB2_83:
0x2ec: {  	s3 =	rddreg [dreg:$0xa]  }
0x2ed: {  	[tilespmem:s4], [sflag:$0x2] =	stream.strided.gather [hbm4b:s3+s15], $0x1F80, s28, s15, $0x38;
	[tilespmem:$0x19000] =	vst v63  }
0x2ee: {  	_ =	swait.ge [sflag:s17], $0x1F80  }
0x2ef: {  	[sflag:s17] =	ssyncset.done $0x0  }
0x2f0: {  	[sflag:s17] =	ssyncadd.s32 $0xFFFFE080  }
.LBB2_84:
.Ltmp49:
0x2f1: {  	(pc) =	sbr.rel @p6 .LBB2_91-.Ltmp49, $4  }
0x2f2: {  	[tilespmem:s4], [sflag:$0x2] =	stream.strided.gather [hbm4b:s8+s15], $0x1F80, s28, s15, $0x38;
	[tilespmem:$0x19000] =	vst v63  }
0x2f3: {  	_ =	swait.ge [sflag:s17], $0x1F80  }
0x2f4: {  	[sflag:s17] =	ssyncset.done $0x0  }
0x2f5: {  	[sflag:s17] =	ssyncadd.s32 $0xFFFFE080  }
0x2f6: {  	s3 =	smov.u32 s9  }
0x2f7: {  	s3 =	simm.s32 @!p5 $0x1F3  }
0x2f8: {  	s3 =	ssub.s32 s3, s9  }
0x2f9: {  	s6 =	sadd.s32 $0x1, s3  }
0x2fa: {  	p1 =	sne.s32 s6, $0x1  }
.Ltmp50:
0x2fb: {  	s4 =	sshll.u32 s9, $0x6;
	(pc) =	sbr.rel @!p1 .LBB2_86-.Ltmp50, $4  }
0x2fc: {  	s4 =	sshra.s32 s4, $0x2  }
0x2fd: {  	s5 =	sadd.s32 $0x16280, s4  }
0x2fe: {  	s3 =	sadd.s32 $0x10400, s4;
	v5 =	vld [tilespmem:s5+$0x0]  }
0x2ff: {  	p2 =	por $0x0, $0x0;
	s4 =	sshll.u32 s9, $0x4;
	v4 =	vld [tilespmem:s3+$0x0];
	s10 =	sadd.s32 $0xFFFFFFFF, s6  }
0x300: {  	_ =	sdelay $0x1  }
0x301: {  	v6 =	vor.u32 s4, v0;
	p1 =	sne.s32 s10, $0x1  }
.Ltmp51:
0x302: {  	vm1 =	vlt.s32 v6, v3;
	(pc) =	sbr.rel @!p1 .LBB2_88-.Ltmp51, $4  }
0x303: {  	v4 =	vsel vm1, v4, v5  }
0x304: {  	[tilespmem:s3+$0x0] =	vst v4;
	s3 =	sadd.s32 $0x10, s3  }
0x305: {  	s9 =	sadd.s32 $0x10, s5;
	v4 =	vld [tilespmem:s3+$0x0]  }
0x306: {  	s10 =	sadd.s32 $0xFFFFFFFF, s10;
	p2 =	por $0x1, $0x1;
	s5 =	smov.u32 s4;
	v5 =	vld [tilespmem:s9+$0x0]  }
.LBB2_89:
0x307: {  	p1 =	sne.s32 s10, $0x1  }
0x308: {  	s5 =	sadd.s32 $0x10, s5  }
0x309: {  	v6 =	vor.u32 s5, v0  }
.Ltmp52:
0x30a: {  	vm1 =	vlt.s32 v6, v3;
	(pc) =	sbr.rel @p1 .LBB2_89-.Ltmp52, $4  }
0x30b: {  	v4 =	vsel vm1, v4, v5  }
0x30c: {  	[tilespmem:s3+$0x0] =	vst v4;
	s3 =	sadd.s32 $0x10, s3  }
0x30d: {  	s9 =	sadd.s32 $0x10, s9;
	v4 =	vld [tilespmem:s3+$0x0]  }
0x30e: {  	s10 =	sadd.s32 $0xFFFFFFFF, s10;
	v5 =	vld [tilespmem:s9+$0x0]  }
.LBB2_90:
0x30f: {  	s5 =	sadd.s32 @p2 $0x10, s5  }
0x310: {  	s4 =	smov.u32 @p2 s5  }
0x311: {  	v6 =	vor.u32 s4, v0  }
0x312: {  	vm1 =	vlt.s32 v6, v3  }
0x313: {  	v4 =	vsel vm1, v4, v5  }
0x314: {  	[tilespmem:s3+$0x0] =	vst v4  }
.LBB2_91:
0x315: {  	s0 =	sadd.s32 $0xF, s0  }
0x316: {  	p1 =	slt.s32 s0, $0x10  }
.Ltmp53:
0x317: {  	_ = 	snop;
	(pc) =	sbr.rel @p1 .LBB2_99-.Ltmp53, $1  }
0x318: {  	_ =	sdelay $0x3  }
.Ltmp54:
0x319: {  	(pc) =	sbr.rel .LBB2_93-.Ltmp54, $4  }
0x31a: {  	s3 =	sshra.s32 s0, $0x1F  }
0x31b: {  	s3 =	sshrl.u32 s3, $0x1C  }
0x31c: {  	s26 =	sadd.s32 s3, s0  }
0x31d: {  	s9 =	simm.s32 $0x0;
	s0 =	sshra.s32 s26, $0x4  }
.LBB2_98:
0x31e: {  	s9 =	sadd.s32 $0x1, s9  }
0x31f: {  	p1 =	sne.s32 s9, s0  }
.Ltmp55:
0x320: {  	_ = 	snop;
	(pc) =	sbr.rel @!p1 .LBB2_99-.Ltmp55, $1  }
0x321: {  	_ =	sdelay $0x3  }
.LBB2_93:
0x322: {  	s10 =	sshll.u32 s9, $0x4  }
0x323: {  	v4 =	vld [tilespmem:s10+$0xC500]  }
0x324: {  	v5 =	vld [tilespmem:s10+$0xE480];
	_ =	sdelay $0x3  }
0x325: {  	v8 =	vor.u32 s10, v0  }
0x326: {  	s11 =	simm.s32 $0xFFFFFFFF;
	vm1 =	vlt.s32 v8, v3;
	v6 =	vxor.u32 $0x80000000, v4;
	v7 =	vxor.u32 $0x80000000, v5  }
.LBB2_94:
0x327: {  	_ =	sdelay $0x3  }
0x328: {  	v8 =	vld.idx.msk [tilespmem:v4+s29+$0x0], $0xffff  }
0x329: {  	v9 =	vld.idx.msk [tilespmem:v5+s30+$0x0], $0xffff;
	_ =	sdelay $0x4  }
0x32a: {  	v8 =	vsub.s32 v9, v8  }
0x32b: {  	vm2 =	vlt.s32 v8, $0x1;
	v8 =	vmov s11  }
0x32c: {  	vm2 =	vmand vm1, vm2;
	vm3 =	vlt.s32 v8, v0  }
0x32d: {  	vm2 =	vmand vm3, vm2  }
0x32e: {  	v8 =	vmctz.xlane vm2;
	_ =	sdelay $0x1  }
0x32f: {  	(v2sf) =	vpush v8, $0x0;
	_ =	sdelay $0xe  }
0x330: {  	s11 =	spop (v2sf)  }
0x331: {  	p1 =	sgt.u32 s11, $0xF  }
.Ltmp56:
0x332: {  	_ = 	snop;
	(pc) =	sbr.rel @p1 .LBB2_98-.Ltmp56, $1  }
0x333: {  	_ =	sdelay $0x3  }
0x334: {  	v8 =	vbroadcast v8, $0x0;
	_ =	sdelay $0x1  }
0x335: {  	vm2 =	veq.s32 v8, v0  }
0x336: {  	v8 =	vnsel vm2, $0x7FFFFFFF, v6  }
0x337: {  	(xrf0) =	vmax.scan.msk.u32 $0xffff, v8;
	v8 =	vnsel vm2, $0x7FFFFFFF, v7  }
0x338: {  	(xrf0) =	vmax.scan.msk.u32 $0xffff, v8;
	_ =	sdelay $0x4  }
0x339: {  	v8, _, _ =	vpop (xrf0)  }
0x33a: {  	(v2sf) =	vpush v8, $0xF;
	v8, _, _ =	vpop (xrf0)  }
0x33b: {  	(v2sf) =	vpush v8, $0xF;
	_ =	sdelay $0xd  }
0x33c: {  	s4 =	simm.s32 $0x18A00;
	s3 =	spop (v2sf)  }
0x33d: {  	v10 =	vld [tilespmem:s4+$0x0];
	s5 =	spop (v2sf)  }
0x33e: {  	s6 =	simm.s32 $0x0;
	s3 =	sxor.u32 $0x80000000, s3;
	s5 =	sxor.u32 $0x80000000, s5  }
0x33f: {  	v11 =	vor.u32 s6, v0;
	v8 =	vmov s3;
	v9 =	vmov s5  }
0x340: {  	vm3 =	vge.s32 v11, v8;
	vm4 =	vle.s32 v11, v9  }
0x341: {  	vm3 =	vmand vm3, vm4  }
0x342: {  	v10 =	vsel vm3, $0x1, v10  }
0x343: {  	(xrf0) =	vadd.scan.msk.s32 $0xffff, v10;
	_ =	sdelay $0x5  }
0x344: {  	v11, _, _ =	vpop (xrf0)  }
0x345: {  	v12 =	vxor.u32 $0x80000000, v11  }
0x346: {  	(xrf0) =	vmax.scan.msk.u32 $0xffff, v12;
	_ =	sdelay $0x4  }
0x347: {  	s3 =	simm.s32 $0x18C00;
	[tilespmem:s4+$0x0] =	vst v10;
	v10 =	vsub.s32 s6, v10;
	v62 =	vadd.s32 s6, v11  }
0x348: {  	s12 =	simm.s32 $0x18E00;
	v10 =	vadd.s32 v11, v10;
	[tilespmem:s3+$0x0] =	vst v62;
	v13, _, _ =	vpop (xrf0)  }
0x349: {  	s4 =	simm.s32 $0x18A10;
	[tilespmem:s12+$0x0] =	vst v10;
	(v2sf) =	vpush v13, $0xF  }
0x34a: {  	v10 =	vld [tilespmem:s4+$0x0]  }
0x34b: {  	s13 =	simm.s32 $0x10  }
0x34c: {  	v11 =	vor.u32 s13, v0  }
0x34d: {  	vm3 =	vge.s32 v11, v8;
	vm15 =	vle.s32 v11, v9  }
0x34e: {  	vm3 =	vmand vm3, vm15  }
0x34f: {  	v10 =	vsel vm3, $0x1, v10  }
0x350: {  	(xrf0) =	vadd.scan.msk.s32 $0xffff, v10;
	_ =	sdelay $0x5  }
0x351: {  	v11, _, _ =	vpop (xrf0)  }
0x352: {  	v63 =	vxor.u32 $0x80000000, v11  }
0x353: {  	(xrf0) =	vmax.scan.msk.u32 $0xffff, v63;
	s26 =	spop (v2sf)  }
0x354: {  	s5 =	simm.s32 $0x18E10;
	s12 =	simm.s32 $0x20;
	s13 =	sadd.s32 $0x0, s26  }
.LBB2_96:
0x355: {  	s6 =	sadd.s32 $0x80000000, s13  }
0x356: {  	s3 =	sadd.s32 $0x10, s3;
	s7 =	smov.u32 s12;
	s26 =	sadd.s32 $0x10, s12  }
0x357: {  	p2 =	sne.s32 s12, $0x1F0;
	[tilespmem:s4+$0x0] =	vst v10;
	v12 =	vadd.s32 s6, v11;
	v13 =	vsub.s32 s6, v10  }
0x358: {  	[tilespmem:s3+$0x0] =	vst v12;
	v11 =	vadd.s32 v11, v13  }
0x359: {  	s4 =	sadd.s32 $0x10, s4;
	[tilespmem:s5+$0x0] =	vst v11;
	v10, _, _ =	vpop (xrf0)  }
0x35a: {  	v11 =	vld [tilespmem:s4+$0x0];
	(v2sf) =	vpush v10, $0xF;
	_ =	sdelay $0x1  }
0x35b: {  	v10 =	vor.u32 s7, v0  }
0x35c: {  	vm3 =	vge.s32 v10, v8;
	vm4 =	vle.s32 v10, v9  }
0x35d: {  	vm3 =	vmand vm3, vm4  }
0x35e: {  	v10 =	vsel vm3, $0x1, v11  }
0x35f: {  	(xrf0) =	vadd.scan.msk.s32 $0xffff, v10;
	_ =	sdelay $0x5  }
.Ltmp57:
0x360: {  	v11, _, _ =	vpop (xrf0);
	(pc) =	sbr.rel @p2 .LBB2_96-.Ltmp57, $4  }
0x361: {  	v12 =	vxor.u32 $0x80000000, v11  }
0x362: {  	(xrf0) =	vmax.scan.msk.u32 $0xffff, v12  }
0x363: {  	s7 =	spop (v2sf)  }
0x364: {  	s12 =	smov.u32 s26;
	s5 =	sadd.s32 $0x10, s5;
	s13 =	sadd.s32 s7, s6  }
0x365: {  	_ =	sdelay $0x2  }
0x366: {  	v8, _, _ =	vpop (xrf0)  }
0x367: {  	(v2sf) =	vpush v8, $0xF  }
0x368: {  	s6 =	sadd.s32 $0x80000000, s13  }
0x369: {  	s3 =	sadd.s32 $0x10, s3;
	[tilespmem:s4+$0x0] =	vst v10;
	v9 =	vsub.s32 s6, v10;
	v8 =	vadd.s32 s6, v11  }
0x36a: {  	[tilespmem:s3+$0x0] =	vst v8;
	v8 =	vadd.s32 v11, v9  }
0x36b: {  	[tilespmem:s5+$0x0] =	vst v8  }
0x36c: {  	v8 =	vld [tilespmem:s10+$0x14300];
	_ =	sdelay $0x2  }
0x36d: {  	v62 =	vld [tilespmem:s10+$0x1F80]  }
0x36e: {  	v63 =	vsel vm2, $0x1, v1  }
0x36f: {  	v8 =	vor.u32 v63, v8  }
.Ltmp58:
0x370: {  	v10 =	vcvt.s32.f32 v8;
	(pc) =	sbr.rel .LBB2_94-.Ltmp58, $4  }
0x371: {  	_ = 	snop  }
0x372: {  	v9 =	vmul.f32 v10, v62  }
0x373: {  	[tilespmem:s10+$0x14300] =	vst v8  }
0x374: {  	[tilespmem:s10+$0x12380] =	vst v9;
	s26 =	spop (v2sf)  }
.LBB2_25:
.Ltmp59:
0x375: {  	(pc) =	sbr.rel .LBB2_29-.Ltmp59, $2  }
0x376: {  	_ =	sdelay $0x2  }
0x377: {  	s4 =	simm.s32 $0x0  }
.LBB2_31:
.Ltmp60:
0x378: {  	(pc) =	sbr.rel .LBB2_35-.Ltmp60, $2  }
0x379: {  	_ =	sdelay $0x2  }
0x37a: {  	s5 =	simm.s32 $0x0  }
.LBB2_37:
.Ltmp61:
0x37b: {  	(pc) =	sbr.rel .LBB2_41-.Ltmp61, $2  }
0x37c: {  	_ =	sdelay $0x2  }
0x37d: {  	s4 =	simm.s32 $0x0  }
.LBB2_43:
.Ltmp62:
0x37e: {  	(pc) =	sbr.rel .LBB2_47-.Ltmp62, $2  }
0x37f: {  	_ =	sdelay $0x2  }
0x380: {  	s5 =	simm.s32 $0x0  }
.LBB2_49:
.Ltmp63:
0x381: {  	(pc) =	sbr.rel .LBB2_53-.Ltmp63, $2  }
0x382: {  	_ =	sdelay $0x2  }
0x383: {  	s4 =	simm.s32 $0x0  }
.LBB2_23:
.Ltmp64:
0x384: {  	(pc) =	sbr.rel .LBB2_57-.Ltmp64, $2  }
0x385: {  	_ =	sdelay $0x2  }
0x386: {  	s5 =	simm.s32 $0x0;
	s4 =	simm.s32 $0x5E80  }
.LBB2_27:
.Ltmp65:
0x387: {  	(pc) =	sbr.rel .LBB2_29-.Ltmp65, $2  }
0x388: {  	_ =	sdelay $0x2  }
0x389: {  	s4 =	simm.s32 $0x0  }
.LBB2_33:
.Ltmp66:
0x38a: {  	(pc) =	sbr.rel .LBB2_35-.Ltmp66, $2  }
0x38b: {  	_ =	sdelay $0x2  }
0x38c: {  	s5 =	simm.s32 $0x0  }
.LBB2_39:
.Ltmp67:
0x38d: {  	(pc) =	sbr.rel .LBB2_41-.Ltmp67, $2  }
0x38e: {  	_ =	sdelay $0x2  }
0x38f: {  	s4 =	simm.s32 $0x0  }
.LBB2_45:
.Ltmp68:
0x390: {  	(pc) =	sbr.rel .LBB2_47-.Ltmp68, $2  }
0x391: {  	_ =	sdelay $0x2  }
0x392: {  	s5 =	simm.s32 $0x0  }
.LBB2_51:
.Ltmp69:
0x393: {  	(pc) =	sbr.rel .LBB2_53-.Ltmp69, $2  }
0x394: {  	_ =	sdelay $0x2  }
0x395: {  	s4 =	simm.s32 $0x0  }
.LBB2_55:
.Ltmp70:
0x396: {  	(pc) =	sbr.rel .LBB2_57-.Ltmp70, $2  }
0x397: {  	_ =	sdelay $0x2  }
0x398: {  	s5 =	simm.s32 $0x0;
	s4 =	simm.s32 $0x5E80  }
.LBB2_71:
.Ltmp71:
0x399: {  	(pc) =	sbr.rel .LBB2_76-.Ltmp71, $2  }
0x39a: {  	_ =	sdelay $0x2  }
0x39b: {  	s13 =	smov.u32 s10;
	p3 =	por $0x0, $0x0  }
.LBB2_77:
.Ltmp72:
0x39c: {  	(pc) =	sbr.rel .LBB2_82-.Ltmp72, $3  }
0x39d: {  	s4 =	sld [smem:$0x7FD];
	_ =	sdelay $0x1  }
0x39e: {  	s3 =	smov.u32 s10  }
0x39f: {  	p3 =	por p4, p4;
	s16 =	simm.s32 $0x200;
	p4 =	seq.s32 s4, $0x1  }
.LBB2_86:
.Ltmp73:
0x3a0: {  	(pc) =	sbr.rel .LBB2_90-.Ltmp73, $2  }
0x3a1: {  	_ =	sdelay $0x2  }
0x3a2: {  	s5 =	smov.u32 s4  }
.LBB2_73:
.Ltmp74:
0x3a3: {  	(pc) =	sbr.rel .LBB2_76-.Ltmp74, $2  }
0x3a4: {  	_ =	sdelay $0x2  }
0x3a5: {  	s13 =	smov.u32 s10;
	s28 =	simm.s32 $0x400  }
.LBB2_79:
.Ltmp75:
0x3a6: {  	(pc) =	sbr.rel .LBB2_82-.Ltmp75, $2  }
0x3a7: {  	s4 =	sld [smem:$0x7FD];
	_ =	sdelay $0x2  }
0x3a8: {  	s3 =	smov.u32 s10;
	p4 =	seq.s32 s4, $0x1  }
.LBB2_88:
.Ltmp76:
0x3a9: {  	(pc) =	sbr.rel .LBB2_90-.Ltmp76, $2  }
0x3aa: {  	_ =	sdelay $0x2  }
0x3ab: {  	s5 =	smov.u32 s4  }
.LBB2_101:
0x3ac: {  	_ =	sfence.sel $0x180000  }
0x3ad: {  	[bflag:$0x0] =	sbarrier.arrive $0xFFFF  }
0x3ae: {  	_ =	strace $0x90000047  }
0x3af: {  	s0 =	stileid.u32;
	[bflag:$0x2] =	sbarrier.arrive $0xFFFF  }
0x3b0: {  	p0 =	sne.s32 s0, $0x0;
	s0 =	rddreg [dreg:$0x5]  }
0x3b1: {  	s0 =	sadd.s32 @!p0 $0x100000, s0  }
0x3b2: {  	[sflag:s0] =	ssyncadd.tile.s32 @!p0 $0x1;
	_ =	shalt  }
.Lfunc_end2:
_tile_overlayer_lowered:
.L_overlay_start_2:
0x3b3: {  	(tag) =	ssettag $0x2  }
0x3b4: {  	s0 =	rddreg [dreg:$0x0];
	s2 =	stileid.u32  }
0x3b5: {  	s1 =	rddreg [dreg:$0x1];
	p0 =	sne.s32 s2, $0x0  }
0x3b6: {  	s3 =	rddreg [dreg:$0x2];
	[bflag:$0x3] =	sbarrier.arrive $0xFFFF;
	s2 =	simm.s32 @!p0 $0x1C02  }
0x3b7: {  	[timem:s3], [sflag:s2] =	dma.local @!p0 [hbm:s0], s1  }
0x3b8: {  	s0 =	simm.s32 @!p0 $0x2  }
0x3b9: {  	_ =	swait.ge @!p0 [sflag:s0], s1  }
0x3ba: {  	s1 =	ssub.s32 @!p0 $0x0, s1;
	[sflag:s0] =	ssyncset.done @!p0 $0x0  }
0x3bb: {  	[sflag:s0] =	ssyncadd.s32 @!p0 s1  }
0x3bc: {  	[bflag:$0x3] =	sbarrier.arrive $0xFFFF  }
0x3bd: {  	_ =	shalt  }

</sc_bundles>
